<compile_context>
chip_gen: v7x
topology: tpu7x:2x2x1
jax: 0.10.2.dev20260603
libtpu: 0.0.44.dev20260713+nightly
codegen_flags: <defaults>
</compile_context>

<pallas_src>
import functools

import jax
import jax.numpy as jnp
from jax import lax
from jax.experimental import pallas as pl
from jax.experimental.pallas import tpu as pltpu
from jax.experimental.pallas import tpu_sc as plsc

N_NODES = 10000
N_EDGES = 320000
D = 128

NC = 2
NS = 16
NW = NC * NS
CH = 128
NCHUNK = N_EDGES // CH
CPW = NCHUNK // NW
NEXTRA = NCHUNK - CPW * NW
PAIRS = CPW // 2
RPT = 624
TAIL = N_NODES - NS * RPT
ZR = 16

_mesh = plsc.VectorSubcoreMesh(core_axis_name="c", subcore_axis_name="s")


def _fill_zero(ref, nrows):
    zv = jnp.zeros((16,), jnp.float32)

    def fill(i, _):
        for j in range(D // 16):
            ref[i, pl.ds(j * 16, 16)] = zv
        return 0
    lax.fori_loop(0, nrows, fill, 0)


def _zero_acc(zbuf, acc, s):
    def zero_blk(k, _):
        pltpu.sync_copy(zbuf, acc.at[pl.ds(s * RPT + k * ZR, ZR)])
        return 0
    lax.fori_loop(0, RPT // ZR, zero_blk, 0)

    @pl.when(s == NS - 1)
    def _zero_tail():
        pltpu.sync_copy(zbuf, acc.at[pl.ds(NS * RPT, TAIL)])


def _writeback(acc, out_hbm, c, s):
    pltpu.sync_copy(acc.at[pl.ds(s * RPT, RPT)],
                    out_hbm.at[c, pl.ds(s * RPT, RPT)])

    @pl.when(s == NS - 1)
    def _write_tail():
        pltpu.sync_copy(acc.at[pl.ds(NS * RPT, TAIL)],
                        out_hbm.at[c, pl.ds(NS * RPT, TAIL)])


def _chunk0(wid):
    return CPW * wid + jnp.minimum(wid, NEXTRA)


def _clamp(cidx):
    return jnp.minimum(cidx, NCHUNK - 1)


@functools.partial(
    pl.kernel, mesh=_mesh,
    out_type=jax.ShapeDtypeStruct((NC, N_NODES, D), jnp.float32),
    scratch_types=[
        pltpu.VMEM((2, 1, CH), jnp.int32),
        pltpu.VMEM((2, 1, CH), jnp.int32),
        pltpu.VMEM((CH, D), jnp.float32),
        pltpu.VMEM((CH, D), jnp.float32),
        pltpu.VMEM((ZR, D), jnp.float32),
        pltpu.SemaphoreType.DMA,
        pltpu.SemaphoreType.DMA,
        pltpu.SemaphoreType.DMA,
        pltpu.SemaphoreType.DMA,
        pltpu.SemaphoreType.DMA,
        pltpu.SemaphoreType.DMA,
        pltpu.VMEM_SHARED((N_NODES, D), jnp.float32),
    ],
)
def _sc_agg(feat, src3, dst3, agg_hbm, idx_s, idx_d, rows0, rows1, zbuf,
            sg0, sg1, ss0, ss1, si0, si1, acc):
    c = lax.axis_index("c")
    s = lax.axis_index("s")
    wid = s * NC + c
    c0 = _chunk0(wid)

    _fill_zero(zbuf, ZR)
    _zero_acc(zbuf, acc, s)
    plsc.subcore_barrier()

    pltpu.sync_copy(src3.at[c0], idx_s.at[0])
    pltpu.sync_copy(dst3.at[c0], idx_d.at[0])
    pltpu.async_copy(feat.at[idx_s.at[0, 0]], rows0, sg0)

    def pair(k, _):
        cb = _clamp(c0 + 2 * k + 1)
        ca2 = _clamp(c0 + 2 * k + 2)
        pltpu.make_async_copy(feat.at[idx_s.at[0, 0]], rows0, sg0).wait()
        pltpu.async_copy(src3.at[cb], idx_s.at[1], si1)

        @pl.when(k > 0)
        def _():
            pltpu.make_async_copy(rows1, acc.at[idx_d.at[1, 0]], ss1).wait()
        pltpu.async_copy(dst3.at[cb], idx_d.at[1], si1)
        pltpu.make_async_copy(src3.at[cb], idx_s.at[1], si1).wait()
        pltpu.make_async_copy(dst3.at[cb], idx_d.at[1], si1).wait()
        pltpu.async_copy(feat.at[idx_s.at[1, 0]], rows1, sg1)
        pltpu.async_copy(rows0, acc.at[idx_d.at[0, 0]], ss0, add=True)
        pltpu.async_copy(src3.at[ca2], idx_s.at[0], si0)
        pltpu.make_async_copy(feat.at[idx_s.at[1, 0]], rows1, sg1).wait()
        pltpu.make_async_copy(rows0, acc.at[idx_d.at[0, 0]], ss0).wait()
        pltpu.async_copy(dst3.at[ca2], idx_d.at[0], si0)
        pltpu.async_copy(rows1, acc.at[idx_d.at[1, 0]], ss1, add=True)
        pltpu.make_async_copy(src3.at[ca2], idx_s.at[0], si0).wait()
        pltpu.make_async_copy(dst3.at[ca2], idx_d.at[0], si0).wait()
        pltpu.async_copy(feat.at[idx_s.at[0, 0]], rows0, sg0)
        return 0
    lax.fori_loop(0, PAIRS, pair, 0)

    pltpu.make_async_copy(feat.at[idx_s.at[0, 0]], rows0, sg0).wait()
    pltpu.make_async_copy(rows1, acc.at[idx_d.at[1, 0]], ss1).wait()

    @pl.when(wid < NEXTRA)
    def _last():
        pltpu.sync_copy(rows0, acc.at[idx_d.at[0, 0]], add=True)
    plsc.subcore_barrier()

    _writeback(acc, agg_hbm, c, s)


@functools.partial(
    pl.kernel, mesh=_mesh,
    out_type=jax.ShapeDtypeStruct((NC, N_NODES, D), jnp.float32),
    scratch_types=[
        pltpu.VMEM((2, 1, CH), jnp.int32),
        pltpu.VMEM((CH, D), jnp.float32),
        pltpu.VMEM((ZR, D), jnp.float32),
        pltpu.SemaphoreType.DMA,
        pltpu.SemaphoreType.DMA,
        pltpu.VMEM_SHARED((N_NODES, D), jnp.float32),
    ],
)
def _sc_deg(dst3, deg_hbm, idx_d, ones, zbuf, ss0, ss1, acc):
    c = lax.axis_index("c")
    s = lax.axis_index("s")
    wid = s * NC + c
    c0 = _chunk0(wid)

    zv = jnp.zeros((16,), jnp.float32)
    iota = lax.iota(jnp.int32, 16)
    onev = jnp.where(iota == 0, 1.0, 0.0).astype(jnp.float32)

    _fill_zero(zbuf, ZR)

    def fill_ones(i, _):
        ones[i, pl.ds(0, 16)] = onev
        for j in range(1, D // 16):
            ones[i, pl.ds(j * 16, 16)] = zv
        return 0
    lax.fori_loop(0, CH, fill_ones, 0)

    _zero_acc(zbuf, acc, s)
    plsc.subcore_barrier()

    pltpu.sync_copy(dst3.at[c0], idx_d.at[0])

    def pair(k, _):
        pltpu.async_copy(ones, acc.at[idx_d.at[0, 0]], ss0, add=True)

        @pl.when(k > 0)
        def _():
            pltpu.make_async_copy(ones, acc.at[idx_d.at[1, 0]], ss1).wait()
        pltpu.sync_copy(dst3.at[_clamp(c0 + 2 * k + 1)], idx_d.at[1])
        pltpu.async_copy(ones, acc.at[idx_d.at[1, 0]], ss1, add=True)
        pltpu.make_async_copy(ones, acc.at[idx_d.at[0, 0]], ss0).wait()
        pltpu.sync_copy(dst3.at[_clamp(c0 + 2 * k + 2)], idx_d.at[0])
        return 0
    lax.fori_loop(0, PAIRS, pair, 0)

    pltpu.make_async_copy(ones, acc.at[idx_d.at[1, 0]], ss1).wait()

    @pl.when(wid < NEXTRA)
    def _last():
        pltpu.sync_copy(ones, acc.at[idx_d.at[0, 0]], add=True)
    plsc.subcore_barrier()

    _writeback(acc, deg_hbm, c, s)


ROWS_BLK = 1000


def _tc_body(apply_relu, p_ref, dg_ref, x_ref, wl_ref, wr_ref, b_ref, o_ref):
    agg = p_ref[0] + p_ref[1]
    deg = dg_ref[0, :, 0:1] + dg_ref[1, :, 0:1]
    mean = agg / jnp.maximum(deg, 1.0)
    h = jnp.dot(mean, wl_ref[...], preferred_element_type=jnp.float32)
    h = h + jnp.dot(x_ref[...], wr_ref[...], preferred_element_type=jnp.float32)
    h = h + b_ref[...]
    if apply_relu:
        h = jnp.maximum(h, 0.0)
    o_ref[...] = h


def _tc_combine(p, dg, x, wl, wr, b, apply_relu):
    grid = (N_NODES // ROWS_BLK,)
    return pl.pallas_call(
        functools.partial(_tc_body, apply_relu),
        grid=grid,
        in_specs=[
            pl.BlockSpec((NC, ROWS_BLK, D), lambda i: (0, i, 0)),
            pl.BlockSpec((NC, ROWS_BLK, D), lambda i: (0, i, 0)),
            pl.BlockSpec((ROWS_BLK, D), lambda i: (i, 0)),
            pl.BlockSpec((D, D), lambda i: (0, 0)),
            pl.BlockSpec((D, D), lambda i: (0, 0)),
            pl.BlockSpec((1, D), lambda i: (0, 0)),
        ],
        out_specs=pl.BlockSpec((ROWS_BLK, D), lambda i: (i, 0)),
        out_shape=jax.ShapeDtypeStruct((N_NODES, D), jnp.float32),
    )(p, dg, x, wl, wr, b)


def kernel(x, edge_index, edge_attr, W1_l, W1_r, b1, W2_l, W2_r, b2):
    src3 = edge_index[0].astype(jnp.int32).reshape(NCHUNK, 1, CH)
    dst3 = edge_index[1].astype(jnp.int32).reshape(NCHUNK, 1, CH)
    agg1 = _sc_agg(x, src3, dst3)
    degp = _sc_deg(dst3)
    h = _tc_combine(agg1, degp, x, W1_l, W1_r, b1.reshape(1, D), True)
    agg2 = _sc_agg(h, src3, dst3)
    out = _tc_combine(agg2, degp, h, W2_l, W2_r, b2.reshape(1, D), False)
    return out

# --- scband reference (transcript-rebuilt; emitter-appended) ---
"""Pipeline reference for scband-protein-graph-sagemodel-29326036697586 (READ-ONLY COPY).

The authoritative reference and input builder live on the scoring server;
editing this copy changes nothing except your own understanding.
"""

import jax, jax.numpy as jnp
import numpy as np

N_NODES = 10000
N_EDGES = 320000
D_IN = 128
D_HID = 128

def setup_inputs(seed: int = 0) -> dict:
    key = jax.random.key(seed)
    ks = jax.random.split(key, 10)
    x = jax.random.normal(ks[0], (N_NODES, D_IN), dtype=jnp.float32)
    edge_index = jax.random.randint(ks[1], (2, N_EDGES), 0, N_NODES, dtype=jnp.int64)
    edge_attr = jax.random.normal(ks[2], (N_EDGES, 4), dtype=jnp.float32)
    s1 = 1.0 / np.sqrt(D_IN)
    s2 = 1.0 / np.sqrt(D_HID)
    W1_l = jax.random.uniform(ks[3], (D_IN, D_HID), minval=-s1, maxval=s1, dtype=jnp.float32)
    W1_r = jax.random.uniform(ks[4], (D_IN, D_HID), minval=-s1, maxval=s1, dtype=jnp.float32)
    b1 = jnp.zeros((D_HID,), dtype=jnp.float32)
    W2_l = jax.random.uniform(ks[5], (D_HID, D_HID), minval=-s2, maxval=s2, dtype=jnp.float32)
    W2_r = jax.random.uniform(ks[6], (D_HID, D_HID), minval=-s2, maxval=s2, dtype=jnp.float32)
    b2 = jnp.zeros((D_HID,), dtype=jnp.float32)
    return {"x": x, "edge_index": edge_index, "edge_attr": edge_attr,
            "W1_l": W1_l, "W1_r": W1_r, "b1": b1,
            "W2_l": W2_l, "W2_r": W2_r, "b2": b2}

def _sage_conv(x, edge_index, W_l, W_r, b):
    # PyG-style SAGEConv with mean aggregation:
    # out = lin_l(mean_{j in N(i)} x_j) + lin_r(x_i)
    src = edge_index[0]
    dst = edge_index[1]
    msg = jnp.take(x, src, axis=0)                       # gather [E, d]
    agg = jax.ops.segment_sum(msg, dst, num_segments=N_NODES)  # scatter-add
    deg = jax.ops.segment_sum(jnp.ones((msg.shape[0],), dtype=x.dtype), dst, num_segments=N_NODES)
    mean = agg / jnp.clip(deg, 1.0)[:, None]
    return mean @ W_l + b + x @ W_r

def reference(x, edge_index, edge_attr, W1_l, W1_r, b1, W2_l, W2_r, b2):
    h = _sage_conv(x, edge_index, W1_l, W1_r, b1)
    h = jax.nn.relu(h)
    # dropout is identity in eval mode
    out = _sage_conv(h, edge_index, W2_l, W2_r, b2)
    return out

if __name__ == "__main__":
    import jax
    _d = setup_inputs()
    print(jax.jit(kernel)(*tuple(_d.values())))

</pallas_src>

<mosaic_0001>
#map = affine_map<(d0, d1) -> (0, 0, 0)>
module attributes {stable_mosaic.version = 14 : i64} {
  func.func @_sc_deg(%arg0: i32, %arg1: i32, %arg2: memref<2500x1x128xi32, #tpu.memory_space<hbm>>, %arg3: memref<2x10000x128xf32, #tpu.memory_space<hbm>>, %arg4: memref<2x1x128xi32, #tpu.memory_space<vmem>>, %arg5: memref<128x128xf32, #tpu.memory_space<vmem>>, %arg6: memref<16x128xf32, #tpu.memory_space<vmem>>, %arg7: memref<!tpu.dma_semaphore, #tpu.memory_space<semaphore_mem>>, %arg8: memref<!tpu.dma_semaphore, #tpu.memory_space<semaphore_mem>>, %arg9: memref<10000x128xf32, #tpu.memory_space<vmem_shared>>) attributes {dimension_semantics = [#tpu.dimension_semantics<core_parallel>, #tpu.dimension_semantics<subcore_parallel>], iteration_bounds = array<i64: 2, 16>, scalar_prefetch = 0 : i64, scratch_operands = 6 : i64, tpu.core_type = #tpu.core_type<sc_vector_subcore>, window_params = [{transform_indices = #map}, {transform_indices = #map}]} {
    %mul3A = arith.constant 2 : i32
    %mul3A_0 = arith.muli %arg1, %mul3A : i32
    %add3A = arith.addi %mul3A_0, %arg0 : i32
    %mul3A_1 = arith.constant 78 : i32
    %mul3A_2 = arith.muli %mul3A_1, %add3A : i32
    %min3A = arith.constant 4 : i32
    %min3A_3 = arith.minsi %add3A, %min3A : i32
    %add3A_4 = arith.addi %mul3A_2, %min3A_3 : i32
    %broadcast_in_dim3A = arith.constant 0.000000e+00 : f32
    %broadcast_in_dim3A_5 = vector.broadcast %broadcast_in_dim3A : f32 to vector<16xf32>
    %iota3A = tpu.iota {dimensions = array<i32: 0>} : vector<16xi32>
    %eq3A = arith.constant 0 : i32
    %eq3A_6 = vector.broadcast %eq3A : i32 to vector<16xi32>
    %eq3A_7 = arith.cmpi eq, %iota3A, %eq3A_6 : vector<16xi32>
    %jit3A = arith.constant 1.000000e+00 : f32
    %jit3A_8 = arith.constant 0.000000e+00 : f32
    %broadcast_in_dim3A_9 = vector.broadcast %jit3A : f32 to vector<16xf32>
    %broadcast_in_dim3A_10 = vector.broadcast %jit3A_8 : f32 to vector<16xf32>
    %select_n3A = arith.select %eq3A_7, %broadcast_in_dim3A_9, %broadcast_in_dim3A_10 : vector<16xi1>, vector<16xf32>
    %broadcast_in_dim3A_11 = arith.constant 0.000000e+00 : f32
    %broadcast_in_dim3A_12 = vector.broadcast %broadcast_in_dim3A_11 : f32 to vector<16xf32>
    %scan3A = arith.constant 0 : i32
    %scan3A_13 = arith.constant 0 : i32
    %scan3A_14 = arith.constant 16 : i32
    %scan3A_15 = arith.addi %scan3A_13, %scan3A_14 : i32
    %scan3A_16 = arith.constant 1 : i32
    %scan3A_17 = scf.for %scan3A_64 = %scan3A_13 to %scan3A_15 step %scan3A_16 iter_args(%scan3A_65 = %scan3A) -> (i32)  : i32 {
      %swap3A = arith.index_cast %scan3A_64 : i32 to index
      %swap3A_66 = arith.constant 0 : index
      %swap3A_67 = tpu.vector_load %arg6[%swap3A, %swap3A_66] {strides = array<i32>} : memref<16x128xf32, #tpu.memory_space<vmem>>, vector<1x16xf32>,
      %swap3A_68 = vector.shape_cast %swap3A_67 : vector<1x16xf32> to vector<16xf32>
      %swap3A_69 = vector.shape_cast %broadcast_in_dim3A_12 : vector<16xf32> to vector<1x16xf32>
      tpu.vector_store %arg6[%swap3A, %swap3A_66], %swap3A_69 {strides = array<i32>} : memref<16x128xf32, #tpu.memory_space<vmem>>, vector<1x16xf32>,
      %swap3A_70 = arith.index_cast %scan3A_64 : i32 to index
      %swap3A_71 = arith.constant 16 : index
      %swap3A_72 = tpu.vector_load %arg6[%swap3A_70, %swap3A_71] {strides = array<i32>} : memref<16x128xf32, #tpu.memory_space<vmem>>, vector<1x16xf32>,
      %swap3A_73 = vector.shape_cast %swap3A_72 : vector<1x16xf32> to vector<16xf32>
      %swap3A_74 = vector.shape_cast %broadcast_in_dim3A_12 : vector<16xf32> to vector<1x16xf32>
      tpu.vector_store %arg6[%swap3A_70, %swap3A_71], %swap3A_74 {strides = array<i32>} : memref<16x128xf32, #tpu.memory_space<vmem>>, vector<1x16xf32>,
      %swap3A_75 = arith.index_cast %scan3A_64 : i32 to index
      %swap3A_76 = arith.constant 32 : index
      %swap3A_77 = tpu.vector_load %arg6[%swap3A_75, %swap3A_76] {strides = array<i32>} : memref<16x128xf32, #tpu.memory_space<vmem>>, vector<1x16xf32>,
      %swap3A_78 = vector.shape_cast %swap3A_77 : vector<1x16xf32> to vector<16xf32>
      %swap3A_79 = vector.shape_cast %broadcast_in_dim3A_12 : vector<16xf32> to vector<1x16xf32>
      tpu.vector_store %arg6[%swap3A_75, %swap3A_76], %swap3A_79 {strides = array<i32>} : memref<16x128xf32, #tpu.memory_space<vmem>>, vector<1x16xf32>,
      %swap3A_80 = arith.index_cast %scan3A_64 : i32 to index
      %swap3A_81 = arith.constant 48 : index
      %swap3A_82 = tpu.vector_load %arg6[%swap3A_80, %swap3A_81] {strides = array<i32>} : memref<16x128xf32, #tpu.memory_space<vmem>>, vector<1x16xf32>,
      %swap3A_83 = vector.shape_cast %swap3A_82 : vector<1x16xf32> to vector<16xf32>
      %swap3A_84 = vector.shape_cast %broadcast_in_dim3A_12 : vector<16xf32> to vector<1x16xf32>
      tpu.vector_store %arg6[%swap3A_80, %swap3A_81], %swap3A_84 {strides = array<i32>} : memref<16x128xf32, #tpu.memory_space<vmem>>, vector<1x16xf32>,
      %swap3A_85 = arith.index_cast %scan3A_64 : i32 to index
      %swap3A_86 = arith.constant 64 : index
      %swap3A_87 = tpu.vector_load %arg6[%swap3A_85, %swap3A_86] {strides = array<i32>} : memref<16x128xf32, #tpu.memory_space<vmem>>, vector<1x16xf32>,
      %swap3A_88 = vector.shape_cast %swap3A_87 : vector<1x16xf32> to vector<16xf32>
      %swap3A_89 = vector.shape_cast %broadcast_in_dim3A_12 : vector<16xf32> to vector<1x16xf32>
      tpu.vector_store %arg6[%swap3A_85, %swap3A_86], %swap3A_89 {strides = array<i32>} : memref<16x128xf32, #tpu.memory_space<vmem>>, vector<1x16xf32>,
      %swap3A_90 = arith.index_cast %scan3A_64 : i32 to index
      %swap3A_91 = arith.constant 80 : index
      %swap3A_92 = tpu.vector_load %arg6[%swap3A_90, %swap3A_91] {strides = array<i32>} : memref<16x128xf32, #tpu.memory_space<vmem>>, vector<1x16xf32>,
      %swap3A_93 = vector.shape_cast %swap3A_92 : vector<1x16xf32> to vector<16xf32>
      %swap3A_94 = vector.shape_cast %broadcast_in_dim3A_12 : vector<16xf32> to vector<1x16xf32>
      tpu.vector_store %arg6[%swap3A_90, %swap3A_91], %swap3A_94 {strides = array<i32>} : memref<16x128xf32, #tpu.memory_space<vmem>>, vector<1x16xf32>,
      %swap3A_95 = arith.index_cast %scan3A_64 : i32 to index
      %swap3A_96 = arith.constant 96 : index
      %swap3A_97 = tpu.vector_load %arg6[%swap3A_95, %swap3A_96] {strides = array<i32>} : memref<16x128xf32, #tpu.memory_space<vmem>>, vector<1x16xf32>,
      %swap3A_98 = vector.shape_cast %swap3A_97 : vector<1x16xf32> to vector<16xf32>
      %swap3A_99 = vector.shape_cast %broadcast_in_dim3A_12 : vector<16xf32> to vector<1x16xf32>
      tpu.vector_store %arg6[%swap3A_95, %swap3A_96], %swap3A_99 {strides = array<i32>} : memref<16x128xf32, #tpu.memory_space<vmem>>, vector<1x16xf32>,
      %swap3A_100 = arith.index_cast %scan3A_64 : i32 to index
      %swap3A_101 = arith.constant 112 : index
      %swap3A_102 = tpu.vector_load %arg6[%swap3A_100, %swap3A_101] {strides = array<i32>} : memref<16x128xf32, #tpu.memory_space<vmem>>, vector<1x16xf32>,
      %swap3A_103 = vector.shape_cast %swap3A_102 : vector<1x16xf32> to vector<16xf32>
      %swap3A_104 = vector.shape_cast %broadcast_in_dim3A_12 : vector<16xf32> to vector<1x16xf32>
      tpu.vector_store %arg6[%swap3A_100, %swap3A_101], %swap3A_104 {strides = array<i32>} : memref<16x128xf32, #tpu.memory_space<vmem>>, vector<1x16xf32>,
      %scan3A_105 = arith.constant 0 : i32
      scf.yield %scan3A_105 : i32
    }
    %scan3A_18 = arith.constant 16 : i32
    %scan3A_19 = arith.constant 0 : i32
    %scan3A_20 = arith.constant 0 : i32
    %scan3A_21 = arith.constant 128 : i32
    %scan3A_22 = arith.addi %scan3A_20, %scan3A_21 : i32
    %scan3A_23 = arith.constant 1 : i32
    %scan3A_24 = scf.for %scan3A_64 = %scan3A_20 to %scan3A_22 step %scan3A_23 iter_args(%scan3A_65 = %scan3A_19) -> (i32)  : i32 {
      %swap3A = arith.index_cast %scan3A_64 : i32 to index
      %swap3A_66 = arith.constant 0 : index
      %swap3A_67 = tpu.vector_load %arg5[%swap3A, %swap3A_66] {strides = array<i32>} : memref<128x128xf32, #tpu.memory_space<vmem>>, vector<1x16xf32>,
      %swap3A_68 = vector.shape_cast %swap3A_67 : vector<1x16xf32> to vector<16xf32>
      %swap3A_69 = vector.shape_cast %select_n3A : vector<16xf32> to vector<1x16xf32>
      tpu.vector_store %arg5[%swap3A, %swap3A_66], %swap3A_69 {strides = array<i32>} : memref<128x128xf32, #tpu.memory_space<vmem>>, vector<1x16xf32>,
      %swap3A_70 = arith.index_cast %scan3A_64 : i32 to index
      %swap3A_71 = arith.constant 16 : index
      %swap3A_72 = tpu.vector_load %arg5[%swap3A_70, %swap3A_71] {strides = array<i32>} : memref<128x128xf32, #tpu.memory_space<vmem>>, vector<1x16xf32>,
      %swap3A_73 = vector.shape_cast %swap3A_72 : vector<1x16xf32> to vector<16xf32>
      %swap3A_74 = vector.shape_cast %broadcast_in_dim3A_5 : vector<16xf32> to vector<1x16xf32>
      tpu.vector_store %arg5[%swap3A_70, %swap3A_71], %swap3A_74 {strides = array<i32>} : memref<128x128xf32, #tpu.memory_space<vmem>>, vector<1x16xf32>,
      %swap3A_75 = arith.index_cast %scan3A_64 : i32 to index
      %swap3A_76 = arith.constant 32 : index
      %swap3A_77 = tpu.vector_load %arg5[%swap3A_75, %swap3A_76] {strides = array<i32>} : memref<128x128xf32, #tpu.memory_space<vmem>>, vector<1x16xf32>,
      %swap3A_78 = vector.shape_cast %swap3A_77 : vector<1x16xf32> to vector<16xf32>
      %swap3A_79 = vector.shape_cast %broadcast_in_dim3A_5 : vector<16xf32> to vector<1x16xf32>
      tpu.vector_store %arg5[%swap3A_75, %swap3A_76], %swap3A_79 {strides = array<i32>} : memref<128x128xf32, #tpu.memory_space<vmem>>, vector<1x16xf32>,
      %swap3A_80 = arith.index_cast %scan3A_64 : i32 to index
      %swap3A_81 = arith.constant 48 : index
      %swap3A_82 = tpu.vector_load %arg5[%swap3A_80, %swap3A_81] {strides = array<i32>} : memref<128x128xf32, #tpu.memory_space<vmem>>, vector<1x16xf32>,
      %swap3A_83 = vector.shape_cast %swap3A_82 : vector<1x16xf32> to vector<16xf32>
      %swap3A_84 = vector.shape_cast %broadcast_in_dim3A_5 : vector<16xf32> to vector<1x16xf32>
      tpu.vector_store %arg5[%swap3A_80, %swap3A_81], %swap3A_84 {strides = array<i32>} : memref<128x128xf32, #tpu.memory_space<vmem>>, vector<1x16xf32>,
      %swap3A_85 = arith.index_cast %scan3A_64 : i32 to index
      %swap3A_86 = arith.constant 64 : index
      %swap3A_87 = tpu.vector_load %arg5[%swap3A_85, %swap3A_86] {strides = array<i32>} : memref<128x128xf32, #tpu.memory_space<vmem>>, vector<1x16xf32>,
      %swap3A_88 = vector.shape_cast %swap3A_87 : vector<1x16xf32> to vector<16xf32>
      %swap3A_89 = vector.shape_cast %broadcast_in_dim3A_5 : vector<16xf32> to vector<1x16xf32>
      tpu.vector_store %arg5[%swap3A_85, %swap3A_86], %swap3A_89 {strides = array<i32>} : memref<128x128xf32, #tpu.memory_space<vmem>>, vector<1x16xf32>,
      %swap3A_90 = arith.index_cast %scan3A_64 : i32 to index
      %swap3A_91 = arith.constant 80 : index
      %swap3A_92 = tpu.vector_load %arg5[%swap3A_90, %swap3A_91] {strides = array<i32>} : memref<128x128xf32, #tpu.memory_space<vmem>>, vector<1x16xf32>,
      %swap3A_93 = vector.shape_cast %swap3A_92 : vector<1x16xf32> to vector<16xf32>
      %swap3A_94 = vector.shape_cast %broadcast_in_dim3A_5 : vector<16xf32> to vector<1x16xf32>
      tpu.vector_store %arg5[%swap3A_90, %swap3A_91], %swap3A_94 {strides = array<i32>} : memref<128x128xf32, #tpu.memory_space<vmem>>, vector<1x16xf32>,
      %swap3A_95 = arith.index_cast %scan3A_64 : i32 to index
      %swap3A_96 = arith.constant 96 : index
      %swap3A_97 = tpu.vector_load %arg5[%swap3A_95, %swap3A_96] {strides = array<i32>} : memref<128x128xf32, #tpu.memory_space<vmem>>, vector<1x16xf32>,
      %swap3A_98 = vector.shape_cast %swap3A_97 : vector<1x16xf32> to vector<16xf32>
      %swap3A_99 = vector.shape_cast %broadcast_in_dim3A_5 : vector<16xf32> to vector<1x16xf32>
      tpu.vector_store %arg5[%swap3A_95, %swap3A_96], %swap3A_99 {strides = array<i32>} : memref<128x128xf32, #tpu.memory_space<vmem>>, vector<1x16xf32>,
      %swap3A_100 = arith.index_cast %scan3A_64 : i32 to index
      %swap3A_101 = arith.constant 112 : index
      %swap3A_102 = tpu.vector_load %arg5[%swap3A_100, %swap3A_101] {strides = array<i32>} : memref<128x128xf32, #tpu.memory_space<vmem>>, vector<1x16xf32>,
      %swap3A_103 = vector.shape_cast %swap3A_102 : vector<1x16xf32> to vector<16xf32>
      %swap3A_104 = vector.shape_cast %broadcast_in_dim3A_5 : vector<16xf32> to vector<1x16xf32>
      tpu.vector_store %arg5[%swap3A_100, %swap3A_101], %swap3A_104 {strides = array<i32>} : memref<128x128xf32, #tpu.memory_space<vmem>>, vector<1x16xf32>,
      %scan3A_105 = arith.constant 0 : i32
      scf.yield %scan3A_105 : i32
    }
    %scan3A_25 = arith.constant 128 : i32
    %scan3A_26 = arith.constant 0 : i32
    %scan3A_27 = arith.constant 0 : i32
    %scan3A_28 = arith.constant 39 : i32
    %scan3A_29 = arith.addi %scan3A_27, %scan3A_28 : i32
    %scan3A_30 = arith.constant 1 : i32
    %scan3A_31 = scf.for %scan3A_64 = %scan3A_27 to %scan3A_29 step %scan3A_30 iter_args(%scan3A_65 = %scan3A_26) -> (i32)  : i32 {
      %mul3A_66 = arith.constant 624 : i32
      %mul3A_67 = arith.muli %arg1, %mul3A_66 : i32
      %mul3A_68 = arith.constant 16 : i32
      %mul3A_69 = arith.muli %scan3A_64, %mul3A_68 : i32
      %add3A_70 = arith.addi %mul3A_67, %mul3A_69 : i32
      "tpu.region"() ({
        %run_scoped3A_72 = tpu.sem_alloc : memref<!tpu.dma_semaphore, #tpu.memory_space<semaphore_mem>>
        %dma_start3A = arith.constant 0 : i32
        %dma_start3A_73 = tpu.memref_slice %arg9[%add3A_70, %dma_start3A] : memref<10000x128xf32, #tpu.memory_space<vmem_shared>> -> memref<16x128xf32, #tpu.memory_space<vmem_shared>>
        %dma_start3A_74 = arith.constant 0 : i32
        %dma_start3A_75 = tpu.memref_slice %arg9[%add3A_70, %dma_start3A_74] : memref<10000x128xf32, #tpu.memory_space<vmem_shared>> -> memref<16x128xf32, #tpu.memory_space<vmem_shared>>
        tpu.enqueue_dma source(%arg6 : memref<16x128xf32, #tpu.memory_space<vmem>>) target(%dma_start3A_75 : memref<16x128xf32, #tpu.memory_space<vmem_shared>>) target_semaphore(%run_scoped3A_72 : memref<!tpu.dma_semaphore, #tpu.memory_space<semaphore_mem>>)
        %dma_wait3A_76 = arith.constant 0 : i32
        %dma_wait3A_77 = tpu.memref_slice %arg9[%add3A_70, %dma_wait3A_76] : memref<10000x128xf32, #tpu.memory_space<vmem_shared>> -> memref<16x128xf32, #tpu.memory_space<vmem_shared>>
        %dma_wait3A_78 = arith.constant 0 : i32
        %dma_wait3A_79 = tpu.memref_slice %arg9[%add3A_70, %dma_wait3A_78] : memref<10000x128xf32, #tpu.memory_space<vmem_shared>> -> memref<16x128xf32, #tpu.memory_space<vmem_shared>>
        tpu.wait_dma2 semaphore(%run_scoped3A_72 : memref<!tpu.dma_semaphore, #tpu.memory_space<semaphore_mem>>) src(%arg6 : memref<16x128xf32, #tpu.memory_space<vmem>>) dst(%dma_wait3A_79 : memref<16x128xf32, #tpu.memory_space<vmem_shared>>)
        tpu.yield
      }) : () -> ()
      %scan3A_71 = arith.constant 0 : i32
      scf.yield %scan3A_71 : i32
    }
    %scan3A_32 = arith.constant 39 : i32
    %eq3A_33 = arith.constant 15 : i32
    %eq3A_34 = arith.cmpi eq, %arg1, %eq3A_33 : i32
    %convert_element_type3A = arith.extui %eq3A_34 : i1 to i32
    %cond3A = arith.constant 0 : i32
    %cond3A_35 = arith.cmpi ne, %convert_element_type3A, %cond3A : i32
    scf.if %cond3A_35 {
      "tpu.region"() ({
        %run_scoped3A_64 = tpu.sem_alloc : memref<!tpu.dma_semaphore, #tpu.memory_space<semaphore_mem>>
        %dma_start3A = arith.constant 9984 : i32
        %dma_start3A_65 = arith.constant 0 : i32
        %dma_start3A_66 = tpu.memref_slice %arg9[%dma_start3A, %dma_start3A_65] : memref<10000x128xf32, #tpu.memory_space<vmem_shared>> -> memref<16x128xf32, #tpu.memory_space<vmem_shared>>
        %dma_start3A_67 = arith.constant 9984 : i32
        %dma_start3A_68 = arith.constant 0 : i32
        %dma_start3A_69 = tpu.memref_slice %arg9[%dma_start3A_67, %dma_start3A_68] : memref<10000x128xf32, #tpu.memory_space<vmem_shared>> -> memref<16x128xf32, #tpu.memory_space<vmem_shared>>
        tpu.enqueue_dma source(%arg6 : memref<16x128xf32, #tpu.memory_space<vmem>>) target(%dma_start3A_69 : memref<16x128xf32, #tpu.memory_space<vmem_shared>>) target_semaphore(%run_scoped3A_64 : memref<!tpu.dma_semaphore, #tpu.memory_space<semaphore_mem>>)
        %dma_wait3A_70 = arith.constant 9984 : i32
        %dma_wait3A_71 = arith.constant 0 : i32
        %dma_wait3A_72 = tpu.memref_slice %arg9[%dma_wait3A_70, %dma_wait3A_71] : memref<10000x128xf32, #tpu.memory_space<vmem_shared>> -> memref<16x128xf32, #tpu.memory_space<vmem_shared>>
        %dma_wait3A_73 = arith.constant 9984 : i32
        %dma_wait3A_74 = arith.constant 0 : i32
        %dma_wait3A_75 = tpu.memref_slice %arg9[%dma_wait3A_73, %dma_wait3A_74] : memref<10000x128xf32, #tpu.memory_space<vmem_shared>> -> memref<16x128xf32, #tpu.memory_space<vmem_shared>>
        tpu.wait_dma2 semaphore(%run_scoped3A_64 : memref<!tpu.dma_semaphore, #tpu.memory_space<semaphore_mem>>) src(%arg6 : memref<16x128xf32, #tpu.memory_space<vmem>>) dst(%dma_wait3A_75 : memref<16x128xf32, #tpu.memory_space<vmem_shared>>)
        tpu.yield
      }) : () -> ()
    } else {
    }
    %barrier3A = arith.constant 0 : index
    tpu.barrier barrier_id(%barrier3A)
    %run_scoped3A = arith.constant 0 : i32
    "tpu.region"() ({
      %run_scoped3A_64 = tpu.sem_alloc : memref<!tpu.dma_semaphore, #tpu.memory_space<semaphore_mem>>
      %dma_start3A = arith.constant 0 : i32
      %dma_start3A_65 = arith.constant 0 : i32
      %dma_start3A_66 = tpu.memref_slice %arg4[%run_scoped3A, %dma_start3A, %dma_start3A_65] : memref<2x1x128xi32, #tpu.memory_space<vmem>> -> memref<1x1x128xi32, #tpu.memory_space<vmem>>
      %dma_start3A_67 = tpu.memref_squeeze %dma_start3A_66 : memref<1x1x128xi32, #tpu.memory_space<vmem>> -> memref<1x128xi32, #tpu.memory_space<vmem>>
      %dma_start3A_68 = arith.constant 0 : i32
      %dma_start3A_69 = arith.constant 0 : i32
      %dma_start3A_70 = tpu.memref_slice %arg2[%add3A_4, %dma_start3A_68, %dma_start3A_69] : memref<2500x1x128xi32, #tpu.memory_space<hbm>> -> memref<1x1x128xi32, #tpu.memory_space<hbm>>
      %dma_start3A_71 = tpu.memref_squeeze %dma_start3A_70 : memref<1x1x128xi32, #tpu.memory_space<hbm>> -> memref<1x128xi32, #tpu.memory_space<hbm>>
      %dma_start3A_72 = arith.constant 0 : i32
      %dma_start3A_73 = arith.constant 0 : i32
      %dma_start3A_74 = tpu.memref_slice %arg4[%run_scoped3A, %dma_start3A_72, %dma_start3A_73] : memref<2x1x128xi32, #tpu.memory_space<vmem>> -> memref<1x1x128xi32, #tpu.memory_space<vmem>>
      %dma_start3A_75 = tpu.memref_squeeze %dma_start3A_74 : memref<1x1x128xi32, #tpu.memory_space<vmem>> -> memref<1x128xi32, #tpu.memory_space<vmem>>
      %dma_start3A_76 = arith.constant 0 : i32
      %dma_start3A_77 = arith.constant 0 : i32
      %dma_start3A_78 = tpu.memref_slice %arg2[%add3A_4, %dma_start3A_76, %dma_start3A_77] : memref<2500x1x128xi32, #tpu.memory_space<hbm>> -> memref<1x1x128xi32, #tpu.memory_space<hbm>>
      %dma_start3A_79 = tpu.memref_squeeze %dma_start3A_78 : memref<1x1x128xi32, #tpu.memory_space<hbm>> -> memref<1x128xi32, #tpu.memory_space<hbm>>
      tpu.enqueue_dma source(%dma_start3A_79 : memref<1x128xi32, #tpu.memory_space<hbm>>) target(%dma_start3A_75 : memref<1x128xi32, #tpu.memory_space<vmem>>) target_semaphore(%run_scoped3A_64 : memref<!tpu.dma_semaphore, #tpu.memory_space<semaphore_mem>>)
      %dma_wait3A_80 = arith.constant 0 : i32
      %dma_wait3A_81 = arith.constant 0 : i32
      %dma_wait3A_82 = tpu.memref_slice %arg4[%run_scoped3A, %dma_wait3A_80, %dma_wait3A_81] : memref<2x1x128xi32, #tpu.memory_space<vmem>> -> memref<1x1x128xi32, #tpu.memory_space<vmem>>
      %dma_wait3A_83 = tpu.memref_squeeze %dma_wait3A_82 : memref<1x1x128xi32, #tpu.memory_space<vmem>> -> memref<1x128xi32, #tpu.memory_space<vmem>>
      %dma_wait3A_84 = arith.constant 0 : i32
      %dma_wait3A_85 = arith.constant 0 : i32
      %dma_wait3A_86 = tpu.memref_slice %arg2[%add3A_4, %dma_wait3A_84, %dma_wait3A_85] : memref<2500x1x128xi32, #tpu.memory_space<hbm>> -> memref<1x1x128xi32, #tpu.memory_space<hbm>>
      %dma_wait3A_87 = tpu.memref_squeeze %dma_wait3A_86 : memref<1x1x128xi32, #tpu.memory_space<hbm>> -> memref<1x128xi32, #tpu.memory_space<hbm>>
      %dma_wait3A_88 = arith.constant 0 : i32
      %dma_wait3A_89 = arith.constant 0 : i32
      %dma_wait3A_90 = tpu.memref_slice %arg4[%run_scoped3A, %dma_wait3A_88, %dma_wait3A_89] : memref<2x1x128xi32, #tpu.memory_space<vmem>> -> memref<1x1x128xi32, #tpu.memory_space<vmem>>
      %dma_wait3A_91 = tpu.memref_squeeze %dma_wait3A_90 : memref<1x1x128xi32, #tpu.memory_space<vmem>> -> memref<1x128xi32, #tpu.memory_space<vmem>>
      %dma_wait3A_92 = arith.constant 0 : i32
      %dma_wait3A_93 = arith.constant 0 : i32
      %dma_wait3A_94 = tpu.memref_slice %arg2[%add3A_4, %dma_wait3A_92, %dma_wait3A_93] : memref<2500x1x128xi32, #tpu.memory_space<hbm>> -> memref<1x1x128xi32, #tpu.memory_space<hbm>>
      %dma_wait3A_95 = tpu.memref_squeeze %dma_wait3A_94 : memref<1x1x128xi32, #tpu.memory_space<hbm>> -> memref<1x128xi32, #tpu.memory_space<hbm>>
      tpu.wait_dma2 semaphore(%run_scoped3A_64 : memref<!tpu.dma_semaphore, #tpu.memory_space<semaphore_mem>>) src(%dma_wait3A_95 : memref<1x128xi32, #tpu.memory_space<hbm>>) dst(%dma_wait3A_91 : memref<1x128xi32, #tpu.memory_space<vmem>>)
      tpu.yield
    }) : () -> ()
    %scan3A_36 = arith.constant 0 : i32
    %scan3A_37 = arith.constant 0 : i32
    %scan3A_38 = arith.constant 39 : i32
    %scan3A_39 = arith.addi %scan3A_37, %scan3A_38 : i32
    %scan3A_40 = arith.constant 1 : i32
    %scan3A_41 = scf.for %scan3A_64 = %scan3A_37 to %scan3A_39 step %scan3A_40 iter_args(%scan3A_65 = %scan3A_36) -> (i32)  : i32 {
      %dma_start3A = arith.constant 0 : i32
      %dma_start3A_66 = arith.constant 0 : i32
      %dma_start3A_67 = arith.constant 0 : i32
      %dma_start3A_68 = tpu.memref_slice %arg4[%dma_start3A, %dma_start3A_66, %dma_start3A_67] : memref<2x1x128xi32, #tpu.memory_space<vmem>> -> memref<1x1x128xi32, #tpu.memory_space<vmem>>
      %dma_start3A_69 = tpu.memref_squeeze %dma_start3A_68 : memref<1x1x128xi32, #tpu.memory_space<vmem>> -> memref<128xi32, #tpu.memory_space<vmem>>
      %dma_start3A_70 = arith.constant 0 : i32
      %dma_start3A_71 = arith.constant 0 : i32
      %dma_start3A_72 = tpu.memref_slice %arg9[%dma_start3A_70, %dma_start3A_71] : memref<10000x128xf32, #tpu.memory_space<vmem_shared>> -> memref<10000x128xf32, #tpu.memory_space<vmem_shared>>
      tpu.enqueue_indirect_dma source(%arg5 : memref<128x128xf32, #tpu.memory_space<vmem>>) target(%dma_start3A_72 : memref<10000x128xf32, #tpu.memory_space<vmem_shared>>) offsets(%dma_start3A_69 : memref<128xi32, #tpu.memory_space<vmem>>) semaphore(%arg7 : memref<!tpu.dma_semaphore, #tpu.memory_space<semaphore_mem>>) {add = true}
      %gt3A = arith.constant 0 : i32
      %gt3A_73 = arith.cmpi sgt, %scan3A_64, %gt3A : i32
      %convert_element_type3A_74 = arith.extui %gt3A_73 : i1 to i32
      %cond3A_75 = arith.constant 0 : i32
      %cond3A_76 = arith.cmpi ne, %convert_element_type3A_74, %cond3A_75 : i32
      scf.if %cond3A_76 {
        %dma_wait3A_110 = arith.constant 1 : i32
        %dma_wait3A_111 = arith.constant 0 : i32
        %dma_wait3A_112 = arith.constant 0 : i32
        %dma_wait3A_113 = tpu.memref_slice %arg4[%dma_wait3A_110, %dma_wait3A_111, %dma_wait3A_112] : memref<2x1x128xi32, #tpu.memory_space<vmem>> -> memref<1x1x128xi32, #tpu.memory_space<vmem>>
        %dma_wait3A_114 = tpu.memref_squeeze %dma_wait3A_113 : memref<1x1x128xi32, #tpu.memory_space<vmem>> -> memref<128xi32, #tpu.memory_space<vmem>>
        %dma_wait3A_115 = arith.constant 0 : i32
        %dma_wait3A_116 = arith.constant 0 : i32
        %dma_wait3A_117 = tpu.memref_slice %arg9[%dma_wait3A_115, %dma_wait3A_116] : memref<10000x128xf32, #tpu.memory_space<vmem_shared>> -> memref<10000x128xf32, #tpu.memory_space<vmem_shared>>
        tpu.wait_indirect_dma semaphore(%arg8 : memref<!tpu.dma_semaphore, #tpu.memory_space<semaphore_mem>>) src(%arg5 : memref<128x128xf32, #tpu.memory_space<vmem>>) dst(%dma_wait3A_117 : memref<10000x128xf32, #tpu.memory_space<vmem_shared>>)
      } else {
      }
      %mul3A_77 = arith.constant 2 : i32
      %mul3A_78 = arith.muli %mul3A_77, %scan3A_64 : i32
      %add3A_79 = arith.addi %add3A_4, %mul3A_78 : i32
      %add3A_80 = arith.constant 1 : i32
      %add3A_81 = arith.addi %add3A_79, %add3A_80 : i32
      %min3A_82 = arith.constant 2499 : i32
      %min3A_83 = arith.minsi %add3A_81, %min3A_82 : i32
      %run_scoped3A_84 = arith.constant 1 : i32
      "tpu.region"() ({
        %run_scoped3A_110 = tpu.sem_alloc : memref<!tpu.dma_semaphore, #tpu.memory_space<semaphore_mem>>
        %dma_start3A_111 = arith.constant 0 : i32
        %dma_start3A_112 = arith.constant 0 : i32
        %dma_start3A_113 = tpu.memref_slice %arg4[%run_scoped3A_84, %dma_start3A_111, %dma_start3A_112] : memref<2x1x128xi32, #tpu.memory_space<vmem>> -> memref<1x1x128xi32, #tpu.memory_space<vmem>>
        %dma_start3A_114 = tpu.memref_squeeze %dma_start3A_113 : memref<1x1x128xi32, #tpu.memory_space<vmem>> -> memref<1x128xi32, #tpu.memory_space<vmem>>
        %dma_start3A_115 = arith.constant 0 : i32
        %dma_start3A_116 = arith.constant 0 : i32
        %dma_start3A_117 = tpu.memref_slice %arg2[%min3A_83, %dma_start3A_115, %dma_start3A_116] : memref<2500x1x128xi32, #tpu.memory_space<hbm>> -> memref<1x1x128xi32, #tpu.memory_space<hbm>>
        %dma_start3A_118 = tpu.memref_squeeze %dma_start3A_117 : memref<1x1x128xi32, #tpu.memory_space<hbm>> -> memref<1x128xi32, #tpu.memory_space<hbm>>
        %dma_start3A_119 = arith.constant 0 : i32
        %dma_start3A_120 = arith.constant 0 : i32
        %dma_start3A_121 = tpu.memref_slice %arg4[%run_scoped3A_84, %dma_start3A_119, %dma_start3A_120] : memref<2x1x128xi32, #tpu.memory_space<vmem>> -> memref<1x1x128xi32, #tpu.memory_space<vmem>>
        %dma_start3A_122 = tpu.memref_squeeze %dma_start3A_121 : memref<1x1x128xi32, #tpu.memory_space<vmem>> -> memref<1x128xi32, #tpu.memory_space<vmem>>
        %dma_start3A_123 = arith.constant 0 : i32
        %dma_start3A_124 = arith.constant 0 : i32
        %dma_start3A_125 = tpu.memref_slice %arg2[%min3A_83, %dma_start3A_123, %dma_start3A_124] : memref<2500x1x128xi32, #tpu.memory_space<hbm>> -> memref<1x1x128xi32, #tpu.memory_space<hbm>>
        %dma_start3A_126 = tpu.memref_squeeze %dma_start3A_125 : memref<1x1x128xi32, #tpu.memory_space<hbm>> -> memref<1x128xi32, #tpu.memory_space<hbm>>
        tpu.enqueue_dma source(%dma_start3A_126 : memref<1x128xi32, #tpu.memory_space<hbm>>) target(%dma_start3A_122 : memref<1x128xi32, #tpu.memory_space<vmem>>) target_semaphore(%run_scoped3A_110 : memref<!tpu.dma_semaphore, #tpu.memory_space<semaphore_mem>>)
        %dma_wait3A_127 = arith.constant 0 : i32
        %dma_wait3A_128 = arith.constant 0 : i32
        %dma_wait3A_129 = tpu.memref_slice %arg4[%run_scoped3A_84, %dma_wait3A_127, %dma_wait3A_128] : memref<2x1x128xi32, #tpu.memory_space<vmem>> -> memref<1x1x128xi32, #tpu.memory_space<vmem>>
        %dma_wait3A_130 = tpu.memref_squeeze %dma_wait3A_129 : memref<1x1x128xi32, #tpu.memory_space<vmem>> -> memref<1x128xi32, #tpu.memory_space<vmem>>
        %dma_wait3A_131 = arith.constant 0 : i32
        %dma_wait3A_132 = arith.constant 0 : i32
        %dma_wait3A_133 = tpu.memref_slice %arg2[%min3A_83, %dma_wait3A_131, %dma_wait3A_132] : memref<2500x1x128xi32, #tpu.memory_space<hbm>> -> memref<1x1x128xi32, #tpu.memory_space<hbm>>
        %dma_wait3A_134 = tpu.memref_squeeze %dma_wait3A_133 : memref<1x1x128xi32, #tpu.memory_space<hbm>> -> memref<1x128xi32, #tpu.memory_space<hbm>>
        %dma_wait3A_135 = arith.constant 0 : i32
        %dma_wait3A_136 = arith.constant 0 : i32
        %dma_wait3A_137 = tpu.memref_slice %arg4[%run_scoped3A_84, %dma_wait3A_135, %dma_wait3A_136] : memref<2x1x128xi32, #tpu.memory_space<vmem>> -> memref<1x1x128xi32, #tpu.memory_space<vmem>>
        %dma_wait3A_138 = tpu.memref_squeeze %dma_wait3A_137 : memref<1x1x128xi32, #tpu.memory_space<vmem>> -> memref<1x128xi32, #tpu.memory_space<vmem>>
        %dma_wait3A_139 = arith.constant 0 : i32
        %dma_wait3A_140 = arith.constant 0 : i32
        %dma_wait3A_141 = tpu.memref_slice %arg2[%min3A_83, %dma_wait3A_139, %dma_wait3A_140] : memref<2500x1x128xi32, #tpu.memory_space<hbm>> -> memref<1x1x128xi32, #tpu.memory_space<hbm>>
        %dma_wait3A_142 = tpu.memref_squeeze %dma_wait3A_141 : memref<1x1x128xi32, #tpu.memory_space<hbm>> -> memref<1x128xi32, #tpu.memory_space<hbm>>
        tpu.wait_dma2 semaphore(%run_scoped3A_110 : memref<!tpu.dma_semaphore, #tpu.memory_space<semaphore_mem>>) src(%dma_wait3A_142 : memref<1x128xi32, #tpu.memory_space<hbm>>) dst(%dma_wait3A_138 : memref<1x128xi32, #tpu.memory_space<vmem>>)
        tpu.yield
      }) : () -> ()
      %dma_start3A_85 = arith.constant 1 : i32
      %dma_start3A_86 = arith.constant 0 : i32
      %dma_start3A_87 = arith.constant 0 : i32
      %dma_start3A_88 = tpu.memref_slice %arg4[%dma_start3A_85, %dma_start3A_86, %dma_start3A_87] : memref<2x1x128xi32, #tpu.memory_space<vmem>> -> memref<1x1x128xi32, #tpu.memory_space<vmem>>
      %dma_start3A_89 = tpu.memref_squeeze %dma_start3A_88 : memref<1x1x128xi32, #tpu.memory_space<vmem>> -> memref<128xi32, #tpu.memory_space<vmem>>
      %dma_start3A_90 = arith.constant 0 : i32
      %dma_start3A_91 = arith.constant 0 : i32
      %dma_start3A_92 = tpu.memref_slice %arg9[%dma_start3A_90, %dma_start3A_91] : memref<10000x128xf32, #tpu.memory_space<vmem_shared>> -> memref<10000x128xf32, #tpu.memory_space<vmem_shared>>
      tpu.enqueue_indirect_dma source(%arg5 : memref<128x128xf32, #tpu.memory_space<vmem>>) target(%dma_start3A_92 : memref<10000x128xf32, #tpu.memory_space<vmem_shared>>) offsets(%dma_start3A_89 : memref<128xi32, #tpu.memory_space<vmem>>) semaphore(%arg8 : memref<!tpu.dma_semaphore, #tpu.memory_space<semaphore_mem>>) {add = true}
      %dma_wait3A_93 = arith.constant 0 : i32
      %dma_wait3A_94 = arith.constant 0 : i32
      %dma_wait3A_95 = arith.constant 0 : i32
      %dma_wait3A_96 = tpu.memref_slice %arg4[%dma_wait3A_93, %dma_wait3A_94, %dma_wait3A_95] : memref<2x1x128xi32, #tpu.memory_space<vmem>> -> memref<1x1x128xi32, #tpu.memory_space<vmem>>
      %dma_wait3A_97 = tpu.memref_squeeze %dma_wait3A_96 : memref<1x1x128xi32, #tpu.memory_space<vmem>> -> memref<128xi32, #tpu.memory_space<vmem>>
      %dma_wait3A_98 = arith.constant 0 : i32
      %dma_wait3A_99 = arith.constant 0 : i32
      %dma_wait3A_100 = tpu.memref_slice %arg9[%dma_wait3A_98, %dma_wait3A_99] : memref<10000x128xf32, #tpu.memory_space<vmem_shared>> -> memref<10000x128xf32, #tpu.memory_space<vmem_shared>>
      tpu.wait_indirect_dma semaphore(%arg7 : memref<!tpu.dma_semaphore, #tpu.memory_space<semaphore_mem>>) src(%arg5 : memref<128x128xf32, #tpu.memory_space<vmem>>) dst(%dma_wait3A_100 : memref<10000x128xf32, #tpu.memory_space<vmem_shared>>)
      %mul3A_101 = arith.constant 2 : i32
      %mul3A_102 = arith.muli %mul3A_101, %scan3A_64 : i32
      %add3A_103 = arith.addi %add3A_4, %mul3A_102 : i32
      %add3A_104 = arith.constant 2 : i32
      %add3A_105 = arith.addi %add3A_103, %add3A_104 : i32
      %min3A_106 = arith.constant 2499 : i32
      %min3A_107 = arith.minsi %add3A_105, %min3A_106 : i32
      %run_scoped3A_108 = arith.constant 0 : i32
      "tpu.region"() ({
        %run_scoped3A_110 = tpu.sem_alloc : memref<!tpu.dma_semaphore, #tpu.memory_space<semaphore_mem>>
        %dma_start3A_111 = arith.constant 0 : i32
        %dma_start3A_112 = arith.constant 0 : i32
        %dma_start3A_113 = tpu.memref_slice %arg4[%run_scoped3A_108, %dma_start3A_111, %dma_start3A_112] : memref<2x1x128xi32, #tpu.memory_space<vmem>> -> memref<1x1x128xi32, #tpu.memory_space<vmem>>
        %dma_start3A_114 = tpu.memref_squeeze %dma_start3A_113 : memref<1x1x128xi32, #tpu.memory_space<vmem>> -> memref<1x128xi32, #tpu.memory_space<vmem>>
        %dma_start3A_115 = arith.constant 0 : i32
        %dma_start3A_116 = arith.constant 0 : i32
        %dma_start3A_117 = tpu.memref_slice %arg2[%min3A_107, %dma_start3A_115, %dma_start3A_116] : memref<2500x1x128xi32, #tpu.memory_space<hbm>> -> memref<1x1x128xi32, #tpu.memory_space<hbm>>
        %dma_start3A_118 = tpu.memref_squeeze %dma_start3A_117 : memref<1x1x128xi32, #tpu.memory_space<hbm>> -> memref<1x128xi32, #tpu.memory_space<hbm>>
        %dma_start3A_119 = arith.constant 0 : i32
        %dma_start3A_120 = arith.constant 0 : i32
        %dma_start3A_121 = tpu.memref_slice %arg4[%run_scoped3A_108, %dma_start3A_119, %dma_start3A_120] : memref<2x1x128xi32, #tpu.memory_space<vmem>> -> memref<1x1x128xi32, #tpu.memory_space<vmem>>
        %dma_start3A_122 = tpu.memref_squeeze %dma_start3A_121 : memref<1x1x128xi32, #tpu.memory_space<vmem>> -> memref<1x128xi32, #tpu.memory_space<vmem>>
        %dma_start3A_123 = arith.constant 0 : i32
        %dma_start3A_124 = arith.constant 0 : i32
        %dma_start3A_125 = tpu.memref_slice %arg2[%min3A_107, %dma_start3A_123, %dma_start3A_124] : memref<2500x1x128xi32, #tpu.memory_space<hbm>> -> memref<1x1x128xi32, #tpu.memory_space<hbm>>
        %dma_start3A_126 = tpu.memref_squeeze %dma_start3A_125 : memref<1x1x128xi32, #tpu.memory_space<hbm>> -> memref<1x128xi32, #tpu.memory_space<hbm>>
        tpu.enqueue_dma source(%dma_start3A_126 : memref<1x128xi32, #tpu.memory_space<hbm>>) target(%dma_start3A_122 : memref<1x128xi32, #tpu.memory_space<vmem>>) target_semaphore(%run_scoped3A_110 : memref<!tpu.dma_semaphore, #tpu.memory_space<semaphore_mem>>)
        %dma_wait3A_127 = arith.constant 0 : i32
        %dma_wait3A_128 = arith.constant 0 : i32
        %dma_wait3A_129 = tpu.memref_slice %arg4[%run_scoped3A_108, %dma_wait3A_127, %dma_wait3A_128] : memref<2x1x128xi32, #tpu.memory_space<vmem>> -> memref<1x1x128xi32, #tpu.memory_space<vmem>>
        %dma_wait3A_130 = tpu.memref_squeeze %dma_wait3A_129 : memref<1x1x128xi32, #tpu.memory_space<vmem>> -> memref<1x128xi32, #tpu.memory_space<vmem>>
        %dma_wait3A_131 = arith.constant 0 : i32
        %dma_wait3A_132 = arith.constant 0 : i32
        %dma_wait3A_133 = tpu.memref_slice %arg2[%min3A_107, %dma_wait3A_131, %dma_wait3A_132] : memref<2500x1x128xi32, #tpu.memory_space<hbm>> -> memref<1x1x128xi32, #tpu.memory_space<hbm>>
        %dma_wait3A_134 = tpu.memref_squeeze %dma_wait3A_133 : memref<1x1x128xi32, #tpu.memory_space<hbm>> -> memref<1x128xi32, #tpu.memory_space<hbm>>
        %dma_wait3A_135 = arith.constant 0 : i32
        %dma_wait3A_136 = arith.constant 0 : i32
        %dma_wait3A_137 = tpu.memref_slice %arg4[%run_scoped3A_108, %dma_wait3A_135, %dma_wait3A_136] : memref<2x1x128xi32, #tpu.memory_space<vmem>> -> memref<1x1x128xi32, #tpu.memory_space<vmem>>
        %dma_wait3A_138 = tpu.memref_squeeze %dma_wait3A_137 : memref<1x1x128xi32, #tpu.memory_space<vmem>> -> memref<1x128xi32, #tpu.memory_space<vmem>>
        %dma_wait3A_139 = arith.constant 0 : i32
        %dma_wait3A_140 = arith.constant 0 : i32
        %dma_wait3A_141 = tpu.memref_slice %arg2[%min3A_107, %dma_wait3A_139, %dma_wait3A_140] : memref<2500x1x128xi32, #tpu.memory_space<hbm>> -> memref<1x1x128xi32, #tpu.memory_space<hbm>>
        %dma_wait3A_142 = tpu.memref_squeeze %dma_wait3A_141 : memref<1x1x128xi32, #tpu.memory_space<hbm>> -> memref<1x128xi32, #tpu.memory_space<hbm>>
        tpu.wait_dma2 semaphore(%run_scoped3A_110 : memref<!tpu.dma_semaphore, #tpu.memory_space<semaphore_mem>>) src(%dma_wait3A_142 : memref<1x128xi32, #tpu.memory_space<hbm>>) dst(%dma_wait3A_138 : memref<1x128xi32, #tpu.memory_space<vmem>>)
        tpu.yield
      }) : () -> ()
      %scan3A_109 = arith.constant 0 : i32
      scf.yield %scan3A_109 : i32
    }
    %scan3A_42 = arith.constant 39 : i32
    %dma_wait3A = arith.constant 1 : i32
    %dma_wait3A_43 = arith.constant 0 : i32
    %dma_wait3A_44 = arith.constant 0 : i32
    %dma_wait3A_45 = tpu.memref_slice %arg4[%dma_wait3A, %dma_wait3A_43, %dma_wait3A_44] : memref<2x1x128xi32, #tpu.memory_space<vmem>> -> memref<1x1x128xi32, #tpu.memory_space<vmem>>
    %dma_wait3A_46 = tpu.memref_squeeze %dma_wait3A_45 : memref<1x1x128xi32, #tpu.memory_space<vmem>> -> memref<128xi32, #tpu.memory_space<vmem>>
    %dma_wait3A_47 = arith.constant 0 : i32
    %dma_wait3A_48 = arith.constant 0 : i32
    %dma_wait3A_49 = tpu.memref_slice %arg9[%dma_wait3A_47, %dma_wait3A_48] : memref<10000x128xf32, #tpu.memory_space<vmem_shared>> -> memref<10000x128xf32, #tpu.memory_space<vmem_shared>>
    tpu.wait_indirect_dma semaphore(%arg8 : memref<!tpu.dma_semaphore, #tpu.memory_space<semaphore_mem>>) src(%arg5 : memref<128x128xf32, #tpu.memory_space<vmem>>) dst(%dma_wait3A_49 : memref<10000x128xf32, #tpu.memory_space<vmem_shared>>)
    %lt3A = arith.constant 4 : i32
    %lt3A_50 = arith.cmpi slt, %add3A, %lt3A : i32
    %convert_element_type3A_51 = arith.extui %lt3A_50 : i1 to i32
    %cond3A_52 = arith.constant 0 : i32
    %cond3A_53 = arith.cmpi ne, %convert_element_type3A_51, %cond3A_52 : i32
    scf.if %cond3A_53 {
      %run_scoped3A_64 = arith.constant 0 : i32
      %run_scoped3A_65 = arith.constant 0 : i32
      "tpu.region"() ({
        %run_scoped3A_66 = tpu.sem_alloc : memref<!tpu.dma_semaphore, #tpu.memory_space<semaphore_mem>>
        %dma_start3A = arith.constant 0 : i32
        %dma_start3A_67 = tpu.memref_slice %arg4[%run_scoped3A_64, %run_scoped3A_65, %dma_start3A] : memref<2x1x128xi32, #tpu.memory_space<vmem>> -> memref<1x1x128xi32, #tpu.memory_space<vmem>>
        %dma_start3A_68 = tpu.memref_squeeze %dma_start3A_67 : memref<1x1x128xi32, #tpu.memory_space<vmem>> -> memref<128xi32, #tpu.memory_space<vmem>>
        %dma_start3A_69 = arith.constant 0 : i32
        %dma_start3A_70 = arith.constant 0 : i32
        %dma_start3A_71 = tpu.memref_slice %arg9[%dma_start3A_69, %dma_start3A_70] : memref<10000x128xf32, #tpu.memory_space<vmem_shared>> -> memref<10000x128xf32, #tpu.memory_space<vmem_shared>>
        tpu.enqueue_indirect_dma source(%arg5 : memref<128x128xf32, #tpu.memory_space<vmem>>) target(%dma_start3A_71 : memref<10000x128xf32, #tpu.memory_space<vmem_shared>>) offsets(%dma_start3A_68 : memref<128xi32, #tpu.memory_space<vmem>>) semaphore(%run_scoped3A_66 : memref<!tpu.dma_semaphore, #tpu.memory_space<semaphore_mem>>) {add = true}
        %dma_wait3A_72 = arith.constant 0 : i32
        %dma_wait3A_73 = tpu.memref_slice %arg4[%run_scoped3A_64, %run_scoped3A_65, %dma_wait3A_72] : memref<2x1x128xi32, #tpu.memory_space<vmem>> -> memref<1x1x128xi32, #tpu.memory_space<vmem>>
        %dma_wait3A_74 = tpu.memref_squeeze %dma_wait3A_73 : memref<1x1x128xi32, #tpu.memory_space<vmem>> -> memref<128xi32, #tpu.memory_space<vmem>>
        %dma_wait3A_75 = arith.constant 0 : i32
        %dma_wait3A_76 = arith.constant 0 : i32
        %dma_wait3A_77 = tpu.memref_slice %arg9[%dma_wait3A_75, %dma_wait3A_76] : memref<10000x128xf32, #tpu.memory_space<vmem_shared>> -> memref<10000x128xf32, #tpu.memory_space<vmem_shared>>
        tpu.wait_indirect_dma semaphore(%run_scoped3A_66 : memref<!tpu.dma_semaphore, #tpu.memory_space<semaphore_mem>>) src(%arg5 : memref<128x128xf32, #tpu.memory_space<vmem>>) dst(%dma_wait3A_77 : memref<10000x128xf32, #tpu.memory_space<vmem_shared>>)
        tpu.yield
      }) : () -> ()
    } else {
    }
    %barrier3A_54 = arith.constant 0 : index
    tpu.barrier barrier_id(%barrier3A_54)
    %mul3A_55 = arith.constant 624 : i32
    %mul3A_56 = arith.muli %arg1, %mul3A_55 : i32
    %mul3A_57 = arith.constant 624 : i32
    %mul3A_58 = arith.muli %arg1, %mul3A_57 : i32
    "tpu.region"() ({
      %run_scoped3A_64 = tpu.sem_alloc : memref<!tpu.dma_semaphore, #tpu.memory_space<semaphore_mem>>
      %dma_start3A = arith.constant 0 : i32
      %dma_start3A_65 = tpu.memref_slice %arg3[%arg0, %mul3A_58, %dma_start3A] : memref<2x10000x128xf32, #tpu.memory_space<hbm>> -> memref<1x624x128xf32, #tpu.memory_space<hbm>>
      %dma_start3A_66 = tpu.memref_squeeze %dma_start3A_65 : memref<1x624x128xf32, #tpu.memory_space<hbm>> -> memref<624x128xf32, #tpu.memory_space<hbm>>
      %dma_start3A_67 = arith.constant 0 : i32
      %dma_start3A_68 = tpu.memref_slice %arg9[%mul3A_56, %dma_start3A_67] : memref<10000x128xf32, #tpu.memory_space<vmem_shared>> -> memref<624x128xf32, #tpu.memory_space<vmem_shared>>
      tpu.enqueue_dma source(%dma_start3A_68 : memref<624x128xf32, #tpu.memory_space<vmem_shared>>) target(%dma_start3A_66 : memref<624x128xf32, #tpu.memory_space<hbm>>) target_semaphore(%run_scoped3A_64 : memref<!tpu.dma_semaphore, #tpu.memory_space<semaphore_mem>>)
      %dma_wait3A_69 = arith.constant 0 : i32
      %dma_wait3A_70 = tpu.memref_slice %arg3[%arg0, %mul3A_58, %dma_wait3A_69] : memref<2x10000x128xf32, #tpu.memory_space<hbm>> -> memref<1x624x128xf32, #tpu.memory_space<hbm>>
      %dma_wait3A_71 = tpu.memref_squeeze %dma_wait3A_70 : memref<1x624x128xf32, #tpu.memory_space<hbm>> -> memref<624x128xf32, #tpu.memory_space<hbm>>
      %dma_wait3A_72 = arith.constant 0 : i32
      %dma_wait3A_73 = tpu.memref_slice %arg9[%mul3A_56, %dma_wait3A_72] : memref<10000x128xf32, #tpu.memory_space<vmem_shared>> -> memref<624x128xf32, #tpu.memory_space<vmem_shared>>
      tpu.wait_dma2 semaphore(%run_scoped3A_64 : memref<!tpu.dma_semaphore, #tpu.memory_space<semaphore_mem>>) src(%dma_wait3A_73 : memref<624x128xf32, #tpu.memory_space<vmem_shared>>) dst(%dma_wait3A_71 : memref<624x128xf32, #tpu.memory_space<hbm>>)
      tpu.yield
    }) : () -> ()
    %eq3A_59 = arith.constant 15 : i32
    %eq3A_60 = arith.cmpi eq, %arg1, %eq3A_59 : i32
    %convert_element_type3A_61 = arith.extui %eq3A_60 : i1 to i32
    %cond3A_62 = arith.constant 0 : i32
    %cond3A_63 = arith.cmpi ne, %convert_element_type3A_61, %cond3A_62 : i32
    scf.if %cond3A_63 {
      "tpu.region"() ({
        %run_scoped3A_64 = tpu.sem_alloc : memref<!tpu.dma_semaphore, #tpu.memory_space<semaphore_mem>>
        %dma_start3A = arith.constant 9984 : i32
        %dma_start3A_65 = arith.constant 0 : i32
        %dma_start3A_66 = tpu.memref_slice %arg3[%arg0, %dma_start3A, %dma_start3A_65] : memref<2x10000x128xf32, #tpu.memory_space<hbm>> -> memref<1x16x128xf32, #tpu.memory_space<hbm>>
        %dma_start3A_67 = tpu.memref_squeeze %dma_start3A_66 : memref<1x16x128xf32, #tpu.memory_space<hbm>> -> memref<16x128xf32, #tpu.memory_space<hbm>>
        %dma_start3A_68 = arith.constant 9984 : i32
        %dma_start3A_69 = arith.constant 0 : i32
        %dma_start3A_70 = tpu.memref_slice %arg9[%dma_start3A_68, %dma_start3A_69] : memref<10000x128xf32, #tpu.memory_space<vmem_shared>> -> memref<16x128xf32, #tpu.memory_space<vmem_shared>>
        tpu.enqueue_dma source(%dma_start3A_70 : memref<16x128xf32, #tpu.memory_space<vmem_shared>>) target(%dma_start3A_67 : memref<16x128xf32, #tpu.memory_space<hbm>>) target_semaphore(%run_scoped3A_64 : memref<!tpu.dma_semaphore, #tpu.memory_space<semaphore_mem>>)
        %dma_wait3A_71 = arith.constant 9984 : i32
        %dma_wait3A_72 = arith.constant 0 : i32
        %dma_wait3A_73 = tpu.memref_slice %arg3[%arg0, %dma_wait3A_71, %dma_wait3A_72] : memref<2x10000x128xf32, #tpu.memory_space<hbm>> -> memref<1x16x128xf32, #tpu.memory_space<hbm>>
        %dma_wait3A_74 = tpu.memref_squeeze %dma_wait3A_73 : memref<1x16x128xf32, #tpu.memory_space<hbm>> -> memref<16x128xf32, #tpu.memory_space<hbm>>
        %dma_wait3A_75 = arith.constant 9984 : i32
        %dma_wait3A_76 = arith.constant 0 : i32
        %dma_wait3A_77 = tpu.memref_slice %arg9[%dma_wait3A_75, %dma_wait3A_76] : memref<10000x128xf32, #tpu.memory_space<vmem_shared>> -> memref<16x128xf32, #tpu.memory_space<vmem_shared>>
        tpu.wait_dma2 semaphore(%run_scoped3A_64 : memref<!tpu.dma_semaphore, #tpu.memory_space<semaphore_mem>>) src(%dma_wait3A_77 : memref<16x128xf32, #tpu.memory_space<vmem_shared>>) dst(%dma_wait3A_74 : memref<16x128xf32, #tpu.memory_space<hbm>>)
        tpu.yield
      }) : () -> ()
    } else {
    }
    return
  }
}

#map = affine_map<(d0, d1) -> (0, 0)>
#map1 = affine_map<(d0, d1) -> (0, 0, 0)>
module attributes {stable_mosaic.version = 14 : i64} {
  func.func @_sc_agg(%arg0: i32, %arg1: i32, %arg2: memref<10000x128xf32, #tpu.memory_space<hbm>>, %arg3: memref<2500x1x128xi32, #tpu.memory_space<hbm>>, %arg4: memref<2500x1x128xi32, #tpu.memory_space<hbm>>, %arg5: memref<2x10000x128xf32, #tpu.memory_space<hbm>>, %arg6: memref<2x1x128xi32, #tpu.memory_space<vmem>>, %arg7: memref<2x1x128xi32, #tpu.memory_space<vmem>>, %arg8: memref<128x128xf32, #tpu.memory_space<vmem>>, %arg9: memref<128x128xf32, #tpu.memory_space<vmem>>, %arg10: memref<16x128xf32, #tpu.memory_space<vmem>>, %arg11: memref<!tpu.dma_semaphore, #tpu.memory_space<semaphore_mem>>, %arg12: memref<!tpu.dma_semaphore, #tpu.memory_space<semaphore_mem>>, %arg13: memref<!tpu.dma_semaphore, #tpu.memory_space<semaphore_mem>>, %arg14: memref<!tpu.dma_semaphore, #tpu.memory_space<semaphore_mem>>, %arg15: memref<!tpu.dma_semaphore, #tpu.memory_space<semaphore_mem>>, %arg16: memref<!tpu.dma_semaphore, #tpu.memory_space<semaphore_mem>>, %arg17: memref<10000x128xf32, #tpu.memory_space<vmem_shared>>) attributes {dimension_semantics = [#tpu.dimension_semantics<core_parallel>, #tpu.dimension_semantics<subcore_parallel>], iteration_bounds = array<i64: 2, 16>, scalar_prefetch = 0 : i64, scratch_operands = 12 : i64, tpu.core_type = #tpu.core_type<sc_vector_subcore>, window_params = [{transform_indices = #map}, {transform_indices = #map1}, {transform_indices = #map1}, {transform_indices = #map1}]} {
    %mul3A = arith.constant 2 : i32
    %mul3A_0 = arith.muli %arg1, %mul3A : i32
    %add3A = arith.addi %mul3A_0, %arg0 : i32
    %mul3A_1 = arith.constant 78 : i32
    %mul3A_2 = arith.muli %mul3A_1, %add3A : i32
    %min3A = arith.constant 4 : i32
    %min3A_3 = arith.minsi %add3A, %min3A : i32
    %add3A_4 = arith.addi %mul3A_2, %min3A_3 : i32
    %broadcast_in_dim3A = arith.constant 0.000000e+00 : f32
    %broadcast_in_dim3A_5 = vector.broadcast %broadcast_in_dim3A : f32 to vector<16xf32>
    %scan3A = arith.constant 0 : i32
    %scan3A_6 = arith.constant 0 : i32
    %scan3A_7 = arith.constant 16 : i32
    %scan3A_8 = arith.addi %scan3A_6, %scan3A_7 : i32
    %scan3A_9 = arith.constant 1 : i32
    %scan3A_10 = scf.for %scan3A_65 = %scan3A_6 to %scan3A_8 step %scan3A_9 iter_args(%scan3A_66 = %scan3A) -> (i32)  : i32 {
      %swap3A = arith.index_cast %scan3A_65 : i32 to index
      %swap3A_67 = arith.constant 0 : index
      %swap3A_68 = tpu.vector_load %arg10[%swap3A, %swap3A_67] {strides = array<i32>} : memref<16x128xf32, #tpu.memory_space<vmem>>, vector<1x16xf32>,
      %swap3A_69 = vector.shape_cast %swap3A_68 : vector<1x16xf32> to vector<16xf32>
      %swap3A_70 = vector.shape_cast %broadcast_in_dim3A_5 : vector<16xf32> to vector<1x16xf32>
      tpu.vector_store %arg10[%swap3A, %swap3A_67], %swap3A_70 {strides = array<i32>} : memref<16x128xf32, #tpu.memory_space<vmem>>, vector<1x16xf32>,
      %swap3A_71 = arith.index_cast %scan3A_65 : i32 to index
      %swap3A_72 = arith.constant 16 : index
      %swap3A_73 = tpu.vector_load %arg10[%swap3A_71, %swap3A_72] {strides = array<i32>} : memref<16x128xf32, #tpu.memory_space<vmem>>, vector<1x16xf32>,
      %swap3A_74 = vector.shape_cast %swap3A_73 : vector<1x16xf32> to vector<16xf32>
      %swap3A_75 = vector.shape_cast %broadcast_in_dim3A_5 : vector<16xf32> to vector<1x16xf32>
      tpu.vector_store %arg10[%swap3A_71, %swap3A_72], %swap3A_75 {strides = array<i32>} : memref<16x128xf32, #tpu.memory_space<vmem>>, vector<1x16xf32>,
      %swap3A_76 = arith.index_cast %scan3A_65 : i32 to index
      %swap3A_77 = arith.constant 32 : index
      %swap3A_78 = tpu.vector_load %arg10[%swap3A_76, %swap3A_77] {strides = array<i32>} : memref<16x128xf32, #tpu.memory_space<vmem>>, vector<1x16xf32>,
      %swap3A_79 = vector.shape_cast %swap3A_78 : vector<1x16xf32> to vector<16xf32>
      %swap3A_80 = vector.shape_cast %broadcast_in_dim3A_5 : vector<16xf32> to vector<1x16xf32>
      tpu.vector_store %arg10[%swap3A_76, %swap3A_77], %swap3A_80 {strides = array<i32>} : memref<16x128xf32, #tpu.memory_space<vmem>>, vector<1x16xf32>,
      %swap3A_81 = arith.index_cast %scan3A_65 : i32 to index
      %swap3A_82 = arith.constant 48 : index
      %swap3A_83 = tpu.vector_load %arg10[%swap3A_81, %swap3A_82] {strides = array<i32>} : memref<16x128xf32, #tpu.memory_space<vmem>>, vector<1x16xf32>,
      %swap3A_84 = vector.shape_cast %swap3A_83 : vector<1x16xf32> to vector<16xf32>
      %swap3A_85 = vector.shape_cast %broadcast_in_dim3A_5 : vector<16xf32> to vector<1x16xf32>
      tpu.vector_store %arg10[%swap3A_81, %swap3A_82], %swap3A_85 {strides = array<i32>} : memref<16x128xf32, #tpu.memory_space<vmem>>, vector<1x16xf32>,
      %swap3A_86 = arith.index_cast %scan3A_65 : i32 to index
      %swap3A_87 = arith.constant 64 : index
      %swap3A_88 = tpu.vector_load %arg10[%swap3A_86, %swap3A_87] {strides = array<i32>} : memref<16x128xf32, #tpu.memory_space<vmem>>, vector<1x16xf32>,
      %swap3A_89 = vector.shape_cast %swap3A_88 : vector<1x16xf32> to vector<16xf32>
      %swap3A_90 = vector.shape_cast %broadcast_in_dim3A_5 : vector<16xf32> to vector<1x16xf32>
      tpu.vector_store %arg10[%swap3A_86, %swap3A_87], %swap3A_90 {strides = array<i32>} : memref<16x128xf32, #tpu.memory_space<vmem>>, vector<1x16xf32>,
      %swap3A_91 = arith.index_cast %scan3A_65 : i32 to index
      %swap3A_92 = arith.constant 80 : index
      %swap3A_93 = tpu.vector_load %arg10[%swap3A_91, %swap3A_92] {strides = array<i32>} : memref<16x128xf32, #tpu.memory_space<vmem>>, vector<1x16xf32>,
      %swap3A_94 = vector.shape_cast %swap3A_93 : vector<1x16xf32> to vector<16xf32>
      %swap3A_95 = vector.shape_cast %broadcast_in_dim3A_5 : vector<16xf32> to vector<1x16xf32>
      tpu.vector_store %arg10[%swap3A_91, %swap3A_92], %swap3A_95 {strides = array<i32>} : memref<16x128xf32, #tpu.memory_space<vmem>>, vector<1x16xf32>,
      %swap3A_96 = arith.index_cast %scan3A_65 : i32 to index
      %swap3A_97 = arith.constant 96 : index
      %swap3A_98 = tpu.vector_load %arg10[%swap3A_96, %swap3A_97] {strides = array<i32>} : memref<16x128xf32, #tpu.memory_space<vmem>>, vector<1x16xf32>,
      %swap3A_99 = vector.shape_cast %swap3A_98 : vector<1x16xf32> to vector<16xf32>
      %swap3A_100 = vector.shape_cast %broadcast_in_dim3A_5 : vector<16xf32> to vector<1x16xf32>
      tpu.vector_store %arg10[%swap3A_96, %swap3A_97], %swap3A_100 {strides = array<i32>} : memref<16x128xf32, #tpu.memory_space<vmem>>, vector<1x16xf32>,
      %swap3A_101 = arith.index_cast %scan3A_65 : i32 to index
      %swap3A_102 = arith.constant 112 : index
      %swap3A_103 = tpu.vector_load %arg10[%swap3A_101, %swap3A_102] {strides = array<i32>} : memref<16x128xf32, #tpu.memory_space<vmem>>, vector<1x16xf32>,
      %swap3A_104 = vector.shape_cast %swap3A_103 : vector<1x16xf32> to vector<16xf32>
      %swap3A_105 = vector.shape_cast %broadcast_in_dim3A_5 : vector<16xf32> to vector<1x16xf32>
      tpu.vector_store %arg10[%swap3A_101, %swap3A_102], %swap3A_105 {strides = array<i32>} : memref<16x128xf32, #tpu.memory_space<vmem>>, vector<1x16xf32>,
      %scan3A_106 = arith.constant 0 : i32
      scf.yield %scan3A_106 : i32
    }
    %scan3A_11 = arith.constant 16 : i32
    %scan3A_12 = arith.constant 0 : i32
    %scan3A_13 = arith.constant 0 : i32
    %scan3A_14 = arith.constant 39 : i32
    %scan3A_15 = arith.addi %scan3A_13, %scan3A_14 : i32
    %scan3A_16 = arith.constant 1 : i32
    %scan3A_17 = scf.for %scan3A_65 = %scan3A_13 to %scan3A_15 step %scan3A_16 iter_args(%scan3A_66 = %scan3A_12) -> (i32)  : i32 {
      %mul3A_67 = arith.constant 624 : i32
      %mul3A_68 = arith.muli %arg1, %mul3A_67 : i32
      %mul3A_69 = arith.constant 16 : i32
      %mul3A_70 = arith.muli %scan3A_65, %mul3A_69 : i32
      %add3A_71 = arith.addi %mul3A_68, %mul3A_70 : i32
      "tpu.region"() ({
        %run_scoped3A_73 = tpu.sem_alloc : memref<!tpu.dma_semaphore, #tpu.memory_space<semaphore_mem>>
        %dma_start3A_74 = arith.constant 0 : i32
        %dma_start3A_75 = tpu.memref_slice %arg17[%add3A_71, %dma_start3A_74] : memref<10000x128xf32, #tpu.memory_space<vmem_shared>> -> memref<16x128xf32, #tpu.memory_space<vmem_shared>>
        %dma_start3A_76 = arith.constant 0 : i32
        %dma_start3A_77 = tpu.memref_slice %arg17[%add3A_71, %dma_start3A_76] : memref<10000x128xf32, #tpu.memory_space<vmem_shared>> -> memref<16x128xf32, #tpu.memory_space<vmem_shared>>
        tpu.enqueue_dma source(%arg10 : memref<16x128xf32, #tpu.memory_space<vmem>>) target(%dma_start3A_77 : memref<16x128xf32, #tpu.memory_space<vmem_shared>>) target_semaphore(%run_scoped3A_73 : memref<!tpu.dma_semaphore, #tpu.memory_space<semaphore_mem>>)
        %dma_wait3A_78 = arith.constant 0 : i32
        %dma_wait3A_79 = tpu.memref_slice %arg17[%add3A_71, %dma_wait3A_78] : memref<10000x128xf32, #tpu.memory_space<vmem_shared>> -> memref<16x128xf32, #tpu.memory_space<vmem_shared>>
        %dma_wait3A_80 = arith.constant 0 : i32
        %dma_wait3A_81 = tpu.memref_slice %arg17[%add3A_71, %dma_wait3A_80] : memref<10000x128xf32, #tpu.memory_space<vmem_shared>> -> memref<16x128xf32, #tpu.memory_space<vmem_shared>>
        tpu.wait_dma2 semaphore(%run_scoped3A_73 : memref<!tpu.dma_semaphore, #tpu.memory_space<semaphore_mem>>) src(%arg10 : memref<16x128xf32, #tpu.memory_space<vmem>>) dst(%dma_wait3A_81 : memref<16x128xf32, #tpu.memory_space<vmem_shared>>)
        tpu.yield
      }) : () -> ()
      %scan3A_72 = arith.constant 0 : i32
      scf.yield %scan3A_72 : i32
    }
    %scan3A_18 = arith.constant 39 : i32
    %eq3A = arith.constant 15 : i32
    %eq3A_19 = arith.cmpi eq, %arg1, %eq3A : i32
    %convert_element_type3A = arith.extui %eq3A_19 : i1 to i32
    %cond3A = arith.constant 0 : i32
    %cond3A_20 = arith.cmpi ne, %convert_element_type3A, %cond3A : i32
    scf.if %cond3A_20 {
      "tpu.region"() ({
        %run_scoped3A_65 = tpu.sem_alloc : memref<!tpu.dma_semaphore, #tpu.memory_space<semaphore_mem>>
        %dma_start3A_66 = arith.constant 9984 : i32
        %dma_start3A_67 = arith.constant 0 : i32
        %dma_start3A_68 = tpu.memref_slice %arg17[%dma_start3A_66, %dma_start3A_67] : memref<10000x128xf32, #tpu.memory_space<vmem_shared>> -> memref<16x128xf32, #tpu.memory_space<vmem_shared>>
        %dma_start3A_69 = arith.constant 9984 : i32
        %dma_start3A_70 = arith.constant 0 : i32
        %dma_start3A_71 = tpu.memref_slice %arg17[%dma_start3A_69, %dma_start3A_70] : memref<10000x128xf32, #tpu.memory_space<vmem_shared>> -> memref<16x128xf32, #tpu.memory_space<vmem_shared>>
        tpu.enqueue_dma source(%arg10 : memref<16x128xf32, #tpu.memory_space<vmem>>) target(%dma_start3A_71 : memref<16x128xf32, #tpu.memory_space<vmem_shared>>) target_semaphore(%run_scoped3A_65 : memref<!tpu.dma_semaphore, #tpu.memory_space<semaphore_mem>>)
        %dma_wait3A_72 = arith.constant 9984 : i32
        %dma_wait3A_73 = arith.constant 0 : i32
        %dma_wait3A_74 = tpu.memref_slice %arg17[%dma_wait3A_72, %dma_wait3A_73] : memref<10000x128xf32, #tpu.memory_space<vmem_shared>> -> memref<16x128xf32, #tpu.memory_space<vmem_shared>>
        %dma_wait3A_75 = arith.constant 9984 : i32
        %dma_wait3A_76 = arith.constant 0 : i32
        %dma_wait3A_77 = tpu.memref_slice %arg17[%dma_wait3A_75, %dma_wait3A_76] : memref<10000x128xf32, #tpu.memory_space<vmem_shared>> -> memref<16x128xf32, #tpu.memory_space<vmem_shared>>
        tpu.wait_dma2 semaphore(%run_scoped3A_65 : memref<!tpu.dma_semaphore, #tpu.memory_space<semaphore_mem>>) src(%arg10 : memref<16x128xf32, #tpu.memory_space<vmem>>) dst(%dma_wait3A_77 : memref<16x128xf32, #tpu.memory_space<vmem_shared>>)
        tpu.yield
      }) : () -> ()
    } else {
    }
    %barrier3A = arith.constant 0 : index
    tpu.barrier barrier_id(%barrier3A)
    %run_scoped3A = arith.constant 0 : i32
    "tpu.region"() ({
      %run_scoped3A_65 = tpu.sem_alloc : memref<!tpu.dma_semaphore, #tpu.memory_space<semaphore_mem>>
      %dma_start3A_66 = arith.constant 0 : i32
      %dma_start3A_67 = arith.constant 0 : i32
      %dma_start3A_68 = tpu.memref_slice %arg6[%run_scoped3A, %dma_start3A_66, %dma_start3A_67] : memref<2x1x128xi32, #tpu.memory_space<vmem>> -> memref<1x1x128xi32, #tpu.memory_space<vmem>>
      %dma_start3A_69 = tpu.memref_squeeze %dma_start3A_68 : memref<1x1x128xi32, #tpu.memory_space<vmem>> -> memref<1x128xi32, #tpu.memory_space<vmem>>
      %dma_start3A_70 = arith.constant 0 : i32
      %dma_start3A_71 = arith.constant 0 : i32
      %dma_start3A_72 = tpu.memref_slice %arg3[%add3A_4, %dma_start3A_70, %dma_start3A_71] : memref<2500x1x128xi32, #tpu.memory_space<hbm>> -> memref<1x1x128xi32, #tpu.memory_space<hbm>>
      %dma_start3A_73 = tpu.memref_squeeze %dma_start3A_72 : memref<1x1x128xi32, #tpu.memory_space<hbm>> -> memref<1x128xi32, #tpu.memory_space<hbm>>
      %dma_start3A_74 = arith.constant 0 : i32
      %dma_start3A_75 = arith.constant 0 : i32
      %dma_start3A_76 = tpu.memref_slice %arg6[%run_scoped3A, %dma_start3A_74, %dma_start3A_75] : memref<2x1x128xi32, #tpu.memory_space<vmem>> -> memref<1x1x128xi32, #tpu.memory_space<vmem>>
      %dma_start3A_77 = tpu.memref_squeeze %dma_start3A_76 : memref<1x1x128xi32, #tpu.memory_space<vmem>> -> memref<1x128xi32, #tpu.memory_space<vmem>>
      %dma_start3A_78 = arith.constant 0 : i32
      %dma_start3A_79 = arith.constant 0 : i32
      %dma_start3A_80 = tpu.memref_slice %arg3[%add3A_4, %dma_start3A_78, %dma_start3A_79] : memref<2500x1x128xi32, #tpu.memory_space<hbm>> -> memref<1x1x128xi32, #tpu.memory_space<hbm>>
      %dma_start3A_81 = tpu.memref_squeeze %dma_start3A_80 : memref<1x1x128xi32, #tpu.memory_space<hbm>> -> memref<1x128xi32, #tpu.memory_space<hbm>>
      tpu.enqueue_dma source(%dma_start3A_81 : memref<1x128xi32, #tpu.memory_space<hbm>>) target(%dma_start3A_77 : memref<1x128xi32, #tpu.memory_space<vmem>>) target_semaphore(%run_scoped3A_65 : memref<!tpu.dma_semaphore, #tpu.memory_space<semaphore_mem>>)
      %dma_wait3A_82 = arith.constant 0 : i32
      %dma_wait3A_83 = arith.constant 0 : i32
      %dma_wait3A_84 = tpu.memref_slice %arg6[%run_scoped3A, %dma_wait3A_82, %dma_wait3A_83] : memref<2x1x128xi32, #tpu.memory_space<vmem>> -> memref<1x1x128xi32, #tpu.memory_space<vmem>>
      %dma_wait3A_85 = tpu.memref_squeeze %dma_wait3A_84 : memref<1x1x128xi32, #tpu.memory_space<vmem>> -> memref<1x128xi32, #tpu.memory_space<vmem>>
      %dma_wait3A_86 = arith.constant 0 : i32
      %dma_wait3A_87 = arith.constant 0 : i32
      %dma_wait3A_88 = tpu.memref_slice %arg3[%add3A_4, %dma_wait3A_86, %dma_wait3A_87] : memref<2500x1x128xi32, #tpu.memory_space<hbm>> -> memref<1x1x128xi32, #tpu.memory_space<hbm>>
      %dma_wait3A_89 = tpu.memref_squeeze %dma_wait3A_88 : memref<1x1x128xi32, #tpu.memory_space<hbm>> -> memref<1x128xi32, #tpu.memory_space<hbm>>
      %dma_wait3A_90 = arith.constant 0 : i32
      %dma_wait3A_91 = arith.constant 0 : i32
      %dma_wait3A_92 = tpu.memref_slice %arg6[%run_scoped3A, %dma_wait3A_90, %dma_wait3A_91] : memref<2x1x128xi32, #tpu.memory_space<vmem>> -> memref<1x1x128xi32, #tpu.memory_space<vmem>>
      %dma_wait3A_93 = tpu.memref_squeeze %dma_wait3A_92 : memref<1x1x128xi32, #tpu.memory_space<vmem>> -> memref<1x128xi32, #tpu.memory_space<vmem>>
      %dma_wait3A_94 = arith.constant 0 : i32
      %dma_wait3A_95 = arith.constant 0 : i32
      %dma_wait3A_96 = tpu.memref_slice %arg3[%add3A_4, %dma_wait3A_94, %dma_wait3A_95] : memref<2500x1x128xi32, #tpu.memory_space<hbm>> -> memref<1x1x128xi32, #tpu.memory_space<hbm>>
      %dma_wait3A_97 = tpu.memref_squeeze %dma_wait3A_96 : memref<1x1x128xi32, #tpu.memory_space<hbm>> -> memref<1x128xi32, #tpu.memory_space<hbm>>
      tpu.wait_dma2 semaphore(%run_scoped3A_65 : memref<!tpu.dma_semaphore, #tpu.memory_space<semaphore_mem>>) src(%dma_wait3A_97 : memref<1x128xi32, #tpu.memory_space<hbm>>) dst(%dma_wait3A_93 : memref<1x128xi32, #tpu.memory_space<vmem>>)
      tpu.yield
    }) : () -> ()
    %run_scoped3A_21 = arith.constant 0 : i32
    "tpu.region"() ({
      %run_scoped3A_65 = tpu.sem_alloc : memref<!tpu.dma_semaphore, #tpu.memory_space<semaphore_mem>>
      %dma_start3A_66 = arith.constant 0 : i32
      %dma_start3A_67 = arith.constant 0 : i32
      %dma_start3A_68 = tpu.memref_slice %arg7[%run_scoped3A_21, %dma_start3A_66, %dma_start3A_67] : memref<2x1x128xi32, #tpu.memory_space<vmem>> -> memref<1x1x128xi32, #tpu.memory_space<vmem>>
      %dma_start3A_69 = tpu.memref_squeeze %dma_start3A_68 : memref<1x1x128xi32, #tpu.memory_space<vmem>> -> memref<1x128xi32, #tpu.memory_space<vmem>>
      %dma_start3A_70 = arith.constant 0 : i32
      %dma_start3A_71 = arith.constant 0 : i32
      %dma_start3A_72 = tpu.memref_slice %arg4[%add3A_4, %dma_start3A_70, %dma_start3A_71] : memref<2500x1x128xi32, #tpu.memory_space<hbm>> -> memref<1x1x128xi32, #tpu.memory_space<hbm>>
      %dma_start3A_73 = tpu.memref_squeeze %dma_start3A_72 : memref<1x1x128xi32, #tpu.memory_space<hbm>> -> memref<1x128xi32, #tpu.memory_space<hbm>>
      %dma_start3A_74 = arith.constant 0 : i32
      %dma_start3A_75 = arith.constant 0 : i32
      %dma_start3A_76 = tpu.memref_slice %arg7[%run_scoped3A_21, %dma_start3A_74, %dma_start3A_75] : memref<2x1x128xi32, #tpu.memory_space<vmem>> -> memref<1x1x128xi32, #tpu.memory_space<vmem>>
      %dma_start3A_77 = tpu.memref_squeeze %dma_start3A_76 : memref<1x1x128xi32, #tpu.memory_space<vmem>> -> memref<1x128xi32, #tpu.memory_space<vmem>>
      %dma_start3A_78 = arith.constant 0 : i32
      %dma_start3A_79 = arith.constant 0 : i32
      %dma_start3A_80 = tpu.memref_slice %arg4[%add3A_4, %dma_start3A_78, %dma_start3A_79] : memref<2500x1x128xi32, #tpu.memory_space<hbm>> -> memref<1x1x128xi32, #tpu.memory_space<hbm>>
      %dma_start3A_81 = tpu.memref_squeeze %dma_start3A_80 : memref<1x1x128xi32, #tpu.memory_space<hbm>> -> memref<1x128xi32, #tpu.memory_space<hbm>>
      tpu.enqueue_dma source(%dma_start3A_81 : memref<1x128xi32, #tpu.memory_space<hbm>>) target(%dma_start3A_77 : memref<1x128xi32, #tpu.memory_space<vmem>>) target_semaphore(%run_scoped3A_65 : memref<!tpu.dma_semaphore, #tpu.memory_space<semaphore_mem>>)
      %dma_wait3A_82 = arith.constant 0 : i32
      %dma_wait3A_83 = arith.constant 0 : i32
      %dma_wait3A_84 = tpu.memref_slice %arg7[%run_scoped3A_21, %dma_wait3A_82, %dma_wait3A_83] : memref<2x1x128xi32, #tpu.memory_space<vmem>> -> memref<1x1x128xi32, #tpu.memory_space<vmem>>
      %dma_wait3A_85 = tpu.memref_squeeze %dma_wait3A_84 : memref<1x1x128xi32, #tpu.memory_space<vmem>> -> memref<1x128xi32, #tpu.memory_space<vmem>>
      %dma_wait3A_86 = arith.constant 0 : i32
      %dma_wait3A_87 = arith.constant 0 : i32
      %dma_wait3A_88 = tpu.memref_slice %arg4[%add3A_4, %dma_wait3A_86, %dma_wait3A_87] : memref<2500x1x128xi32, #tpu.memory_space<hbm>> -> memref<1x1x128xi32, #tpu.memory_space<hbm>>
      %dma_wait3A_89 = tpu.memref_squeeze %dma_wait3A_88 : memref<1x1x128xi32, #tpu.memory_space<hbm>> -> memref<1x128xi32, #tpu.memory_space<hbm>>
      %dma_wait3A_90 = arith.constant 0 : i32
      %dma_wait3A_91 = arith.constant 0 : i32
      %dma_wait3A_92 = tpu.memref_slice %arg7[%run_scoped3A_21, %dma_wait3A_90, %dma_wait3A_91] : memref<2x1x128xi32, #tpu.memory_space<vmem>> -> memref<1x1x128xi32, #tpu.memory_space<vmem>>
      %dma_wait3A_93 = tpu.memref_squeeze %dma_wait3A_92 : memref<1x1x128xi32, #tpu.memory_space<vmem>> -> memref<1x128xi32, #tpu.memory_space<vmem>>
      %dma_wait3A_94 = arith.constant 0 : i32
      %dma_wait3A_95 = arith.constant 0 : i32
      %dma_wait3A_96 = tpu.memref_slice %arg4[%add3A_4, %dma_wait3A_94, %dma_wait3A_95] : memref<2500x1x128xi32, #tpu.memory_space<hbm>> -> memref<1x1x128xi32, #tpu.memory_space<hbm>>
      %dma_wait3A_97 = tpu.memref_squeeze %dma_wait3A_96 : memref<1x1x128xi32, #tpu.memory_space<hbm>> -> memref<1x128xi32, #tpu.memory_space<hbm>>
      tpu.wait_dma2 semaphore(%run_scoped3A_65 : memref<!tpu.dma_semaphore, #tpu.memory_space<semaphore_mem>>) src(%dma_wait3A_97 : memref<1x128xi32, #tpu.memory_space<hbm>>) dst(%dma_wait3A_93 : memref<1x128xi32, #tpu.memory_space<vmem>>)
      tpu.yield
    }) : () -> ()
    %dma_start3A = arith.constant 0 : i32
    %dma_start3A_22 = arith.constant 0 : i32
    %dma_start3A_23 = arith.constant 0 : i32
    %dma_start3A_24 = tpu.memref_slice %arg6[%dma_start3A, %dma_start3A_22, %dma_start3A_23] : memref<2x1x128xi32, #tpu.memory_space<vmem>> -> memref<1x1x128xi32, #tpu.memory_space<vmem>>
    %dma_start3A_25 = tpu.memref_squeeze %dma_start3A_24 : memref<1x1x128xi32, #tpu.memory_space<vmem>> -> memref<128xi32, #tpu.memory_space<vmem>>
    %dma_start3A_26 = arith.constant 0 : i32
    %dma_start3A_27 = arith.constant 0 : i32
    %dma_start3A_28 = tpu.memref_slice %arg2[%dma_start3A_26, %dma_start3A_27] : memref<10000x128xf32, #tpu.memory_space<hbm>> -> memref<10000x128xf32, #tpu.memory_space<hbm>>
    tpu.enqueue_indirect_dma source(%dma_start3A_28 : memref<10000x128xf32, #tpu.memory_space<hbm>>) target(%arg8 : memref<128x128xf32, #tpu.memory_space<vmem>>) offsets(%dma_start3A_25 : memref<128xi32, #tpu.memory_space<vmem>>) semaphore(%arg11 : memref<!tpu.dma_semaphore, #tpu.memory_space<semaphore_mem>>)
    %scan3A_29 = arith.constant 0 : i32
    %scan3A_30 = arith.constant 0 : i32
    %scan3A_31 = arith.constant 39 : i32
    %scan3A_32 = arith.addi %scan3A_30, %scan3A_31 : i32
    %scan3A_33 = arith.constant 1 : i32
    %scan3A_34 = scf.for %scan3A_65 = %scan3A_30 to %scan3A_32 step %scan3A_33 iter_args(%scan3A_66 = %scan3A_29) -> (i32)  : i32 {
      %mul3A_67 = arith.constant 2 : i32
      %mul3A_68 = arith.muli %mul3A_67, %scan3A_65 : i32
      %add3A_69 = arith.addi %add3A_4, %mul3A_68 : i32
      %add3A_70 = arith.constant 1 : i32
      %add3A_71 = arith.addi %add3A_69, %add3A_70 : i32
      %min3A_72 = arith.constant 2499 : i32
      %min3A_73 = arith.minsi %add3A_71, %min3A_72 : i32
      %mul3A_74 = arith.constant 2 : i32
      %mul3A_75 = arith.muli %mul3A_74, %scan3A_65 : i32
      %add3A_76 = arith.addi %add3A_4, %mul3A_75 : i32
      %add3A_77 = arith.constant 2 : i32
      %add3A_78 = arith.addi %add3A_76, %add3A_77 : i32
      %min3A_79 = arith.constant 2499 : i32
      %min3A_80 = arith.minsi %add3A_78, %min3A_79 : i32
      %dma_wait3A_81 = arith.constant 0 : i32
      %dma_wait3A_82 = arith.constant 0 : i32
      %dma_wait3A_83 = arith.constant 0 : i32
      %dma_wait3A_84 = tpu.memref_slice %arg6[%dma_wait3A_81, %dma_wait3A_82, %dma_wait3A_83] : memref<2x1x128xi32, #tpu.memory_space<vmem>> -> memref<1x1x128xi32, #tpu.memory_space<vmem>>
      %dma_wait3A_85 = tpu.memref_squeeze %dma_wait3A_84 : memref<1x1x128xi32, #tpu.memory_space<vmem>> -> memref<128xi32, #tpu.memory_space<vmem>>
      %dma_wait3A_86 = arith.constant 0 : i32
      %dma_wait3A_87 = arith.constant 0 : i32
      %dma_wait3A_88 = tpu.memref_slice %arg2[%dma_wait3A_86, %dma_wait3A_87] : memref<10000x128xf32, #tpu.memory_space<hbm>> -> memref<10000x128xf32, #tpu.memory_space<hbm>>
      tpu.wait_indirect_dma semaphore(%arg11 : memref<!tpu.dma_semaphore, #tpu.memory_space<semaphore_mem>>) src(%dma_wait3A_88 : memref<10000x128xf32, #tpu.memory_space<hbm>>) dst(%arg8 : memref<128x128xf32, #tpu.memory_space<vmem>>)
      %dma_start3A_89 = arith.constant 1 : i32
      %dma_start3A_90 = arith.constant 0 : i32
      %dma_start3A_91 = arith.constant 0 : i32
      %dma_start3A_92 = tpu.memref_slice %arg6[%dma_start3A_89, %dma_start3A_90, %dma_start3A_91] : memref<2x1x128xi32, #tpu.memory_space<vmem>> -> memref<1x1x128xi32, #tpu.memory_space<vmem>>
      %dma_start3A_93 = tpu.memref_squeeze %dma_start3A_92 : memref<1x1x128xi32, #tpu.memory_space<vmem>> -> memref<1x128xi32, #tpu.memory_space<vmem>>
      %dma_start3A_94 = arith.constant 0 : i32
      %dma_start3A_95 = arith.constant 0 : i32
      %dma_start3A_96 = tpu.memref_slice %arg3[%min3A_73, %dma_start3A_94, %dma_start3A_95] : memref<2500x1x128xi32, #tpu.memory_space<hbm>> -> memref<1x1x128xi32, #tpu.memory_space<hbm>>
      %dma_start3A_97 = tpu.memref_squeeze %dma_start3A_96 : memref<1x1x128xi32, #tpu.memory_space<hbm>> -> memref<1x128xi32, #tpu.memory_space<hbm>>
      %dma_start3A_98 = arith.constant 0 : i32
      %dma_start3A_99 = arith.constant 0 : i32
      %dma_start3A_100 = tpu.memref_slice %arg6[%dma_start3A_89, %dma_start3A_98, %dma_start3A_99] : memref<2x1x128xi32, #tpu.memory_space<vmem>> -> memref<1x1x128xi32, #tpu.memory_space<vmem>>
      %dma_start3A_101 = tpu.memref_squeeze %dma_start3A_100 : memref<1x1x128xi32, #tpu.memory_space<vmem>> -> memref<1x128xi32, #tpu.memory_space<vmem>>
      %dma_start3A_102 = arith.constant 0 : i32
      %dma_start3A_103 = arith.constant 0 : i32
      %dma_start3A_104 = tpu.memref_slice %arg3[%min3A_73, %dma_start3A_102, %dma_start3A_103] : memref<2500x1x128xi32, #tpu.memory_space<hbm>> -> memref<1x1x128xi32, #tpu.memory_space<hbm>>
      %dma_start3A_105 = tpu.memref_squeeze %dma_start3A_104 : memref<1x1x128xi32, #tpu.memory_space<hbm>> -> memref<1x128xi32, #tpu.memory_space<hbm>>
      tpu.enqueue_dma source(%dma_start3A_105 : memref<1x128xi32, #tpu.memory_space<hbm>>) target(%dma_start3A_101 : memref<1x128xi32, #tpu.memory_space<vmem>>) target_semaphore(%arg16 : memref<!tpu.dma_semaphore, #tpu.memory_space<semaphore_mem>>)
      %gt3A = arith.constant 0 : i32
      %gt3A_106 = arith.cmpi sgt, %scan3A_65, %gt3A : i32
      %convert_element_type3A_107 = arith.extui %gt3A_106 : i1 to i32
      %cond3A_108 = arith.constant 0 : i32
      %cond3A_109 = arith.cmpi ne, %convert_element_type3A_107, %cond3A_108 : i32
      scf.if %cond3A_109 {
        %dma_wait3A_278 = arith.constant 1 : i32
        %dma_wait3A_279 = arith.constant 0 : i32
        %dma_wait3A_280 = arith.constant 0 : i32
        %dma_wait3A_281 = tpu.memref_slice %arg7[%dma_wait3A_278, %dma_wait3A_279, %dma_wait3A_280] : memref<2x1x128xi32, #tpu.memory_space<vmem>> -> memref<1x1x128xi32, #tpu.memory_space<vmem>>
        %dma_wait3A_282 = tpu.memref_squeeze %dma_wait3A_281 : memref<1x1x128xi32, #tpu.memory_space<vmem>> -> memref<128xi32, #tpu.memory_space<vmem>>
        %dma_wait3A_283 = arith.constant 0 : i32
        %dma_wait3A_284 = arith.constant 0 : i32
        %dma_wait3A_285 = tpu.memref_slice %arg17[%dma_wait3A_283, %dma_wait3A_284] : memref<10000x128xf32, #tpu.memory_space<vmem_shared>> -> memref<10000x128xf32, #tpu.memory_space<vmem_shared>>
        tpu.wait_indirect_dma semaphore(%arg14 : memref<!tpu.dma_semaphore, #tpu.memory_space<semaphore_mem>>) src(%arg9 : memref<128x128xf32, #tpu.memory_space<vmem>>) dst(%dma_wait3A_285 : memref<10000x128xf32, #tpu.memory_space<vmem_shared>>)
      } else {
      }
      %dma_start3A_110 = arith.constant 1 : i32
      %dma_start3A_111 = arith.constant 0 : i32
      %dma_start3A_112 = arith.constant 0 : i32
      %dma_start3A_113 = tpu.memref_slice %arg7[%dma_start3A_110, %dma_start3A_111, %dma_start3A_112] : memref<2x1x128xi32, #tpu.memory_space<vmem>> -> memref<1x1x128xi32, #tpu.memory_space<vmem>>
      %dma_start3A_114 = tpu.memref_squeeze %dma_start3A_113 : memref<1x1x128xi32, #tpu.memory_space<vmem>> -> memref<1x128xi32, #tpu.memory_space<vmem>>
      %dma_start3A_115 = arith.constant 0 : i32
      %dma_start3A_116 = arith.constant 0 : i32
      %dma_start3A_117 = tpu.memref_slice %arg4[%min3A_73, %dma_start3A_115, %dma_start3A_116] : memref<2500x1x128xi32, #tpu.memory_space<hbm>> -> memref<1x1x128xi32, #tpu.memory_space<hbm>>
      %dma_start3A_118 = tpu.memref_squeeze %dma_start3A_117 : memref<1x1x128xi32, #tpu.memory_space<hbm>> -> memref<1x128xi32, #tpu.memory_space<hbm>>
      %dma_start3A_119 = arith.constant 0 : i32
      %dma_start3A_120 = arith.constant 0 : i32
      %dma_start3A_121 = tpu.memref_slice %arg7[%dma_start3A_110, %dma_start3A_119, %dma_start3A_120] : memref<2x1x128xi32, #tpu.memory_space<vmem>> -> memref<1x1x128xi32, #tpu.memory_space<vmem>>
      %dma_start3A_122 = tpu.memref_squeeze %dma_start3A_121 : memref<1x1x128xi32, #tpu.memory_space<vmem>> -> memref<1x128xi32, #tpu.memory_space<vmem>>
      %dma_start3A_123 = arith.constant 0 : i32
      %dma_start3A_124 = arith.constant 0 : i32
      %dma_start3A_125 = tpu.memref_slice %arg4[%min3A_73, %dma_start3A_123, %dma_start3A_124] : memref<2500x1x128xi32, #tpu.memory_space<hbm>> -> memref<1x1x128xi32, #tpu.memory_space<hbm>>
      %dma_start3A_126 = tpu.memref_squeeze %dma_start3A_125 : memref<1x1x128xi32, #tpu.memory_space<hbm>> -> memref<1x128xi32, #tpu.memory_space<hbm>>
      tpu.enqueue_dma source(%dma_start3A_126 : memref<1x128xi32, #tpu.memory_space<hbm>>) target(%dma_start3A_122 : memref<1x128xi32, #tpu.memory_space<vmem>>) target_semaphore(%arg16 : memref<!tpu.dma_semaphore, #tpu.memory_space<semaphore_mem>>)
      %dma_wait3A_127 = arith.constant 1 : i32
      %dma_wait3A_128 = arith.constant 0 : i32
      %dma_wait3A_129 = arith.constant 0 : i32
      %dma_wait3A_130 = tpu.memref_slice %arg6[%dma_wait3A_127, %dma_wait3A_128, %dma_wait3A_129] : memref<2x1x128xi32, #tpu.memory_space<vmem>> -> memref<1x1x128xi32, #tpu.memory_space<vmem>>
      %dma_wait3A_131 = tpu.memref_squeeze %dma_wait3A_130 : memref<1x1x128xi32, #tpu.memory_space<vmem>> -> memref<1x128xi32, #tpu.memory_space<vmem>>
      %dma_wait3A_132 = arith.constant 0 : i32
      %dma_wait3A_133 = arith.constant 0 : i32
      %dma_wait3A_134 = tpu.memref_slice %arg3[%min3A_73, %dma_wait3A_132, %dma_wait3A_133] : memref<2500x1x128xi32, #tpu.memory_space<hbm>> -> memref<1x1x128xi32, #tpu.memory_space<hbm>>
      %dma_wait3A_135 = tpu.memref_squeeze %dma_wait3A_134 : memref<1x1x128xi32, #tpu.memory_space<hbm>> -> memref<1x128xi32, #tpu.memory_space<hbm>>
      %dma_wait3A_136 = arith.constant 0 : i32
      %dma_wait3A_137 = arith.constant 0 : i32
      %dma_wait3A_138 = tpu.memref_slice %arg6[%dma_wait3A_127, %dma_wait3A_136, %dma_wait3A_137] : memref<2x1x128xi32, #tpu.memory_space<vmem>> -> memref<1x1x128xi32, #tpu.memory_space<vmem>>
      %dma_wait3A_139 = tpu.memref_squeeze %dma_wait3A_138 : memref<1x1x128xi32, #tpu.memory_space<vmem>> -> memref<1x128xi32, #tpu.memory_space<vmem>>
      %dma_wait3A_140 = arith.constant 0 : i32
      %dma_wait3A_141 = arith.constant 0 : i32
      %dma_wait3A_142 = tpu.memref_slice %arg3[%min3A_73, %dma_wait3A_140, %dma_wait3A_141] : memref<2500x1x128xi32, #tpu.memory_space<hbm>> -> memref<1x1x128xi32, #tpu.memory_space<hbm>>
      %dma_wait3A_143 = tpu.memref_squeeze %dma_wait3A_142 : memref<1x1x128xi32, #tpu.memory_space<hbm>> -> memref<1x128xi32, #tpu.memory_space<hbm>>
      tpu.wait_dma2 semaphore(%arg16 : memref<!tpu.dma_semaphore, #tpu.memory_space<semaphore_mem>>) src(%dma_wait3A_143 : memref<1x128xi32, #tpu.memory_space<hbm>>) dst(%dma_wait3A_139 : memref<1x128xi32, #tpu.memory_space<vmem>>)
      %dma_wait3A_144 = arith.constant 1 : i32
      %dma_wait3A_145 = arith.constant 0 : i32
      %dma_wait3A_146 = arith.constant 0 : i32
      %dma_wait3A_147 = tpu.memref_slice %arg7[%dma_wait3A_144, %dma_wait3A_145, %dma_wait3A_146] : memref<2x1x128xi32, #tpu.memory_space<vmem>> -> memref<1x1x128xi32, #tpu.memory_space<vmem>>
      %dma_wait3A_148 = tpu.memref_squeeze %dma_wait3A_147 : memref<1x1x128xi32, #tpu.memory_space<vmem>> -> memref<1x128xi32, #tpu.memory_space<vmem>>
      %dma_wait3A_149 = arith.constant 0 : i32
      %dma_wait3A_150 = arith.constant 0 : i32
      %dma_wait3A_151 = tpu.memref_slice %arg4[%min3A_73, %dma_wait3A_149, %dma_wait3A_150] : memref<2500x1x128xi32, #tpu.memory_space<hbm>> -> memref<1x1x128xi32, #tpu.memory_space<hbm>>
      %dma_wait3A_152 = tpu.memref_squeeze %dma_wait3A_151 : memref<1x1x128xi32, #tpu.memory_space<hbm>> -> memref<1x128xi32, #tpu.memory_space<hbm>>
      %dma_wait3A_153 = arith.constant 0 : i32
      %dma_wait3A_154 = arith.constant 0 : i32
      %dma_wait3A_155 = tpu.memref_slice %arg7[%dma_wait3A_144, %dma_wait3A_153, %dma_wait3A_154] : memref<2x1x128xi32, #tpu.memory_space<vmem>> -> memref<1x1x128xi32, #tpu.memory_space<vmem>>
      %dma_wait3A_156 = tpu.memref_squeeze %dma_wait3A_155 : memref<1x1x128xi32, #tpu.memory_space<vmem>> -> memref<1x128xi32, #tpu.memory_space<vmem>>
      %dma_wait3A_157 = arith.constant 0 : i32
      %dma_wait3A_158 = arith.constant 0 : i32
      %dma_wait3A_159 = tpu.memref_slice %arg4[%min3A_73, %dma_wait3A_157, %dma_wait3A_158] : memref<2500x1x128xi32, #tpu.memory_space<hbm>> -> memref<1x1x128xi32, #tpu.memory_space<hbm>>
      %dma_wait3A_160 = tpu.memref_squeeze %dma_wait3A_159 : memref<1x1x128xi32, #tpu.memory_space<hbm>> -> memref<1x128xi32, #tpu.memory_space<hbm>>
      tpu.wait_dma2 semaphore(%arg16 : memref<!tpu.dma_semaphore, #tpu.memory_space<semaphore_mem>>) src(%dma_wait3A_160 : memref<1x128xi32, #tpu.memory_space<hbm>>) dst(%dma_wait3A_156 : memref<1x128xi32, #tpu.memory_space<vmem>>)
      %dma_start3A_161 = arith.constant 1 : i32
      %dma_start3A_162 = arith.constant 0 : i32
      %dma_start3A_163 = arith.constant 0 : i32
      %dma_start3A_164 = tpu.memref_slice %arg6[%dma_start3A_161, %dma_start3A_162, %dma_start3A_163] : memref<2x1x128xi32, #tpu.memory_space<vmem>> -> memref<1x1x128xi32, #tpu.memory_space<vmem>>
      %dma_start3A_165 = tpu.memref_squeeze %dma_start3A_164 : memref<1x1x128xi32, #tpu.memory_space<vmem>> -> memref<128xi32, #tpu.memory_space<vmem>>
      %dma_start3A_166 = arith.constant 0 : i32
      %dma_start3A_167 = arith.constant 0 : i32
      %dma_start3A_168 = tpu.memref_slice %arg2[%dma_start3A_166, %dma_start3A_167] : memref<10000x128xf32, #tpu.memory_space<hbm>> -> memref<10000x128xf32, #tpu.memory_space<hbm>>
      tpu.enqueue_indirect_dma source(%dma_start3A_168 : memref<10000x128xf32, #tpu.memory_space<hbm>>) target(%arg9 : memref<128x128xf32, #tpu.memory_space<vmem>>) offsets(%dma_start3A_165 : memref<128xi32, #tpu.memory_space<vmem>>) semaphore(%arg12 : memref<!tpu.dma_semaphore, #tpu.memory_space<semaphore_mem>>)
      %dma_start3A_169 = arith.constant 0 : i32
      %dma_start3A_170 = arith.constant 0 : i32
      %dma_start3A_171 = arith.constant 0 : i32
      %dma_start3A_172 = tpu.memref_slice %arg7[%dma_start3A_169, %dma_start3A_170, %dma_start3A_171] : memref<2x1x128xi32, #tpu.memory_space<vmem>> -> memref<1x1x128xi32, #tpu.memory_space<vmem>>
      %dma_start3A_173 = tpu.memref_squeeze %dma_start3A_172 : memref<1x1x128xi32, #tpu.memory_space<vmem>> -> memref<128xi32, #tpu.memory_space<vmem>>
      %dma_start3A_174 = arith.constant 0 : i32
      %dma_start3A_175 = arith.constant 0 : i32
      %dma_start3A_176 = tpu.memref_slice %arg17[%dma_start3A_174, %dma_start3A_175] : memref<10000x128xf32, #tpu.memory_space<vmem_shared>> -> memref<10000x128xf32, #tpu.memory_space<vmem_shared>>
      tpu.enqueue_indirect_dma source(%arg8 : memref<128x128xf32, #tpu.memory_space<vmem>>) target(%dma_start3A_176 : memref<10000x128xf32, #tpu.memory_space<vmem_shared>>) offsets(%dma_start3A_173 : memref<128xi32, #tpu.memory_space<vmem>>) semaphore(%arg13 : memref<!tpu.dma_semaphore, #tpu.memory_space<semaphore_mem>>) {add = true}
      %dma_start3A_177 = arith.constant 0 : i32
      %dma_start3A_178 = arith.constant 0 : i32
      %dma_start3A_179 = arith.constant 0 : i32
      %dma_start3A_180 = tpu.memref_slice %arg6[%dma_start3A_177, %dma_start3A_178, %dma_start3A_179] : memref<2x1x128xi32, #tpu.memory_space<vmem>> -> memref<1x1x128xi32, #tpu.memory_space<vmem>>
      %dma_start3A_181 = tpu.memref_squeeze %dma_start3A_180 : memref<1x1x128xi32, #tpu.memory_space<vmem>> -> memref<1x128xi32, #tpu.memory_space<vmem>>
      %dma_start3A_182 = arith.constant 0 : i32
      %dma_start3A_183 = arith.constant 0 : i32
      %dma_start3A_184 = tpu.memref_slice %arg3[%min3A_80, %dma_start3A_182, %dma_start3A_183] : memref<2500x1x128xi32, #tpu.memory_space<hbm>> -> memref<1x1x128xi32, #tpu.memory_space<hbm>>
      %dma_start3A_185 = tpu.memref_squeeze %dma_start3A_184 : memref<1x1x128xi32, #tpu.memory_space<hbm>> -> memref<1x128xi32, #tpu.memory_space<hbm>>
      %dma_start3A_186 = arith.constant 0 : i32
      %dma_start3A_187 = arith.constant 0 : i32
      %dma_start3A_188 = tpu.memref_slice %arg6[%dma_start3A_177, %dma_start3A_186, %dma_start3A_187] : memref<2x1x128xi32, #tpu.memory_space<vmem>> -> memref<1x1x128xi32, #tpu.memory_space<vmem>>
      %dma_start3A_189 = tpu.memref_squeeze %dma_start3A_188 : memref<1x1x128xi32, #tpu.memory_space<vmem>> -> memref<1x128xi32, #tpu.memory_space<vmem>>
      %dma_start3A_190 = arith.constant 0 : i32
      %dma_start3A_191 = arith.constant 0 : i32
      %dma_start3A_192 = tpu.memref_slice %arg3[%min3A_80, %dma_start3A_190, %dma_start3A_191] : memref<2500x1x128xi32, #tpu.memory_space<hbm>> -> memref<1x1x128xi32, #tpu.memory_space<hbm>>
      %dma_start3A_193 = tpu.memref_squeeze %dma_start3A_192 : memref<1x1x128xi32, #tpu.memory_space<hbm>> -> memref<1x128xi32, #tpu.memory_space<hbm>>
      tpu.enqueue_dma source(%dma_start3A_193 : memref<1x128xi32, #tpu.memory_space<hbm>>) target(%dma_start3A_189 : memref<1x128xi32, #tpu.memory_space<vmem>>) target_semaphore(%arg15 : memref<!tpu.dma_semaphore, #tpu.memory_space<semaphore_mem>>)
      %dma_wait3A_194 = arith.constant 1 : i32
      %dma_wait3A_195 = arith.constant 0 : i32
      %dma_wait3A_196 = arith.constant 0 : i32
      %dma_wait3A_197 = tpu.memref_slice %arg6[%dma_wait3A_194, %dma_wait3A_195, %dma_wait3A_196] : memref<2x1x128xi32, #tpu.memory_space<vmem>> -> memref<1x1x128xi32, #tpu.memory_space<vmem>>
      %dma_wait3A_198 = tpu.memref_squeeze %dma_wait3A_197 : memref<1x1x128xi32, #tpu.memory_space<vmem>> -> memref<128xi32, #tpu.memory_space<vmem>>
      %dma_wait3A_199 = arith.constant 0 : i32
      %dma_wait3A_200 = arith.constant 0 : i32
      %dma_wait3A_201 = tpu.memref_slice %arg2[%dma_wait3A_199, %dma_wait3A_200] : memref<10000x128xf32, #tpu.memory_space<hbm>> -> memref<10000x128xf32, #tpu.memory_space<hbm>>
      tpu.wait_indirect_dma semaphore(%arg12 : memref<!tpu.dma_semaphore, #tpu.memory_space<semaphore_mem>>) src(%dma_wait3A_201 : memref<10000x128xf32, #tpu.memory_space<hbm>>) dst(%arg9 : memref<128x128xf32, #tpu.memory_space<vmem>>)
      %dma_wait3A_202 = arith.constant 0 : i32
      %dma_wait3A_203 = arith.constant 0 : i32
      %dma_wait3A_204 = arith.constant 0 : i32
      %dma_wait3A_205 = tpu.memref_slice %arg7[%dma_wait3A_202, %dma_wait3A_203, %dma_wait3A_204] : memref<2x1x128xi32, #tpu.memory_space<vmem>> -> memref<1x1x128xi32, #tpu.memory_space<vmem>>
      %dma_wait3A_206 = tpu.memref_squeeze %dma_wait3A_205 : memref<1x1x128xi32, #tpu.memory_space<vmem>> -> memref<128xi32, #tpu.memory_space<vmem>>
      %dma_wait3A_207 = arith.constant 0 : i32
      %dma_wait3A_208 = arith.constant 0 : i32
      %dma_wait3A_209 = tpu.memref_slice %arg17[%dma_wait3A_207, %dma_wait3A_208] : memref<10000x128xf32, #tpu.memory_space<vmem_shared>> -> memref<10000x128xf32, #tpu.memory_space<vmem_shared>>
      tpu.wait_indirect_dma semaphore(%arg13 : memref<!tpu.dma_semaphore, #tpu.memory_space<semaphore_mem>>) src(%arg8 : memref<128x128xf32, #tpu.memory_space<vmem>>) dst(%dma_wait3A_209 : memref<10000x128xf32, #tpu.memory_space<vmem_shared>>)
      %dma_start3A_210 = arith.constant 0 : i32
      %dma_start3A_211 = arith.constant 0 : i32
      %dma_start3A_212 = arith.constant 0 : i32
      %dma_start3A_213 = tpu.memref_slice %arg7[%dma_start3A_210, %dma_start3A_211, %dma_start3A_212] : memref<2x1x128xi32, #tpu.memory_space<vmem>> -> memref<1x1x128xi32, #tpu.memory_space<vmem>>
      %dma_start3A_214 = tpu.memref_squeeze %dma_start3A_213 : memref<1x1x128xi32, #tpu.memory_space<vmem>> -> memref<1x128xi32, #tpu.memory_space<vmem>>
      %dma_start3A_215 = arith.constant 0 : i32
      %dma_start3A_216 = arith.constant 0 : i32
      %dma_start3A_217 = tpu.memref_slice %arg4[%min3A_80, %dma_start3A_215, %dma_start3A_216] : memref<2500x1x128xi32, #tpu.memory_space<hbm>> -> memref<1x1x128xi32, #tpu.memory_space<hbm>>
      %dma_start3A_218 = tpu.memref_squeeze %dma_start3A_217 : memref<1x1x128xi32, #tpu.memory_space<hbm>> -> memref<1x128xi32, #tpu.memory_space<hbm>>
      %dma_start3A_219 = arith.constant 0 : i32
      %dma_start3A_220 = arith.constant 0 : i32
      %dma_start3A_221 = tpu.memref_slice %arg7[%dma_start3A_210, %dma_start3A_219, %dma_start3A_220] : memref<2x1x128xi32, #tpu.memory_space<vmem>> -> memref<1x1x128xi32, #tpu.memory_space<vmem>>
      %dma_start3A_222 = tpu.memref_squeeze %dma_start3A_221 : memref<1x1x128xi32, #tpu.memory_space<vmem>> -> memref<1x128xi32, #tpu.memory_space<vmem>>
      %dma_start3A_223 = arith.constant 0 : i32
      %dma_start3A_224 = arith.constant 0 : i32
      %dma_start3A_225 = tpu.memref_slice %arg4[%min3A_80, %dma_start3A_223, %dma_start3A_224] : memref<2500x1x128xi32, #tpu.memory_space<hbm>> -> memref<1x1x128xi32, #tpu.memory_space<hbm>>
      %dma_start3A_226 = tpu.memref_squeeze %dma_start3A_225 : memref<1x1x128xi32, #tpu.memory_space<hbm>> -> memref<1x128xi32, #tpu.memory_space<hbm>>
      tpu.enqueue_dma source(%dma_start3A_226 : memref<1x128xi32, #tpu.memory_space<hbm>>) target(%dma_start3A_222 : memref<1x128xi32, #tpu.memory_space<vmem>>) target_semaphore(%arg15 : memref<!tpu.dma_semaphore, #tpu.memory_space<semaphore_mem>>)
      %dma_start3A_227 = arith.constant 1 : i32
      %dma_start3A_228 = arith.constant 0 : i32
      %dma_start3A_229 = arith.constant 0 : i32
      %dma_start3A_230 = tpu.memref_slice %arg7[%dma_start3A_227, %dma_start3A_228, %dma_start3A_229] : memref<2x1x128xi32, #tpu.memory_space<vmem>> -> memref<1x1x128xi32, #tpu.memory_space<vmem>>
      %dma_start3A_231 = tpu.memref_squeeze %dma_start3A_230 : memref<1x1x128xi32, #tpu.memory_space<vmem>> -> memref<128xi32, #tpu.memory_space<vmem>>
      %dma_start3A_232 = arith.constant 0 : i32
      %dma_start3A_233 = arith.constant 0 : i32
      %dma_start3A_234 = tpu.memref_slice %arg17[%dma_start3A_232, %dma_start3A_233] : memref<10000x128xf32, #tpu.memory_space<vmem_shared>> -> memref<10000x128xf32, #tpu.memory_space<vmem_shared>>
      tpu.enqueue_indirect_dma source(%arg9 : memref<128x128xf32, #tpu.memory_space<vmem>>) target(%dma_start3A_234 : memref<10000x128xf32, #tpu.memory_space<vmem_shared>>) offsets(%dma_start3A_231 : memref<128xi32, #tpu.memory_space<vmem>>) semaphore(%arg14 : memref<!tpu.dma_semaphore, #tpu.memory_space<semaphore_mem>>) {add = true}
      %dma_wait3A_235 = arith.constant 0 : i32
      %dma_wait3A_236 = arith.constant 0 : i32
      %dma_wait3A_237 = arith.constant 0 : i32
      %dma_wait3A_238 = tpu.memref_slice %arg6[%dma_wait3A_235, %dma_wait3A_236, %dma_wait3A_237] : memref<2x1x128xi32, #tpu.memory_space<vmem>> -> memref<1x1x128xi32, #tpu.memory_space<vmem>>
      %dma_wait3A_239 = tpu.memref_squeeze %dma_wait3A_238 : memref<1x1x128xi32, #tpu.memory_space<vmem>> -> memref<1x128xi32, #tpu.memory_space<vmem>>
      %dma_wait3A_240 = arith.constant 0 : i32
      %dma_wait3A_241 = arith.constant 0 : i32
      %dma_wait3A_242 = tpu.memref_slice %arg3[%min3A_80, %dma_wait3A_240, %dma_wait3A_241] : memref<2500x1x128xi32, #tpu.memory_space<hbm>> -> memref<1x1x128xi32, #tpu.memory_space<hbm>>
      %dma_wait3A_243 = tpu.memref_squeeze %dma_wait3A_242 : memref<1x1x128xi32, #tpu.memory_space<hbm>> -> memref<1x128xi32, #tpu.memory_space<hbm>>
      %dma_wait3A_244 = arith.constant 0 : i32
      %dma_wait3A_245 = arith.constant 0 : i32
      %dma_wait3A_246 = tpu.memref_slice %arg6[%dma_wait3A_235, %dma_wait3A_244, %dma_wait3A_245] : memref<2x1x128xi32, #tpu.memory_space<vmem>> -> memref<1x1x128xi32, #tpu.memory_space<vmem>>
      %dma_wait3A_247 = tpu.memref_squeeze %dma_wait3A_246 : memref<1x1x128xi32, #tpu.memory_space<vmem>> -> memref<1x128xi32, #tpu.memory_space<vmem>>
      %dma_wait3A_248 = arith.constant 0 : i32
      %dma_wait3A_249 = arith.constant 0 : i32
      %dma_wait3A_250 = tpu.memref_slice %arg3[%min3A_80, %dma_wait3A_248, %dma_wait3A_249] : memref<2500x1x128xi32, #tpu.memory_space<hbm>> -> memref<1x1x128xi32, #tpu.memory_space<hbm>>
      %dma_wait3A_251 = tpu.memref_squeeze %dma_wait3A_250 : memref<1x1x128xi32, #tpu.memory_space<hbm>> -> memref<1x128xi32, #tpu.memory_space<hbm>>
      tpu.wait_dma2 semaphore(%arg15 : memref<!tpu.dma_semaphore, #tpu.memory_space<semaphore_mem>>) src(%dma_wait3A_251 : memref<1x128xi32, #tpu.memory_space<hbm>>) dst(%dma_wait3A_247 : memref<1x128xi32, #tpu.memory_space<vmem>>)
      %dma_wait3A_252 = arith.constant 0 : i32
      %dma_wait3A_253 = arith.constant 0 : i32
      %dma_wait3A_254 = arith.constant 0 : i32
      %dma_wait3A_255 = tpu.memref_slice %arg7[%dma_wait3A_252, %dma_wait3A_253, %dma_wait3A_254] : memref<2x1x128xi32, #tpu.memory_space<vmem>> -> memref<1x1x128xi32, #tpu.memory_space<vmem>>
      %dma_wait3A_256 = tpu.memref_squeeze %dma_wait3A_255 : memref<1x1x128xi32, #tpu.memory_space<vmem>> -> memref<1x128xi32, #tpu.memory_space<vmem>>
      %dma_wait3A_257 = arith.constant 0 : i32
      %dma_wait3A_258 = arith.constant 0 : i32
      %dma_wait3A_259 = tpu.memref_slice %arg4[%min3A_80, %dma_wait3A_257, %dma_wait3A_258] : memref<2500x1x128xi32, #tpu.memory_space<hbm>> -> memref<1x1x128xi32, #tpu.memory_space<hbm>>
      %dma_wait3A_260 = tpu.memref_squeeze %dma_wait3A_259 : memref<1x1x128xi32, #tpu.memory_space<hbm>> -> memref<1x128xi32, #tpu.memory_space<hbm>>
      %dma_wait3A_261 = arith.constant 0 : i32
      %dma_wait3A_262 = arith.constant 0 : i32
      %dma_wait3A_263 = tpu.memref_slice %arg7[%dma_wait3A_252, %dma_wait3A_261, %dma_wait3A_262] : memref<2x1x128xi32, #tpu.memory_space<vmem>> -> memref<1x1x128xi32, #tpu.memory_space<vmem>>
      %dma_wait3A_264 = tpu.memref_squeeze %dma_wait3A_263 : memref<1x1x128xi32, #tpu.memory_space<vmem>> -> memref<1x128xi32, #tpu.memory_space<vmem>>
      %dma_wait3A_265 = arith.constant 0 : i32
      %dma_wait3A_266 = arith.constant 0 : i32
      %dma_wait3A_267 = tpu.memref_slice %arg4[%min3A_80, %dma_wait3A_265, %dma_wait3A_266] : memref<2500x1x128xi32, #tpu.memory_space<hbm>> -> memref<1x1x128xi32, #tpu.memory_space<hbm>>
      %dma_wait3A_268 = tpu.memref_squeeze %dma_wait3A_267 : memref<1x1x128xi32, #tpu.memory_space<hbm>> -> memref<1x128xi32, #tpu.memory_space<hbm>>
      tpu.wait_dma2 semaphore(%arg15 : memref<!tpu.dma_semaphore, #tpu.memory_space<semaphore_mem>>) src(%dma_wait3A_268 : memref<1x128xi32, #tpu.memory_space<hbm>>) dst(%dma_wait3A_264 : memref<1x128xi32, #tpu.memory_space<vmem>>)
      %dma_start3A_269 = arith.constant 0 : i32
      %dma_start3A_270 = arith.constant 0 : i32
      %dma_start3A_271 = arith.constant 0 : i32
      %dma_start3A_272 = tpu.memref_slice %arg6[%dma_start3A_269, %dma_start3A_270, %dma_start3A_271] : memref<2x1x128xi32, #tpu.memory_space<vmem>> -> memref<1x1x128xi32, #tpu.memory_space<vmem>>
      %dma_start3A_273 = tpu.memref_squeeze %dma_start3A_272 : memref<1x1x128xi32, #tpu.memory_space<vmem>> -> memref<128xi32, #tpu.memory_space<vmem>>
      %dma_start3A_274 = arith.constant 0 : i32
      %dma_start3A_275 = arith.constant 0 : i32
      %dma_start3A_276 = tpu.memref_slice %arg2[%dma_start3A_274, %dma_start3A_275] : memref<10000x128xf32, #tpu.memory_space<hbm>> -> memref<10000x128xf32, #tpu.memory_space<hbm>>
      tpu.enqueue_indirect_dma source(%dma_start3A_276 : memref<10000x128xf32, #tpu.memory_space<hbm>>) target(%arg8 : memref<128x128xf32, #tpu.memory_space<vmem>>) offsets(%dma_start3A_273 : memref<128xi32, #tpu.memory_space<vmem>>) semaphore(%arg11 : memref<!tpu.dma_semaphore, #tpu.memory_space<semaphore_mem>>)
      %scan3A_277 = arith.constant 0 : i32
      scf.yield %scan3A_277 : i32
    }
    %scan3A_35 = arith.constant 39 : i32
    %dma_wait3A = arith.constant 0 : i32
    %dma_wait3A_36 = arith.constant 0 : i32
    %dma_wait3A_37 = arith.constant 0 : i32
    %dma_wait3A_38 = tpu.memref_slice %arg6[%dma_wait3A, %dma_wait3A_36, %dma_wait3A_37] : memref<2x1x128xi32, #tpu.memory_space<vmem>> -> memref<1x1x128xi32, #tpu.memory_space<vmem>>
    %dma_wait3A_39 = tpu.memref_squeeze %dma_wait3A_38 : memref<1x1x128xi32, #tpu.memory_space<vmem>> -> memref<128xi32, #tpu.memory_space<vmem>>
    %dma_wait3A_40 = arith.constant 0 : i32
    %dma_wait3A_41 = arith.constant 0 : i32
    %dma_wait3A_42 = tpu.memref_slice %arg2[%dma_wait3A_40, %dma_wait3A_41] : memref<10000x128xf32, #tpu.memory_space<hbm>> -> memref<10000x128xf32, #tpu.memory_space<hbm>>
    tpu.wait_indirect_dma semaphore(%arg11 : memref<!tpu.dma_semaphore, #tpu.memory_space<semaphore_mem>>) src(%dma_wait3A_42 : memref<10000x128xf32, #tpu.memory_space<hbm>>) dst(%arg8 : memref<128x128xf32, #tpu.memory_space<vmem>>)
    %dma_wait3A_43 = arith.constant 1 : i32
    %dma_wait3A_44 = arith.constant 0 : i32
    %dma_wait3A_45 = arith.constant 0 : i32
    %dma_wait3A_46 = tpu.memref_slice %arg7[%dma_wait3A_43, %dma_wait3A_44, %dma_wait3A_45] : memref<2x1x128xi32, #tpu.memory_space<vmem>> -> memref<1x1x128xi32, #tpu.memory_space<vmem>>
    %dma_wait3A_47 = tpu.memref_squeeze %dma_wait3A_46 : memref<1x1x128xi32, #tpu.memory_space<vmem>> -> memref<128xi32, #tpu.memory_space<vmem>>
    %dma_wait3A_48 = arith.constant 0 : i32
    %dma_wait3A_49 = arith.constant 0 : i32
    %dma_wait3A_50 = tpu.memref_slice %arg17[%dma_wait3A_48, %dma_wait3A_49] : memref<10000x128xf32, #tpu.memory_space<vmem_shared>> -> memref<10000x128xf32, #tpu.memory_space<vmem_shared>>
    tpu.wait_indirect_dma semaphore(%arg14 : memref<!tpu.dma_semaphore, #tpu.memory_space<semaphore_mem>>) src(%arg9 : memref<128x128xf32, #tpu.memory_space<vmem>>) dst(%dma_wait3A_50 : memref<10000x128xf32, #tpu.memory_space<vmem_shared>>)
    %lt3A = arith.constant 4 : i32
    %lt3A_51 = arith.cmpi slt, %add3A, %lt3A : i32
    %convert_element_type3A_52 = arith.extui %lt3A_51 : i1 to i32
    %cond3A_53 = arith.constant 0 : i32
    %cond3A_54 = arith.cmpi ne, %convert_element_type3A_52, %cond3A_53 : i32
    scf.if %cond3A_54 {
      %run_scoped3A_65 = arith.constant 0 : i32
      %run_scoped3A_66 = arith.constant 0 : i32
      "tpu.region"() ({
        %run_scoped3A_67 = tpu.sem_alloc : memref<!tpu.dma_semaphore, #tpu.memory_space<semaphore_mem>>
        %dma_start3A_68 = arith.constant 0 : i32
        %dma_start3A_69 = tpu.memref_slice %arg7[%run_scoped3A_65, %run_scoped3A_66, %dma_start3A_68] : memref<2x1x128xi32, #tpu.memory_space<vmem>> -> memref<1x1x128xi32, #tpu.memory_space<vmem>>
        %dma_start3A_70 = tpu.memref_squeeze %dma_start3A_69 : memref<1x1x128xi32, #tpu.memory_space<vmem>> -> memref<128xi32, #tpu.memory_space<vmem>>
        %dma_start3A_71 = arith.constant 0 : i32
        %dma_start3A_72 = arith.constant 0 : i32
        %dma_start3A_73 = tpu.memref_slice %arg17[%dma_start3A_71, %dma_start3A_72] : memref<10000x128xf32, #tpu.memory_space<vmem_shared>> -> memref<10000x128xf32, #tpu.memory_space<vmem_shared>>
        tpu.enqueue_indirect_dma source(%arg8 : memref<128x128xf32, #tpu.memory_space<vmem>>) target(%dma_start3A_73 : memref<10000x128xf32, #tpu.memory_space<vmem_shared>>) offsets(%dma_start3A_70 : memref<128xi32, #tpu.memory_space<vmem>>) semaphore(%run_scoped3A_67 : memref<!tpu.dma_semaphore, #tpu.memory_space<semaphore_mem>>) {add = true}
        %dma_wait3A_74 = arith.constant 0 : i32
        %dma_wait3A_75 = tpu.memref_slice %arg7[%run_scoped3A_65, %run_scoped3A_66, %dma_wait3A_74] : memref<2x1x128xi32, #tpu.memory_space<vmem>> -> memref<1x1x128xi32, #tpu.memory_space<vmem>>
        %dma_wait3A_76 = tpu.memref_squeeze %dma_wait3A_75 : memref<1x1x128xi32, #tpu.memory_space<vmem>> -> memref<128xi32, #tpu.memory_space<vmem>>
        %dma_wait3A_77 = arith.constant 0 : i32
        %dma_wait3A_78 = arith.constant 0 : i32
        %dma_wait3A_79 = tpu.memref_slice %arg17[%dma_wait3A_77, %dma_wait3A_78] : memref<10000x128xf32, #tpu.memory_space<vmem_shared>> -> memref<10000x128xf32, #tpu.memory_space<vmem_shared>>
        tpu.wait_indirect_dma semaphore(%run_scoped3A_67 : memref<!tpu.dma_semaphore, #tpu.memory_space<semaphore_mem>>) src(%arg8 : memref<128x128xf32, #tpu.memory_space<vmem>>) dst(%dma_wait3A_79 : memref<10000x128xf32, #tpu.memory_space<vmem_shared>>)
        tpu.yield
      }) : () -> ()
    } else {
    }
    %barrier3A_55 = arith.constant 0 : index
    tpu.barrier barrier_id(%barrier3A_55)
    %mul3A_56 = arith.constant 624 : i32
    %mul3A_57 = arith.muli %arg1, %mul3A_56 : i32
    %mul3A_58 = arith.constant 624 : i32
    %mul3A_59 = arith.muli %arg1, %mul3A_58 : i32
    "tpu.region"() ({
      %run_scoped3A_65 = tpu.sem_alloc : memref<!tpu.dma_semaphore, #tpu.memory_space<semaphore_mem>>
      %dma_start3A_66 = arith.constant 0 : i32
      %dma_start3A_67 = tpu.memref_slice %arg5[%arg0, %mul3A_59, %dma_start3A_66] : memref<2x10000x128xf32, #tpu.memory_space<hbm>> -> memref<1x624x128xf32, #tpu.memory_space<hbm>>
      %dma_start3A_68 = tpu.memref_squeeze %dma_start3A_67 : memref<1x624x128xf32, #tpu.memory_space<hbm>> -> memref<624x128xf32, #tpu.memory_space<hbm>>
      %dma_start3A_69 = arith.constant 0 : i32
      %dma_start3A_70 = tpu.memref_slice %arg17[%mul3A_57, %dma_start3A_69] : memref<10000x128xf32, #tpu.memory_space<vmem_shared>> -> memref<624x128xf32, #tpu.memory_space<vmem_shared>>
      tpu.enqueue_dma source(%dma_start3A_70 : memref<624x128xf32, #tpu.memory_space<vmem_shared>>) target(%dma_start3A_68 : memref<624x128xf32, #tpu.memory_space<hbm>>) target_semaphore(%run_scoped3A_65 : memref<!tpu.dma_semaphore, #tpu.memory_space<semaphore_mem>>)
      %dma_wait3A_71 = arith.constant 0 : i32
      %dma_wait3A_72 = tpu.memref_slice %arg5[%arg0, %mul3A_59, %dma_wait3A_71] : memref<2x10000x128xf32, #tpu.memory_space<hbm>> -> memref<1x624x128xf32, #tpu.memory_space<hbm>>
      %dma_wait3A_73 = tpu.memref_squeeze %dma_wait3A_72 : memref<1x624x128xf32, #tpu.memory_space<hbm>> -> memref<624x128xf32, #tpu.memory_space<hbm>>
      %dma_wait3A_74 = arith.constant 0 : i32
      %dma_wait3A_75 = tpu.memref_slice %arg17[%mul3A_57, %dma_wait3A_74] : memref<10000x128xf32, #tpu.memory_space<vmem_shared>> -> memref<624x128xf32, #tpu.memory_space<vmem_shared>>
      tpu.wait_dma2 semaphore(%run_scoped3A_65 : memref<!tpu.dma_semaphore, #tpu.memory_space<semaphore_mem>>) src(%dma_wait3A_75 : memref<624x128xf32, #tpu.memory_space<vmem_shared>>) dst(%dma_wait3A_73 : memref<624x128xf32, #tpu.memory_space<hbm>>)
      tpu.yield
    }) : () -> ()
    %eq3A_60 = arith.constant 15 : i32
    %eq3A_61 = arith.cmpi eq, %arg1, %eq3A_60 : i32
    %convert_element_type3A_62 = arith.extui %eq3A_61 : i1 to i32
    %cond3A_63 = arith.constant 0 : i32
    %cond3A_64 = arith.cmpi ne, %convert_element_type3A_62, %cond3A_63 : i32
    scf.if %cond3A_64 {
      "tpu.region"() ({
        %run_scoped3A_65 = tpu.sem_alloc : memref<!tpu.dma_semaphore, #tpu.memory_space<semaphore_mem>>
        %dma_start3A_66 = arith.constant 9984 : i32
        %dma_start3A_67 = arith.constant 0 : i32
        %dma_start3A_68 = tpu.memref_slice %arg5[%arg0, %dma_start3A_66, %dma_start3A_67] : memref<2x10000x128xf32, #tpu.memory_space<hbm>> -> memref<1x16x128xf32, #tpu.memory_space<hbm>>
        %dma_start3A_69 = tpu.memref_squeeze %dma_start3A_68 : memref<1x16x128xf32, #tpu.memory_space<hbm>> -> memref<16x128xf32, #tpu.memory_space<hbm>>
        %dma_start3A_70 = arith.constant 9984 : i32
        %dma_start3A_71 = arith.constant 0 : i32
        %dma_start3A_72 = tpu.memref_slice %arg17[%dma_start3A_70, %dma_start3A_71] : memref<10000x128xf32, #tpu.memory_space<vmem_shared>> -> memref<16x128xf32, #tpu.memory_space<vmem_shared>>
        tpu.enqueue_dma source(%dma_start3A_72 : memref<16x128xf32, #tpu.memory_space<vmem_shared>>) target(%dma_start3A_69 : memref<16x128xf32, #tpu.memory_space<hbm>>) target_semaphore(%run_scoped3A_65 : memref<!tpu.dma_semaphore, #tpu.memory_space<semaphore_mem>>)
        %dma_wait3A_73 = arith.constant 9984 : i32
        %dma_wait3A_74 = arith.constant 0 : i32
        %dma_wait3A_75 = tpu.memref_slice %arg5[%arg0, %dma_wait3A_73, %dma_wait3A_74] : memref<2x10000x128xf32, #tpu.memory_space<hbm>> -> memref<1x16x128xf32, #tpu.memory_space<hbm>>
        %dma_wait3A_76 = tpu.memref_squeeze %dma_wait3A_75 : memref<1x16x128xf32, #tpu.memory_space<hbm>> -> memref<16x128xf32, #tpu.memory_space<hbm>>
        %dma_wait3A_77 = arith.constant 9984 : i32
        %dma_wait3A_78 = arith.constant 0 : i32
        %dma_wait3A_79 = tpu.memref_slice %arg17[%dma_wait3A_77, %dma_wait3A_78] : memref<10000x128xf32, #tpu.memory_space<vmem_shared>> -> memref<16x128xf32, #tpu.memory_space<vmem_shared>>
        tpu.wait_dma2 semaphore(%run_scoped3A_65 : memref<!tpu.dma_semaphore, #tpu.memory_space<semaphore_mem>>) src(%dma_wait3A_79 : memref<16x128xf32, #tpu.memory_space<vmem_shared>>) dst(%dma_wait3A_76 : memref<16x128xf32, #tpu.memory_space<hbm>>)
        tpu.yield
      }) : () -> ()
    } else {
    }
    return
  }
}

#map = affine_map<(d0, d1) -> (0, 0)>
#map1 = affine_map<(d0, d1) -> (0, 0, 0)>
module attributes {stable_mosaic.version = 14 : i64} {
  func.func @_sc_agg(%arg0: i32, %arg1: i32, %arg2: memref<10000x128xf32, #tpu.memory_space<hbm>>, %arg3: memref<2500x1x128xi32, #tpu.memory_space<hbm>>, %arg4: memref<2500x1x128xi32, #tpu.memory_space<hbm>>, %arg5: memref<2x10000x128xf32, #tpu.memory_space<hbm>>, %arg6: memref<2x1x128xi32, #tpu.memory_space<vmem>>, %arg7: memref<2x1x128xi32, #tpu.memory_space<vmem>>, %arg8: memref<128x128xf32, #tpu.memory_space<vmem>>, %arg9: memref<128x128xf32, #tpu.memory_space<vmem>>, %arg10: memref<16x128xf32, #tpu.memory_space<vmem>>, %arg11: memref<!tpu.dma_semaphore, #tpu.memory_space<semaphore_mem>>, %arg12: memref<!tpu.dma_semaphore, #tpu.memory_space<semaphore_mem>>, %arg13: memref<!tpu.dma_semaphore, #tpu.memory_space<semaphore_mem>>, %arg14: memref<!tpu.dma_semaphore, #tpu.memory_space<semaphore_mem>>, %arg15: memref<!tpu.dma_semaphore, #tpu.memory_space<semaphore_mem>>, %arg16: memref<!tpu.dma_semaphore, #tpu.memory_space<semaphore_mem>>, %arg17: memref<10000x128xf32, #tpu.memory_space<vmem_shared>>) attributes {dimension_semantics = [#tpu.dimension_semantics<core_parallel>, #tpu.dimension_semantics<subcore_parallel>], iteration_bounds = array<i64: 2, 16>, scalar_prefetch = 0 : i64, scratch_operands = 12 : i64, tpu.core_type = #tpu.core_type<sc_vector_subcore>, window_params = [{transform_indices = #map}, {transform_indices = #map1}, {transform_indices = #map1}, {transform_indices = #map1}]} {
    %mul3A = arith.constant 2 : i32
    %mul3A_0 = arith.muli %arg1, %mul3A : i32
    %add3A = arith.addi %mul3A_0, %arg0 : i32
    %mul3A_1 = arith.constant 78 : i32
    %mul3A_2 = arith.muli %mul3A_1, %add3A : i32
    %min3A = arith.constant 4 : i32
    %min3A_3 = arith.minsi %add3A, %min3A : i32
    %add3A_4 = arith.addi %mul3A_2, %min3A_3 : i32
    %broadcast_in_dim3A = arith.constant 0.000000e+00 : f32
    %broadcast_in_dim3A_5 = vector.broadcast %broadcast_in_dim3A : f32 to vector<16xf32>
    %scan3A = arith.constant 0 : i32
    %scan3A_6 = arith.constant 0 : i32
    %scan3A_7 = arith.constant 16 : i32
    %scan3A_8 = arith.addi %scan3A_6, %scan3A_7 : i32
    %scan3A_9 = arith.constant 1 : i32
    %scan3A_10 = scf.for %scan3A_65 = %scan3A_6 to %scan3A_8 step %scan3A_9 iter_args(%scan3A_66 = %scan3A) -> (i32)  : i32 {
      %swap3A = arith.index_cast %scan3A_65 : i32 to index
      %swap3A_67 = arith.constant 0 : index
      %swap3A_68 = tpu.vector_load %arg10[%swap3A, %swap3A_67] {strides = array<i32>} : memref<16x128xf32, #tpu.memory_space<vmem>>, vector<1x16xf32>,
      %swap3A_69 = vector.shape_cast %swap3A_68 : vector<1x16xf32> to vector<16xf32>
      %swap3A_70 = vector.shape_cast %broadcast_in_dim3A_5 : vector<16xf32> to vector<1x16xf32>
      tpu.vector_store %arg10[%swap3A, %swap3A_67], %swap3A_70 {strides = array<i32>} : memref<16x128xf32, #tpu.memory_space<vmem>>, vector<1x16xf32>,
      %swap3A_71 = arith.index_cast %scan3A_65 : i32 to index
      %swap3A_72 = arith.constant 16 : index
      %swap3A_73 = tpu.vector_load %arg10[%swap3A_71, %swap3A_72] {strides = array<i32>} : memref<16x128xf32, #tpu.memory_space<vmem>>, vector<1x16xf32>,
      %swap3A_74 = vector.shape_cast %swap3A_73 : vector<1x16xf32> to vector<16xf32>
      %swap3A_75 = vector.shape_cast %broadcast_in_dim3A_5 : vector<16xf32> to vector<1x16xf32>
      tpu.vector_store %arg10[%swap3A_71, %swap3A_72], %swap3A_75 {strides = array<i32>} : memref<16x128xf32, #tpu.memory_space<vmem>>, vector<1x16xf32>,
      %swap3A_76 = arith.index_cast %scan3A_65 : i32 to index
      %swap3A_77 = arith.constant 32 : index
      %swap3A_78 = tpu.vector_load %arg10[%swap3A_76, %swap3A_77] {strides = array<i32>} : memref<16x128xf32, #tpu.memory_space<vmem>>, vector<1x16xf32>,
      %swap3A_79 = vector.shape_cast %swap3A_78 : vector<1x16xf32> to vector<16xf32>
      %swap3A_80 = vector.shape_cast %broadcast_in_dim3A_5 : vector<16xf32> to vector<1x16xf32>
      tpu.vector_store %arg10[%swap3A_76, %swap3A_77], %swap3A_80 {strides = array<i32>} : memref<16x128xf32, #tpu.memory_space<vmem>>, vector<1x16xf32>,
      %swap3A_81 = arith.index_cast %scan3A_65 : i32 to index
      %swap3A_82 = arith.constant 48 : index
      %swap3A_83 = tpu.vector_load %arg10[%swap3A_81, %swap3A_82] {strides = array<i32>} : memref<16x128xf32, #tpu.memory_space<vmem>>, vector<1x16xf32>,
      %swap3A_84 = vector.shape_cast %swap3A_83 : vector<1x16xf32> to vector<16xf32>
      %swap3A_85 = vector.shape_cast %broadcast_in_dim3A_5 : vector<16xf32> to vector<1x16xf32>
      tpu.vector_store %arg10[%swap3A_81, %swap3A_82], %swap3A_85 {strides = array<i32>} : memref<16x128xf32, #tpu.memory_space<vmem>>, vector<1x16xf32>,
      %swap3A_86 = arith.index_cast %scan3A_65 : i32 to index
      %swap3A_87 = arith.constant 64 : index
      %swap3A_88 = tpu.vector_load %arg10[%swap3A_86, %swap3A_87] {strides = array<i32>} : memref<16x128xf32, #tpu.memory_space<vmem>>, vector<1x16xf32>,
      %swap3A_89 = vector.shape_cast %swap3A_88 : vector<1x16xf32> to vector<16xf32>
      %swap3A_90 = vector.shape_cast %broadcast_in_dim3A_5 : vector<16xf32> to vector<1x16xf32>
      tpu.vector_store %arg10[%swap3A_86, %swap3A_87], %swap3A_90 {strides = array<i32>} : memref<16x128xf32, #tpu.memory_space<vmem>>, vector<1x16xf32>,
      %swap3A_91 = arith.index_cast %scan3A_65 : i32 to index
      %swap3A_92 = arith.constant 80 : index
      %swap3A_93 = tpu.vector_load %arg10[%swap3A_91, %swap3A_92] {strides = array<i32>} : memref<16x128xf32, #tpu.memory_space<vmem>>, vector<1x16xf32>,
      %swap3A_94 = vector.shape_cast %swap3A_93 : vector<1x16xf32> to vector<16xf32>
      %swap3A_95 = vector.shape_cast %broadcast_in_dim3A_5 : vector<16xf32> to vector<1x16xf32>
      tpu.vector_store %arg10[%swap3A_91, %swap3A_92], %swap3A_95 {strides = array<i32>} : memref<16x128xf32, #tpu.memory_space<vmem>>, vector<1x16xf32>,
      %swap3A_96 = arith.index_cast %scan3A_65 : i32 to index
      %swap3A_97 = arith.constant 96 : index
      %swap3A_98 = tpu.vector_load %arg10[%swap3A_96, %swap3A_97] {strides = array<i32>} : memref<16x128xf32, #tpu.memory_space<vmem>>, vector<1x16xf32>,
      %swap3A_99 = vector.shape_cast %swap3A_98 : vector<1x16xf32> to vector<16xf32>
      %swap3A_100 = vector.shape_cast %broadcast_in_dim3A_5 : vector<16xf32> to vector<1x16xf32>
      tpu.vector_store %arg10[%swap3A_96, %swap3A_97], %swap3A_100 {strides = array<i32>} : memref<16x128xf32, #tpu.memory_space<vmem>>, vector<1x16xf32>,
      %swap3A_101 = arith.index_cast %scan3A_65 : i32 to index
      %swap3A_102 = arith.constant 112 : index
      %swap3A_103 = tpu.vector_load %arg10[%swap3A_101, %swap3A_102] {strides = array<i32>} : memref<16x128xf32, #tpu.memory_space<vmem>>, vector<1x16xf32>,
      %swap3A_104 = vector.shape_cast %swap3A_103 : vector<1x16xf32> to vector<16xf32>
      %swap3A_105 = vector.shape_cast %broadcast_in_dim3A_5 : vector<16xf32> to vector<1x16xf32>
      tpu.vector_store %arg10[%swap3A_101, %swap3A_102], %swap3A_105 {strides = array<i32>} : memref<16x128xf32, #tpu.memory_space<vmem>>, vector<1x16xf32>,
      %scan3A_106 = arith.constant 0 : i32
      scf.yield %scan3A_106 : i32
    }
    %scan3A_11 = arith.constant 16 : i32
    %scan3A_12 = arith.constant 0 : i32
    %scan3A_13 = arith.constant 0 : i32
    %scan3A_14 = arith.constant 39 : i32
    %scan3A_15 = arith.addi %scan3A_13, %scan3A_14 : i32
    %scan3A_16 = arith.constant 1 : i32
    %scan3A_17 = scf.for %scan3A_65 = %scan3A_13 to %scan3A_15 step %scan3A_16 iter_args(%scan3A_66 = %scan3A_12) -> (i32)  : i32 {
      %mul3A_67 = arith.constant 624 : i32
      %mul3A_68 = arith.muli %arg1, %mul3A_67 : i32
      %mul3A_69 = arith.constant 16 : i32
      %mul3A_70 = arith.muli %scan3A_65, %mul3A_69 : i32
      %add3A_71 = arith.addi %mul3A_68, %mul3A_70 : i32
      "tpu.region"() ({
        %run_scoped3A_73 = tpu.sem_alloc : memref<!tpu.dma_semaphore, #tpu.memory_space<semaphore_mem>>
        %dma_start3A_74 = arith.constant 0 : i32
        %dma_start3A_75 = tpu.memref_slice %arg17[%add3A_71, %dma_start3A_74] : memref<10000x128xf32, #tpu.memory_space<vmem_shared>> -> memref<16x128xf32, #tpu.memory_space<vmem_shared>>
        %dma_start3A_76 = arith.constant 0 : i32
        %dma_start3A_77 = tpu.memref_slice %arg17[%add3A_71, %dma_start3A_76] : memref<10000x128xf32, #tpu.memory_space<vmem_shared>> -> memref<16x128xf32, #tpu.memory_space<vmem_shared>>
        tpu.enqueue_dma source(%arg10 : memref<16x128xf32, #tpu.memory_space<vmem>>) target(%dma_start3A_77 : memref<16x128xf32, #tpu.memory_space<vmem_shared>>) target_semaphore(%run_scoped3A_73 : memref<!tpu.dma_semaphore, #tpu.memory_space<semaphore_mem>>)
        %dma_wait3A_78 = arith.constant 0 : i32
        %dma_wait3A_79 = tpu.memref_slice %arg17[%add3A_71, %dma_wait3A_78] : memref<10000x128xf32, #tpu.memory_space<vmem_shared>> -> memref<16x128xf32, #tpu.memory_space<vmem_shared>>
        %dma_wait3A_80 = arith.constant 0 : i32
        %dma_wait3A_81 = tpu.memref_slice %arg17[%add3A_71, %dma_wait3A_80] : memref<10000x128xf32, #tpu.memory_space<vmem_shared>> -> memref<16x128xf32, #tpu.memory_space<vmem_shared>>
        tpu.wait_dma2 semaphore(%run_scoped3A_73 : memref<!tpu.dma_semaphore, #tpu.memory_space<semaphore_mem>>) src(%arg10 : memref<16x128xf32, #tpu.memory_space<vmem>>) dst(%dma_wait3A_81 : memref<16x128xf32, #tpu.memory_space<vmem_shared>>)
        tpu.yield
      }) : () -> ()
      %scan3A_72 = arith.constant 0 : i32
      scf.yield %scan3A_72 : i32
    }
    %scan3A_18 = arith.constant 39 : i32
    %eq3A = arith.constant 15 : i32
    %eq3A_19 = arith.cmpi eq, %arg1, %eq3A : i32
    %convert_element_type3A = arith.extui %eq3A_19 : i1 to i32
    %cond3A = arith.constant 0 : i32
    %cond3A_20 = arith.cmpi ne, %convert_element_type3A, %cond3A : i32
    scf.if %cond3A_20 {
      "tpu.region"() ({
        %run_scoped3A_65 = tpu.sem_alloc : memref<!tpu.dma_semaphore, #tpu.memory_space<semaphore_mem>>
        %dma_start3A_66 = arith.constant 9984 : i32
        %dma_start3A_67 = arith.constant 0 : i32
        %dma_start3A_68 = tpu.memref_slice %arg17[%dma_start3A_66, %dma_start3A_67] : memref<10000x128xf32, #tpu.memory_space<vmem_shared>> -> memref<16x128xf32, #tpu.memory_space<vmem_shared>>
        %dma_start3A_69 = arith.constant 9984 : i32
        %dma_start3A_70 = arith.constant 0 : i32
        %dma_start3A_71 = tpu.memref_slice %arg17[%dma_start3A_69, %dma_start3A_70] : memref<10000x128xf32, #tpu.memory_space<vmem_shared>> -> memref<16x128xf32, #tpu.memory_space<vmem_shared>>
        tpu.enqueue_dma source(%arg10 : memref<16x128xf32, #tpu.memory_space<vmem>>) target(%dma_start3A_71 : memref<16x128xf32, #tpu.memory_space<vmem_shared>>) target_semaphore(%run_scoped3A_65 : memref<!tpu.dma_semaphore, #tpu.memory_space<semaphore_mem>>)
        %dma_wait3A_72 = arith.constant 9984 : i32
        %dma_wait3A_73 = arith.constant 0 : i32
        %dma_wait3A_74 = tpu.memref_slice %arg17[%dma_wait3A_72, %dma_wait3A_73] : memref<10000x128xf32, #tpu.memory_space<vmem_shared>> -> memref<16x128xf32, #tpu.memory_space<vmem_shared>>
        %dma_wait3A_75 = arith.constant 9984 : i32
        %dma_wait3A_76 = arith.constant 0 : i32
        %dma_wait3A_77 = tpu.memref_slice %arg17[%dma_wait3A_75, %dma_wait3A_76] : memref<10000x128xf32, #tpu.memory_space<vmem_shared>> -> memref<16x128xf32, #tpu.memory_space<vmem_shared>>
        tpu.wait_dma2 semaphore(%run_scoped3A_65 : memref<!tpu.dma_semaphore, #tpu.memory_space<semaphore_mem>>) src(%arg10 : memref<16x128xf32, #tpu.memory_space<vmem>>) dst(%dma_wait3A_77 : memref<16x128xf32, #tpu.memory_space<vmem_shared>>)
        tpu.yield
      }) : () -> ()
    } else {
    }
    %barrier3A = arith.constant 0 : index
    tpu.barrier barrier_id(%barrier3A)
    %run_scoped3A = arith.constant 0 : i32
    "tpu.region"() ({
      %run_scoped3A_65 = tpu.sem_alloc : memref<!tpu.dma_semaphore, #tpu.memory_space<semaphore_mem>>
      %dma_start3A_66 = arith.constant 0 : i32
      %dma_start3A_67 = arith.constant 0 : i32
      %dma_start3A_68 = tpu.memref_slice %arg6[%run_scoped3A, %dma_start3A_66, %dma_start3A_67] : memref<2x1x128xi32, #tpu.memory_space<vmem>> -> memref<1x1x128xi32, #tpu.memory_space<vmem>>
      %dma_start3A_69 = tpu.memref_squeeze %dma_start3A_68 : memref<1x1x128xi32, #tpu.memory_space<vmem>> -> memref<1x128xi32, #tpu.memory_space<vmem>>
      %dma_start3A_70 = arith.constant 0 : i32
      %dma_start3A_71 = arith.constant 0 : i32
      %dma_start3A_72 = tpu.memref_slice %arg3[%add3A_4, %dma_start3A_70, %dma_start3A_71] : memref<2500x1x128xi32, #tpu.memory_space<hbm>> -> memref<1x1x128xi32, #tpu.memory_space<hbm>>
      %dma_start3A_73 = tpu.memref_squeeze %dma_start3A_72 : memref<1x1x128xi32, #tpu.memory_space<hbm>> -> memref<1x128xi32, #tpu.memory_space<hbm>>
      %dma_start3A_74 = arith.constant 0 : i32
      %dma_start3A_75 = arith.constant 0 : i32
      %dma_start3A_76 = tpu.memref_slice %arg6[%run_scoped3A, %dma_start3A_74, %dma_start3A_75] : memref<2x1x128xi32, #tpu.memory_space<vmem>> -> memref<1x1x128xi32, #tpu.memory_space<vmem>>
      %dma_start3A_77 = tpu.memref_squeeze %dma_start3A_76 : memref<1x1x128xi32, #tpu.memory_space<vmem>> -> memref<1x128xi32, #tpu.memory_space<vmem>>
      %dma_start3A_78 = arith.constant 0 : i32
      %dma_start3A_79 = arith.constant 0 : i32
      %dma_start3A_80 = tpu.memref_slice %arg3[%add3A_4, %dma_start3A_78, %dma_start3A_79] : memref<2500x1x128xi32, #tpu.memory_space<hbm>> -> memref<1x1x128xi32, #tpu.memory_space<hbm>>
      %dma_start3A_81 = tpu.memref_squeeze %dma_start3A_80 : memref<1x1x128xi32, #tpu.memory_space<hbm>> -> memref<1x128xi32, #tpu.memory_space<hbm>>
      tpu.enqueue_dma source(%dma_start3A_81 : memref<1x128xi32, #tpu.memory_space<hbm>>) target(%dma_start3A_77 : memref<1x128xi32, #tpu.memory_space<vmem>>) target_semaphore(%run_scoped3A_65 : memref<!tpu.dma_semaphore, #tpu.memory_space<semaphore_mem>>)
      %dma_wait3A_82 = arith.constant 0 : i32
      %dma_wait3A_83 = arith.constant 0 : i32
      %dma_wait3A_84 = tpu.memref_slice %arg6[%run_scoped3A, %dma_wait3A_82, %dma_wait3A_83] : memref<2x1x128xi32, #tpu.memory_space<vmem>> -> memref<1x1x128xi32, #tpu.memory_space<vmem>>
      %dma_wait3A_85 = tpu.memref_squeeze %dma_wait3A_84 : memref<1x1x128xi32, #tpu.memory_space<vmem>> -> memref<1x128xi32, #tpu.memory_space<vmem>>
      %dma_wait3A_86 = arith.constant 0 : i32
      %dma_wait3A_87 = arith.constant 0 : i32
      %dma_wait3A_88 = tpu.memref_slice %arg3[%add3A_4, %dma_wait3A_86, %dma_wait3A_87] : memref<2500x1x128xi32, #tpu.memory_space<hbm>> -> memref<1x1x128xi32, #tpu.memory_space<hbm>>
      %dma_wait3A_89 = tpu.memref_squeeze %dma_wait3A_88 : memref<1x1x128xi32, #tpu.memory_space<hbm>> -> memref<1x128xi32, #tpu.memory_space<hbm>>
      %dma_wait3A_90 = arith.constant 0 : i32
      %dma_wait3A_91 = arith.constant 0 : i32
      %dma_wait3A_92 = tpu.memref_slice %arg6[%run_scoped3A, %dma_wait3A_90, %dma_wait3A_91] : memref<2x1x128xi32, #tpu.memory_space<vmem>> -> memref<1x1x128xi32, #tpu.memory_space<vmem>>
      %dma_wait3A_93 = tpu.memref_squeeze %dma_wait3A_92 : memref<1x1x128xi32, #tpu.memory_space<vmem>> -> memref<1x128xi32, #tpu.memory_space<vmem>>
      %dma_wait3A_94 = arith.constant 0 : i32
      %dma_wait3A_95 = arith.constant 0 : i32
      %dma_wait3A_96 = tpu.memref_slice %arg3[%add3A_4, %dma_wait3A_94, %dma_wait3A_95] : memref<2500x1x128xi32, #tpu.memory_space<hbm>> -> memref<1x1x128xi32, #tpu.memory_space<hbm>>
      %dma_wait3A_97 = tpu.memref_squeeze %dma_wait3A_96 : memref<1x1x128xi32, #tpu.memory_space<hbm>> -> memref<1x128xi32, #tpu.memory_space<hbm>>
      tpu.wait_dma2 semaphore(%run_scoped3A_65 : memref<!tpu.dma_semaphore, #tpu.memory_space<semaphore_mem>>) src(%dma_wait3A_97 : memref<1x128xi32, #tpu.memory_space<hbm>>) dst(%dma_wait3A_93 : memref<1x128xi32, #tpu.memory_space<vmem>>)
      tpu.yield
    }) : () -> ()
    %run_scoped3A_21 = arith.constant 0 : i32
    "tpu.region"() ({
      %run_scoped3A_65 = tpu.sem_alloc : memref<!tpu.dma_semaphore, #tpu.memory_space<semaphore_mem>>
      %dma_start3A_66 = arith.constant 0 : i32
      %dma_start3A_67 = arith.constant 0 : i32
      %dma_start3A_68 = tpu.memref_slice %arg7[%run_scoped3A_21, %dma_start3A_66, %dma_start3A_67] : memref<2x1x128xi32, #tpu.memory_space<vmem>> -> memref<1x1x128xi32, #tpu.memory_space<vmem>>
      %dma_start3A_69 = tpu.memref_squeeze %dma_start3A_68 : memref<1x1x128xi32, #tpu.memory_space<vmem>> -> memref<1x128xi32, #tpu.memory_space<vmem>>
      %dma_start3A_70 = arith.constant 0 : i32
      %dma_start3A_71 = arith.constant 0 : i32
      %dma_start3A_72 = tpu.memref_slice %arg4[%add3A_4, %dma_start3A_70, %dma_start3A_71] : memref<2500x1x128xi32, #tpu.memory_space<hbm>> -> memref<1x1x128xi32, #tpu.memory_space<hbm>>
      %dma_start3A_73 = tpu.memref_squeeze %dma_start3A_72 : memref<1x1x128xi32, #tpu.memory_space<hbm>> -> memref<1x128xi32, #tpu.memory_space<hbm>>
      %dma_start3A_74 = arith.constant 0 : i32
      %dma_start3A_75 = arith.constant 0 : i32
      %dma_start3A_76 = tpu.memref_slice %arg7[%run_scoped3A_21, %dma_start3A_74, %dma_start3A_75] : memref<2x1x128xi32, #tpu.memory_space<vmem>> -> memref<1x1x128xi32, #tpu.memory_space<vmem>>
      %dma_start3A_77 = tpu.memref_squeeze %dma_start3A_76 : memref<1x1x128xi32, #tpu.memory_space<vmem>> -> memref<1x128xi32, #tpu.memory_space<vmem>>
      %dma_start3A_78 = arith.constant 0 : i32
      %dma_start3A_79 = arith.constant 0 : i32
      %dma_start3A_80 = tpu.memref_slice %arg4[%add3A_4, %dma_start3A_78, %dma_start3A_79] : memref<2500x1x128xi32, #tpu.memory_space<hbm>> -> memref<1x1x128xi32, #tpu.memory_space<hbm>>
      %dma_start3A_81 = tpu.memref_squeeze %dma_start3A_80 : memref<1x1x128xi32, #tpu.memory_space<hbm>> -> memref<1x128xi32, #tpu.memory_space<hbm>>
      tpu.enqueue_dma source(%dma_start3A_81 : memref<1x128xi32, #tpu.memory_space<hbm>>) target(%dma_start3A_77 : memref<1x128xi32, #tpu.memory_space<vmem>>) target_semaphore(%run_scoped3A_65 : memref<!tpu.dma_semaphore, #tpu.memory_space<semaphore_mem>>)
      %dma_wait3A_82 = arith.constant 0 : i32
      %dma_wait3A_83 = arith.constant 0 : i32
      %dma_wait3A_84 = tpu.memref_slice %arg7[%run_scoped3A_21, %dma_wait3A_82, %dma_wait3A_83] : memref<2x1x128xi32, #tpu.memory_space<vmem>> -> memref<1x1x128xi32, #tpu.memory_space<vmem>>
      %dma_wait3A_85 = tpu.memref_squeeze %dma_wait3A_84 : memref<1x1x128xi32, #tpu.memory_space<vmem>> -> memref<1x128xi32, #tpu.memory_space<vmem>>
      %dma_wait3A_86 = arith.constant 0 : i32
      %dma_wait3A_87 = arith.constant 0 : i32
      %dma_wait3A_88 = tpu.memref_slice %arg4[%add3A_4, %dma_wait3A_86, %dma_wait3A_87] : memref<2500x1x128xi32, #tpu.memory_space<hbm>> -> memref<1x1x128xi32, #tpu.memory_space<hbm>>
      %dma_wait3A_89 = tpu.memref_squeeze %dma_wait3A_88 : memref<1x1x128xi32, #tpu.memory_space<hbm>> -> memref<1x128xi32, #tpu.memory_space<hbm>>
      %dma_wait3A_90 = arith.constant 0 : i32
      %dma_wait3A_91 = arith.constant 0 : i32
      %dma_wait3A_92 = tpu.memref_slice %arg7[%run_scoped3A_21, %dma_wait3A_90, %dma_wait3A_91] : memref<2x1x128xi32, #tpu.memory_space<vmem>> -> memref<1x1x128xi32, #tpu.memory_space<vmem>>
      %dma_wait3A_93 = tpu.memref_squeeze %dma_wait3A_92 : memref<1x1x128xi32, #tpu.memory_space<vmem>> -> memref<1x128xi32, #tpu.memory_space<vmem>>
      %dma_wait3A_94 = arith.constant 0 : i32
      %dma_wait3A_95 = arith.constant 0 : i32
      %dma_wait3A_96 = tpu.memref_slice %arg4[%add3A_4, %dma_wait3A_94, %dma_wait3A_95] : memref<2500x1x128xi32, #tpu.memory_space<hbm>> -> memref<1x1x128xi32, #tpu.memory_space<hbm>>
      %dma_wait3A_97 = tpu.memref_squeeze %dma_wait3A_96 : memref<1x1x128xi32, #tpu.memory_space<hbm>> -> memref<1x128xi32, #tpu.memory_space<hbm>>
      tpu.wait_dma2 semaphore(%run_scoped3A_65 : memref<!tpu.dma_semaphore, #tpu.memory_space<semaphore_mem>>) src(%dma_wait3A_97 : memref<1x128xi32, #tpu.memory_space<hbm>>) dst(%dma_wait3A_93 : memref<1x128xi32, #tpu.memory_space<vmem>>)
      tpu.yield
    }) : () -> ()
    %dma_start3A = arith.constant 0 : i32
    %dma_start3A_22 = arith.constant 0 : i32
    %dma_start3A_23 = arith.constant 0 : i32
    %dma_start3A_24 = tpu.memref_slice %arg6[%dma_start3A, %dma_start3A_22, %dma_start3A_23] : memref<2x1x128xi32, #tpu.memory_space<vmem>> -> memref<1x1x128xi32, #tpu.memory_space<vmem>>
    %dma_start3A_25 = tpu.memref_squeeze %dma_start3A_24 : memref<1x1x128xi32, #tpu.memory_space<vmem>> -> memref<128xi32, #tpu.memory_space<vmem>>
    %dma_start3A_26 = arith.constant 0 : i32
    %dma_start3A_27 = arith.constant 0 : i32
    %dma_start3A_28 = tpu.memref_slice %arg2[%dma_start3A_26, %dma_start3A_27] : memref<10000x128xf32, #tpu.memory_space<hbm>> -> memref<10000x128xf32, #tpu.memory_space<hbm>>
    tpu.enqueue_indirect_dma source(%dma_start3A_28 : memref<10000x128xf32, #tpu.memory_space<hbm>>) target(%arg8 : memref<128x128xf32, #tpu.memory_space<vmem>>) offsets(%dma_start3A_25 : memref<128xi32, #tpu.memory_space<vmem>>) semaphore(%arg11 : memref<!tpu.dma_semaphore, #tpu.memory_space<semaphore_mem>>)
    %scan3A_29 = arith.constant 0 : i32
    %scan3A_30 = arith.constant 0 : i32
    %scan3A_31 = arith.constant 39 : i32
    %scan3A_32 = arith.addi %scan3A_30, %scan3A_31 : i32
    %scan3A_33 = arith.constant 1 : i32
    %scan3A_34 = scf.for %scan3A_65 = %scan3A_30 to %scan3A_32 step %scan3A_33 iter_args(%scan3A_66 = %scan3A_29) -> (i32)  : i32 {
      %mul3A_67 = arith.constant 2 : i32
      %mul3A_68 = arith.muli %mul3A_67, %scan3A_65 : i32
      %add3A_69 = arith.addi %add3A_4, %mul3A_68 : i32
      %add3A_70 = arith.constant 1 : i32
      %add3A_71 = arith.addi %add3A_69, %add3A_70 : i32
      %min3A_72 = arith.constant 2499 : i32
      %min3A_73 = arith.minsi %add3A_71, %min3A_72 : i32
      %mul3A_74 = arith.constant 2 : i32
      %mul3A_75 = arith.muli %mul3A_74, %scan3A_65 : i32
      %add3A_76 = arith.addi %add3A_4, %mul3A_75 : i32
      %add3A_77 = arith.constant 2 : i32
      %add3A_78 = arith.addi %add3A_76, %add3A_77 : i32
      %min3A_79 = arith.constant 2499 : i32
      %min3A_80 = arith.minsi %add3A_78, %min3A_79 : i32
      %dma_wait3A_81 = arith.constant 0 : i32
      %dma_wait3A_82 = arith.constant 0 : i32
      %dma_wait3A_83 = arith.constant 0 : i32
      %dma_wait3A_84 = tpu.memref_slice %arg6[%dma_wait3A_81, %dma_wait3A_82, %dma_wait3A_83] : memref<2x1x128xi32, #tpu.memory_space<vmem>> -> memref<1x1x128xi32, #tpu.memory_space<vmem>>
      %dma_wait3A_85 = tpu.memref_squeeze %dma_wait3A_84 : memref<1x1x128xi32, #tpu.memory_space<vmem>> -> memref<128xi32, #tpu.memory_space<vmem>>
      %dma_wait3A_86 = arith.constant 0 : i32
      %dma_wait3A_87 = arith.constant 0 : i32
      %dma_wait3A_88 = tpu.memref_slice %arg2[%dma_wait3A_86, %dma_wait3A_87] : memref<10000x128xf32, #tpu.memory_space<hbm>> -> memref<10000x128xf32, #tpu.memory_space<hbm>>
      tpu.wait_indirect_dma semaphore(%arg11 : memref<!tpu.dma_semaphore, #tpu.memory_space<semaphore_mem>>) src(%dma_wait3A_88 : memref<10000x128xf32, #tpu.memory_space<hbm>>) dst(%arg8 : memref<128x128xf32, #tpu.memory_space<vmem>>)
      %dma_start3A_89 = arith.constant 1 : i32
      %dma_start3A_90 = arith.constant 0 : i32
      %dma_start3A_91 = arith.constant 0 : i32
      %dma_start3A_92 = tpu.memref_slice %arg6[%dma_start3A_89, %dma_start3A_90, %dma_start3A_91] : memref<2x1x128xi32, #tpu.memory_space<vmem>> -> memref<1x1x128xi32, #tpu.memory_space<vmem>>
      %dma_start3A_93 = tpu.memref_squeeze %dma_start3A_92 : memref<1x1x128xi32, #tpu.memory_space<vmem>> -> memref<1x128xi32, #tpu.memory_space<vmem>>
      %dma_start3A_94 = arith.constant 0 : i32
      %dma_start3A_95 = arith.constant 0 : i32
      %dma_start3A_96 = tpu.memref_slice %arg3[%min3A_73, %dma_start3A_94, %dma_start3A_95] : memref<2500x1x128xi32, #tpu.memory_space<hbm>> -> memref<1x1x128xi32, #tpu.memory_space<hbm>>
      %dma_start3A_97 = tpu.memref_squeeze %dma_start3A_96 : memref<1x1x128xi32, #tpu.memory_space<hbm>> -> memref<1x128xi32, #tpu.memory_space<hbm>>
      %dma_start3A_98 = arith.constant 0 : i32
      %dma_start3A_99 = arith.constant 0 : i32
      %dma_start3A_100 = tpu.memref_slice %arg6[%dma_start3A_89, %dma_start3A_98, %dma_start3A_99] : memref<2x1x128xi32, #tpu.memory_space<vmem>> -> memref<1x1x128xi32, #tpu.memory_space<vmem>>
      %dma_start3A_101 = tpu.memref_squeeze %dma_start3A_100 : memref<1x1x128xi32, #tpu.memory_space<vmem>> -> memref<1x128xi32, #tpu.memory_space<vmem>>
      %dma_start3A_102 = arith.constant 0 : i32
      %dma_start3A_103 = arith.constant 0 : i32
      %dma_start3A_104 = tpu.memref_slice %arg3[%min3A_73, %dma_start3A_102, %dma_start3A_103] : memref<2500x1x128xi32, #tpu.memory_space<hbm>> -> memref<1x1x128xi32, #tpu.memory_space<hbm>>
      %dma_start3A_105 = tpu.memref_squeeze %dma_start3A_104 : memref<1x1x128xi32, #tpu.memory_space<hbm>> -> memref<1x128xi32, #tpu.memory_space<hbm>>
      tpu.enqueue_dma source(%dma_start3A_105 : memref<1x128xi32, #tpu.memory_space<hbm>>) target(%dma_start3A_101 : memref<1x128xi32, #tpu.memory_space<vmem>>) target_semaphore(%arg16 : memref<!tpu.dma_semaphore, #tpu.memory_space<semaphore_mem>>)
      %gt3A = arith.constant 0 : i32
      %gt3A_106 = arith.cmpi sgt, %scan3A_65, %gt3A : i32
      %convert_element_type3A_107 = arith.extui %gt3A_106 : i1 to i32
      %cond3A_108 = arith.constant 0 : i32
      %cond3A_109 = arith.cmpi ne, %convert_element_type3A_107, %cond3A_108 : i32
      scf.if %cond3A_109 {
        %dma_wait3A_278 = arith.constant 1 : i32
        %dma_wait3A_279 = arith.constant 0 : i32
        %dma_wait3A_280 = arith.constant 0 : i32
        %dma_wait3A_281 = tpu.memref_slice %arg7[%dma_wait3A_278, %dma_wait3A_279, %dma_wait3A_280] : memref<2x1x128xi32, #tpu.memory_space<vmem>> -> memref<1x1x128xi32, #tpu.memory_space<vmem>>
        %dma_wait3A_282 = tpu.memref_squeeze %dma_wait3A_281 : memref<1x1x128xi32, #tpu.memory_space<vmem>> -> memref<128xi32, #tpu.memory_space<vmem>>
        %dma_wait3A_283 = arith.constant 0 : i32
        %dma_wait3A_284 = arith.constant 0 : i32
        %dma_wait3A_285 = tpu.memref_slice %arg17[%dma_wait3A_283, %dma_wait3A_284] : memref<10000x128xf32, #tpu.memory_space<vmem_shared>> -> memref<10000x128xf32, #tpu.memory_space<vmem_shared>>
        tpu.wait_indirect_dma semaphore(%arg14 : memref<!tpu.dma_semaphore, #tpu.memory_space<semaphore_mem>>) src(%arg9 : memref<128x128xf32, #tpu.memory_space<vmem>>) dst(%dma_wait3A_285 : memref<10000x128xf32, #tpu.memory_space<vmem_shared>>)
      } else {
      }
      %dma_start3A_110 = arith.constant 1 : i32
      %dma_start3A_111 = arith.constant 0 : i32
      %dma_start3A_112 = arith.constant 0 : i32
      %dma_start3A_113 = tpu.memref_slice %arg7[%dma_start3A_110, %dma_start3A_111, %dma_start3A_112] : memref<2x1x128xi32, #tpu.memory_space<vmem>> -> memref<1x1x128xi32, #tpu.memory_space<vmem>>
      %dma_start3A_114 = tpu.memref_squeeze %dma_start3A_113 : memref<1x1x128xi32, #tpu.memory_space<vmem>> -> memref<1x128xi32, #tpu.memory_space<vmem>>
      %dma_start3A_115 = arith.constant 0 : i32
      %dma_start3A_116 = arith.constant 0 : i32
      %dma_start3A_117 = tpu.memref_slice %arg4[%min3A_73, %dma_start3A_115, %dma_start3A_116] : memref<2500x1x128xi32, #tpu.memory_space<hbm>> -> memref<1x1x128xi32, #tpu.memory_space<hbm>>
      %dma_start3A_118 = tpu.memref_squeeze %dma_start3A_117 : memref<1x1x128xi32, #tpu.memory_space<hbm>> -> memref<1x128xi32, #tpu.memory_space<hbm>>
      %dma_start3A_119 = arith.constant 0 : i32
      %dma_start3A_120 = arith.constant 0 : i32
      %dma_start3A_121 = tpu.memref_slice %arg7[%dma_start3A_110, %dma_start3A_119, %dma_start3A_120] : memref<2x1x128xi32, #tpu.memory_space<vmem>> -> memref<1x1x128xi32, #tpu.memory_space<vmem>>
      %dma_start3A_122 = tpu.memref_squeeze %dma_start3A_121 : memref<1x1x128xi32, #tpu.memory_space<vmem>> -> memref<1x128xi32, #tpu.memory_space<vmem>>
      %dma_start3A_123 = arith.constant 0 : i32
      %dma_start3A_124 = arith.constant 0 : i32
      %dma_start3A_125 = tpu.memref_slice %arg4[%min3A_73, %dma_start3A_123, %dma_start3A_124] : memref<2500x1x128xi32, #tpu.memory_space<hbm>> -> memref<1x1x128xi32, #tpu.memory_space<hbm>>
      %dma_start3A_126 = tpu.memref_squeeze %dma_start3A_125 : memref<1x1x128xi32, #tpu.memory_space<hbm>> -> memref<1x128xi32, #tpu.memory_space<hbm>>
      tpu.enqueue_dma source(%dma_start3A_126 : memref<1x128xi32, #tpu.memory_space<hbm>>) target(%dma_start3A_122 : memref<1x128xi32, #tpu.memory_space<vmem>>) target_semaphore(%arg16 : memref<!tpu.dma_semaphore, #tpu.memory_space<semaphore_mem>>)
      %dma_wait3A_127 = arith.constant 1 : i32
      %dma_wait3A_128 = arith.constant 0 : i32
      %dma_wait3A_129 = arith.constant 0 : i32
      %dma_wait3A_130 = tpu.memref_slice %arg6[%dma_wait3A_127, %dma_wait3A_128, %dma_wait3A_129] : memref<2x1x128xi32, #tpu.memory_space<vmem>> -> memref<1x1x128xi32, #tpu.memory_space<vmem>>
      %dma_wait3A_131 = tpu.memref_squeeze %dma_wait3A_130 : memref<1x1x128xi32, #tpu.memory_space<vmem>> -> memref<1x128xi32, #tpu.memory_space<vmem>>
      %dma_wait3A_132 = arith.constant 0 : i32
      %dma_wait3A_133 = arith.constant 0 : i32
      %dma_wait3A_134 = tpu.memref_slice %arg3[%min3A_73, %dma_wait3A_132, %dma_wait3A_133] : memref<2500x1x128xi32, #tpu.memory_space<hbm>> -> memref<1x1x128xi32, #tpu.memory_space<hbm>>
      %dma_wait3A_135 = tpu.memref_squeeze %dma_wait3A_134 : memref<1x1x128xi32, #tpu.memory_space<hbm>> -> memref<1x128xi32, #tpu.memory_space<hbm>>
      %dma_wait3A_136 = arith.constant 0 : i32
      %dma_wait3A_137 = arith.constant 0 : i32
      %dma_wait3A_138 = tpu.memref_slice %arg6[%dma_wait3A_127, %dma_wait3A_136, %dma_wait3A_137] : memref<2x1x128xi32, #tpu.memory_space<vmem>> -> memref<1x1x128xi32, #tpu.memory_space<vmem>>
      %dma_wait3A_139 = tpu.memref_squeeze %dma_wait3A_138 : memref<1x1x128xi32, #tpu.memory_space<vmem>> -> memref<1x128xi32, #tpu.memory_space<vmem>>
      %dma_wait3A_140 = arith.constant 0 : i32
      %dma_wait3A_141 = arith.constant 0 : i32
      %dma_wait3A_142 = tpu.memref_slice %arg3[%min3A_73, %dma_wait3A_140, %dma_wait3A_141] : memref<2500x1x128xi32, #tpu.memory_space<hbm>> -> memref<1x1x128xi32, #tpu.memory_space<hbm>>
      %dma_wait3A_143 = tpu.memref_squeeze %dma_wait3A_142 : memref<1x1x128xi32, #tpu.memory_space<hbm>> -> memref<1x128xi32, #tpu.memory_space<hbm>>
      tpu.wait_dma2 semaphore(%arg16 : memref<!tpu.dma_semaphore, #tpu.memory_space<semaphore_mem>>) src(%dma_wait3A_143 : memref<1x128xi32, #tpu.memory_space<hbm>>) dst(%dma_wait3A_139 : memref<1x128xi32, #tpu.memory_space<vmem>>)
      %dma_wait3A_144 = arith.constant 1 : i32
      %dma_wait3A_145 = arith.constant 0 : i32
      %dma_wait3A_146 = arith.constant 0 : i32
      %dma_wait3A_147 = tpu.memref_slice %arg7[%dma_wait3A_144, %dma_wait3A_145, %dma_wait3A_146] : memref<2x1x128xi32, #tpu.memory_space<vmem>> -> memref<1x1x128xi32, #tpu.memory_space<vmem>>
      %dma_wait3A_148 = tpu.memref_squeeze %dma_wait3A_147 : memref<1x1x128xi32, #tpu.memory_space<vmem>> -> memref<1x128xi32, #tpu.memory_space<vmem>>
      %dma_wait3A_149 = arith.constant 0 : i32
      %dma_wait3A_150 = arith.constant 0 : i32
      %dma_wait3A_151 = tpu.memref_slice %arg4[%min3A_73, %dma_wait3A_149, %dma_wait3A_150] : memref<2500x1x128xi32, #tpu.memory_space<hbm>> -> memref<1x1x128xi32, #tpu.memory_space<hbm>>
      %dma_wait3A_152 = tpu.memref_squeeze %dma_wait3A_151 : memref<1x1x128xi32, #tpu.memory_space<hbm>> -> memref<1x128xi32, #tpu.memory_space<hbm>>
      %dma_wait3A_153 = arith.constant 0 : i32
      %dma_wait3A_154 = arith.constant 0 : i32
      %dma_wait3A_155 = tpu.memref_slice %arg7[%dma_wait3A_144, %dma_wait3A_153, %dma_wait3A_154] : memref<2x1x128xi32, #tpu.memory_space<vmem>> -> memref<1x1x128xi32, #tpu.memory_space<vmem>>
      %dma_wait3A_156 = tpu.memref_squeeze %dma_wait3A_155 : memref<1x1x128xi32, #tpu.memory_space<vmem>> -> memref<1x128xi32, #tpu.memory_space<vmem>>
      %dma_wait3A_157 = arith.constant 0 : i32
      %dma_wait3A_158 = arith.constant 0 : i32
      %dma_wait3A_159 = tpu.memref_slice %arg4[%min3A_73, %dma_wait3A_157, %dma_wait3A_158] : memref<2500x1x128xi32, #tpu.memory_space<hbm>> -> memref<1x1x128xi32, #tpu.memory_space<hbm>>
      %dma_wait3A_160 = tpu.memref_squeeze %dma_wait3A_159 : memref<1x1x128xi32, #tpu.memory_space<hbm>> -> memref<1x128xi32, #tpu.memory_space<hbm>>
      tpu.wait_dma2 semaphore(%arg16 : memref<!tpu.dma_semaphore, #tpu.memory_space<semaphore_mem>>) src(%dma_wait3A_160 : memref<1x128xi32, #tpu.memory_space<hbm>>) dst(%dma_wait3A_156 : memref<1x128xi32, #tpu.memory_space<vmem>>)
      %dma_start3A_161 = arith.constant 1 : i32
      %dma_start3A_162 = arith.constant 0 : i32
      %dma_start3A_163 = arith.constant 0 : i32
      %dma_start3A_164 = tpu.memref_slice %arg6[%dma_start3A_161, %dma_start3A_162, %dma_start3A_163] : memref<2x1x128xi32, #tpu.memory_space<vmem>> -> memref<1x1x128xi32, #tpu.memory_space<vmem>>
      %dma_start3A_165 = tpu.memref_squeeze %dma_start3A_164 : memref<1x1x128xi32, #tpu.memory_space<vmem>> -> memref<128xi32, #tpu.memory_space<vmem>>
      %dma_start3A_166 = arith.constant 0 : i32
      %dma_start3A_167 = arith.constant 0 : i32
      %dma_start3A_168 = tpu.memref_slice %arg2[%dma_start3A_166, %dma_start3A_167] : memref<10000x128xf32, #tpu.memory_space<hbm>> -> memref<10000x128xf32, #tpu.memory_space<hbm>>
      tpu.enqueue_indirect_dma source(%dma_start3A_168 : memref<10000x128xf32, #tpu.memory_space<hbm>>) target(%arg9 : memref<128x128xf32, #tpu.memory_space<vmem>>) offsets(%dma_start3A_165 : memref<128xi32, #tpu.memory_space<vmem>>) semaphore(%arg12 : memref<!tpu.dma_semaphore, #tpu.memory_space<semaphore_mem>>)
      %dma_start3A_169 = arith.constant 0 : i32
      %dma_start3A_170 = arith.constant 0 : i32
      %dma_start3A_171 = arith.constant 0 : i32
      %dma_start3A_172 = tpu.memref_slice %arg7[%dma_start3A_169, %dma_start3A_170, %dma_start3A_171] : memref<2x1x128xi32, #tpu.memory_space<vmem>> -> memref<1x1x128xi32, #tpu.memory_space<vmem>>
      %dma_start3A_173 = tpu.memref_squeeze %dma_start3A_172 : memref<1x1x128xi32, #tpu.memory_space<vmem>> -> memref<128xi32, #tpu.memory_space<vmem>>
      %dma_start3A_174 = arith.constant 0 : i32
      %dma_start3A_175 = arith.constant 0 : i32
      %dma_start3A_176 = tpu.memref_slice %arg17[%dma_start3A_174, %dma_start3A_175] : memref<10000x128xf32, #tpu.memory_space<vmem_shared>> -> memref<10000x128xf32, #tpu.memory_space<vmem_shared>>
      tpu.enqueue_indirect_dma source(%arg8 : memref<128x128xf32, #tpu.memory_space<vmem>>) target(%dma_start3A_176 : memref<10000x128xf32, #tpu.memory_space<vmem_shared>>) offsets(%dma_start3A_173 : memref<128xi32, #tpu.memory_space<vmem>>) semaphore(%arg13 : memref<!tpu.dma_semaphore, #tpu.memory_space<semaphore_mem>>) {add = true}
      %dma_start3A_177 = arith.constant 0 : i32
      %dma_start3A_178 = arith.constant 0 : i32
      %dma_start3A_179 = arith.constant 0 : i32
      %dma_start3A_180 = tpu.memref_slice %arg6[%dma_start3A_177, %dma_start3A_178, %dma_start3A_179] : memref<2x1x128xi32, #tpu.memory_space<vmem>> -> memref<1x1x128xi32, #tpu.memory_space<vmem>>
      %dma_start3A_181 = tpu.memref_squeeze %dma_start3A_180 : memref<1x1x128xi32, #tpu.memory_space<vmem>> -> memref<1x128xi32, #tpu.memory_space<vmem>>
      %dma_start3A_182 = arith.constant 0 : i32
      %dma_start3A_183 = arith.constant 0 : i32
      %dma_start3A_184 = tpu.memref_slice %arg3[%min3A_80, %dma_start3A_182, %dma_start3A_183] : memref<2500x1x128xi32, #tpu.memory_space<hbm>> -> memref<1x1x128xi32, #tpu.memory_space<hbm>>
      %dma_start3A_185 = tpu.memref_squeeze %dma_start3A_184 : memref<1x1x128xi32, #tpu.memory_space<hbm>> -> memref<1x128xi32, #tpu.memory_space<hbm>>
      %dma_start3A_186 = arith.constant 0 : i32
      %dma_start3A_187 = arith.constant 0 : i32
      %dma_start3A_188 = tpu.memref_slice %arg6[%dma_start3A_177, %dma_start3A_186, %dma_start3A_187] : memref<2x1x128xi32, #tpu.memory_space<vmem>> -> memref<1x1x128xi32, #tpu.memory_space<vmem>>
      %dma_start3A_189 = tpu.memref_squeeze %dma_start3A_188 : memref<1x1x128xi32, #tpu.memory_space<vmem>> -> memref<1x128xi32, #tpu.memory_space<vmem>>
      %dma_start3A_190 = arith.constant 0 : i32
      %dma_start3A_191 = arith.constant 0 : i32
      %dma_start3A_192 = tpu.memref_slice %arg3[%min3A_80, %dma_start3A_190, %dma_start3A_191] : memref<2500x1x128xi32, #tpu.memory_space<hbm>> -> memref<1x1x128xi32, #tpu.memory_space<hbm>>
      %dma_start3A_193 = tpu.memref_squeeze %dma_start3A_192 : memref<1x1x128xi32, #tpu.memory_space<hbm>> -> memref<1x128xi32, #tpu.memory_space<hbm>>
      tpu.enqueue_dma source(%dma_start3A_193 : memref<1x128xi32, #tpu.memory_space<hbm>>) target(%dma_start3A_189 : memref<1x128xi32, #tpu.memory_space<vmem>>) target_semaphore(%arg15 : memref<!tpu.dma_semaphore, #tpu.memory_space<semaphore_mem>>)
      %dma_wait3A_194 = arith.constant 1 : i32
      %dma_wait3A_195 = arith.constant 0 : i32
      %dma_wait3A_196 = arith.constant 0 : i32
      %dma_wait3A_197 = tpu.memref_slice %arg6[%dma_wait3A_194, %dma_wait3A_195, %dma_wait3A_196] : memref<2x1x128xi32, #tpu.memory_space<vmem>> -> memref<1x1x128xi32, #tpu.memory_space<vmem>>
      %dma_wait3A_198 = tpu.memref_squeeze %dma_wait3A_197 : memref<1x1x128xi32, #tpu.memory_space<vmem>> -> memref<128xi32, #tpu.memory_space<vmem>>
      %dma_wait3A_199 = arith.constant 0 : i32
      %dma_wait3A_200 = arith.constant 0 : i32
      %dma_wait3A_201 = tpu.memref_slice %arg2[%dma_wait3A_199, %dma_wait3A_200] : memref<10000x128xf32, #tpu.memory_space<hbm>> -> memref<10000x128xf32, #tpu.memory_space<hbm>>
      tpu.wait_indirect_dma semaphore(%arg12 : memref<!tpu.dma_semaphore, #tpu.memory_space<semaphore_mem>>) src(%dma_wait3A_201 : memref<10000x128xf32, #tpu.memory_space<hbm>>) dst(%arg9 : memref<128x128xf32, #tpu.memory_space<vmem>>)
      %dma_wait3A_202 = arith.constant 0 : i32
      %dma_wait3A_203 = arith.constant 0 : i32
      %dma_wait3A_204 = arith.constant 0 : i32
      %dma_wait3A_205 = tpu.memref_slice %arg7[%dma_wait3A_202, %dma_wait3A_203, %dma_wait3A_204] : memref<2x1x128xi32, #tpu.memory_space<vmem>> -> memref<1x1x128xi32, #tpu.memory_space<vmem>>
      %dma_wait3A_206 = tpu.memref_squeeze %dma_wait3A_205 : memref<1x1x128xi32, #tpu.memory_space<vmem>> -> memref<128xi32, #tpu.memory_space<vmem>>
      %dma_wait3A_207 = arith.constant 0 : i32
      %dma_wait3A_208 = arith.constant 0 : i32
      %dma_wait3A_209 = tpu.memref_slice %arg17[%dma_wait3A_207, %dma_wait3A_208] : memref<10000x128xf32, #tpu.memory_space<vmem_shared>> -> memref<10000x128xf32, #tpu.memory_space<vmem_shared>>
      tpu.wait_indirect_dma semaphore(%arg13 : memref<!tpu.dma_semaphore, #tpu.memory_space<semaphore_mem>>) src(%arg8 : memref<128x128xf32, #tpu.memory_space<vmem>>) dst(%dma_wait3A_209 : memref<10000x128xf32, #tpu.memory_space<vmem_shared>>)
      %dma_start3A_210 = arith.constant 0 : i32
      %dma_start3A_211 = arith.constant 0 : i32
      %dma_start3A_212 = arith.constant 0 : i32
      %dma_start3A_213 = tpu.memref_slice %arg7[%dma_start3A_210, %dma_start3A_211, %dma_start3A_212] : memref<2x1x128xi32, #tpu.memory_space<vmem>> -> memref<1x1x128xi32, #tpu.memory_space<vmem>>
      %dma_start3A_214 = tpu.memref_squeeze %dma_start3A_213 : memref<1x1x128xi32, #tpu.memory_space<vmem>> -> memref<1x128xi32, #tpu.memory_space<vmem>>
      %dma_start3A_215 = arith.constant 0 : i32
      %dma_start3A_216 = arith.constant 0 : i32
      %dma_start3A_217 = tpu.memref_slice %arg4[%min3A_80, %dma_start3A_215, %dma_start3A_216] : memref<2500x1x128xi32, #tpu.memory_space<hbm>> -> memref<1x1x128xi32, #tpu.memory_space<hbm>>
      %dma_start3A_218 = tpu.memref_squeeze %dma_start3A_217 : memref<1x1x128xi32, #tpu.memory_space<hbm>> -> memref<1x128xi32, #tpu.memory_space<hbm>>
      %dma_start3A_219 = arith.constant 0 : i32
      %dma_start3A_220 = arith.constant 0 : i32
      %dma_start3A_221 = tpu.memref_slice %arg7[%dma_start3A_210, %dma_start3A_219, %dma_start3A_220] : memref<2x1x128xi32, #tpu.memory_space<vmem>> -> memref<1x1x128xi32, #tpu.memory_space<vmem>>
      %dma_start3A_222 = tpu.memref_squeeze %dma_start3A_221 : memref<1x1x128xi32, #tpu.memory_space<vmem>> -> memref<1x128xi32, #tpu.memory_space<vmem>>
      %dma_start3A_223 = arith.constant 0 : i32
      %dma_start3A_224 = arith.constant 0 : i32
      %dma_start3A_225 = tpu.memref_slice %arg4[%min3A_80, %dma_start3A_223, %dma_start3A_224] : memref<2500x1x128xi32, #tpu.memory_space<hbm>> -> memref<1x1x128xi32, #tpu.memory_space<hbm>>
      %dma_start3A_226 = tpu.memref_squeeze %dma_start3A_225 : memref<1x1x128xi32, #tpu.memory_space<hbm>> -> memref<1x128xi32, #tpu.memory_space<hbm>>
      tpu.enqueue_dma source(%dma_start3A_226 : memref<1x128xi32, #tpu.memory_space<hbm>>) target(%dma_start3A_222 : memref<1x128xi32, #tpu.memory_space<vmem>>) target_semaphore(%arg15 : memref<!tpu.dma_semaphore, #tpu.memory_space<semaphore_mem>>)
      %dma_start3A_227 = arith.constant 1 : i32
      %dma_start3A_228 = arith.constant 0 : i32
      %dma_start3A_229 = arith.constant 0 : i32
      %dma_start3A_230 = tpu.memref_slice %arg7[%dma_start3A_227, %dma_start3A_228, %dma_start3A_229] : memref<2x1x128xi32, #tpu.memory_space<vmem>> -> memref<1x1x128xi32, #tpu.memory_space<vmem>>
      %dma_start3A_231 = tpu.memref_squeeze %dma_start3A_230 : memref<1x1x128xi32, #tpu.memory_space<vmem>> -> memref<128xi32, #tpu.memory_space<vmem>>
      %dma_start3A_232 = arith.constant 0 : i32
      %dma_start3A_233 = arith.constant 0 : i32
      %dma_start3A_234 = tpu.memref_slice %arg17[%dma_start3A_232, %dma_start3A_233] : memref<10000x128xf32, #tpu.memory_space<vmem_shared>> -> memref<10000x128xf32, #tpu.memory_space<vmem_shared>>
      tpu.enqueue_indirect_dma source(%arg9 : memref<128x128xf32, #tpu.memory_space<vmem>>) target(%dma_start3A_234 : memref<10000x128xf32, #tpu.memory_space<vmem_shared>>) offsets(%dma_start3A_231 : memref<128xi32, #tpu.memory_space<vmem>>) semaphore(%arg14 : memref<!tpu.dma_semaphore, #tpu.memory_space<semaphore_mem>>) {add = true}
      %dma_wait3A_235 = arith.constant 0 : i32
      %dma_wait3A_236 = arith.constant 0 : i32
      %dma_wait3A_237 = arith.constant 0 : i32
      %dma_wait3A_238 = tpu.memref_slice %arg6[%dma_wait3A_235, %dma_wait3A_236, %dma_wait3A_237] : memref<2x1x128xi32, #tpu.memory_space<vmem>> -> memref<1x1x128xi32, #tpu.memory_space<vmem>>
      %dma_wait3A_239 = tpu.memref_squeeze %dma_wait3A_238 : memref<1x1x128xi32, #tpu.memory_space<vmem>> -> memref<1x128xi32, #tpu.memory_space<vmem>>
      %dma_wait3A_240 = arith.constant 0 : i32
      %dma_wait3A_241 = arith.constant 0 : i32
      %dma_wait3A_242 = tpu.memref_slice %arg3[%min3A_80, %dma_wait3A_240, %dma_wait3A_241] : memref<2500x1x128xi32, #tpu.memory_space<hbm>> -> memref<1x1x128xi32, #tpu.memory_space<hbm>>
      %dma_wait3A_243 = tpu.memref_squeeze %dma_wait3A_242 : memref<1x1x128xi32, #tpu.memory_space<hbm>> -> memref<1x128xi32, #tpu.memory_space<hbm>>
      %dma_wait3A_244 = arith.constant 0 : i32
      %dma_wait3A_245 = arith.constant 0 : i32
      %dma_wait3A_246 = tpu.memref_slice %arg6[%dma_wait3A_235, %dma_wait3A_244, %dma_wait3A_245] : memref<2x1x128xi32, #tpu.memory_space<vmem>> -> memref<1x1x128xi32, #tpu.memory_space<vmem>>
      %dma_wait3A_247 = tpu.memref_squeeze %dma_wait3A_246 : memref<1x1x128xi32, #tpu.memory_space<vmem>> -> memref<1x128xi32, #tpu.memory_space<vmem>>
      %dma_wait3A_248 = arith.constant 0 : i32
      %dma_wait3A_249 = arith.constant 0 : i32
      %dma_wait3A_250 = tpu.memref_slice %arg3[%min3A_80, %dma_wait3A_248, %dma_wait3A_249] : memref<2500x1x128xi32, #tpu.memory_space<hbm>> -> memref<1x1x128xi32, #tpu.memory_space<hbm>>
      %dma_wait3A_251 = tpu.memref_squeeze %dma_wait3A_250 : memref<1x1x128xi32, #tpu.memory_space<hbm>> -> memref<1x128xi32, #tpu.memory_space<hbm>>
      tpu.wait_dma2 semaphore(%arg15 : memref<!tpu.dma_semaphore, #tpu.memory_space<semaphore_mem>>) src(%dma_wait3A_251 : memref<1x128xi32, #tpu.memory_space<hbm>>) dst(%dma_wait3A_247 : memref<1x128xi32, #tpu.memory_space<vmem>>)
      %dma_wait3A_252 = arith.constant 0 : i32
      %dma_wait3A_253 = arith.constant 0 : i32
      %dma_wait3A_254 = arith.constant 0 : i32
      %dma_wait3A_255 = tpu.memref_slice %arg7[%dma_wait3A_252, %dma_wait3A_253, %dma_wait3A_254] : memref<2x1x128xi32, #tpu.memory_space<vmem>> -> memref<1x1x128xi32, #tpu.memory_space<vmem>>
      %dma_wait3A_256 = tpu.memref_squeeze %dma_wait3A_255 : memref<1x1x128xi32, #tpu.memory_space<vmem>> -> memref<1x128xi32, #tpu.memory_space<vmem>>
      %dma_wait3A_257 = arith.constant 0 : i32
      %dma_wait3A_258 = arith.constant 0 : i32
      %dma_wait3A_259 = tpu.memref_slice %arg4[%min3A_80, %dma_wait3A_257, %dma_wait3A_258] : memref<2500x1x128xi32, #tpu.memory_space<hbm>> -> memref<1x1x128xi32, #tpu.memory_space<hbm>>
      %dma_wait3A_260 = tpu.memref_squeeze %dma_wait3A_259 : memref<1x1x128xi32, #tpu.memory_space<hbm>> -> memref<1x128xi32, #tpu.memory_space<hbm>>
      %dma_wait3A_261 = arith.constant 0 : i32
      %dma_wait3A_262 = arith.constant 0 : i32
      %dma_wait3A_263 = tpu.memref_slice %arg7[%dma_wait3A_252, %dma_wait3A_261, %dma_wait3A_262] : memref<2x1x128xi32, #tpu.memory_space<vmem>> -> memref<1x1x128xi32, #tpu.memory_space<vmem>>
      %dma_wait3A_264 = tpu.memref_squeeze %dma_wait3A_263 : memref<1x1x128xi32, #tpu.memory_space<vmem>> -> memref<1x128xi32, #tpu.memory_space<vmem>>
      %dma_wait3A_265 = arith.constant 0 : i32
      %dma_wait3A_266 = arith.constant 0 : i32
      %dma_wait3A_267 = tpu.memref_slice %arg4[%min3A_80, %dma_wait3A_265, %dma_wait3A_266] : memref<2500x1x128xi32, #tpu.memory_space<hbm>> -> memref<1x1x128xi32, #tpu.memory_space<hbm>>
      %dma_wait3A_268 = tpu.memref_squeeze %dma_wait3A_267 : memref<1x1x128xi32, #tpu.memory_space<hbm>> -> memref<1x128xi32, #tpu.memory_space<hbm>>
      tpu.wait_dma2 semaphore(%arg15 : memref<!tpu.dma_semaphore, #tpu.memory_space<semaphore_mem>>) src(%dma_wait3A_268 : memref<1x128xi32, #tpu.memory_space<hbm>>) dst(%dma_wait3A_264 : memref<1x128xi32, #tpu.memory_space<vmem>>)
      %dma_start3A_269 = arith.constant 0 : i32
      %dma_start3A_270 = arith.constant 0 : i32
      %dma_start3A_271 = arith.constant 0 : i32
      %dma_start3A_272 = tpu.memref_slice %arg6[%dma_start3A_269, %dma_start3A_270, %dma_start3A_271] : memref<2x1x128xi32, #tpu.memory_space<vmem>> -> memref<1x1x128xi32, #tpu.memory_space<vmem>>
      %dma_start3A_273 = tpu.memref_squeeze %dma_start3A_272 : memref<1x1x128xi32, #tpu.memory_space<vmem>> -> memref<128xi32, #tpu.memory_space<vmem>>
      %dma_start3A_274 = arith.constant 0 : i32
      %dma_start3A_275 = arith.constant 0 : i32
      %dma_start3A_276 = tpu.memref_slice %arg2[%dma_start3A_274, %dma_start3A_275] : memref<10000x128xf32, #tpu.memory_space<hbm>> -> memref<10000x128xf32, #tpu.memory_space<hbm>>
      tpu.enqueue_indirect_dma source(%dma_start3A_276 : memref<10000x128xf32, #tpu.memory_space<hbm>>) target(%arg8 : memref<128x128xf32, #tpu.memory_space<vmem>>) offsets(%dma_start3A_273 : memref<128xi32, #tpu.memory_space<vmem>>) semaphore(%arg11 : memref<!tpu.dma_semaphore, #tpu.memory_space<semaphore_mem>>)
      %scan3A_277 = arith.constant 0 : i32
      scf.yield %scan3A_277 : i32
    }
    %scan3A_35 = arith.constant 39 : i32
    %dma_wait3A = arith.constant 0 : i32
    %dma_wait3A_36 = arith.constant 0 : i32
    %dma_wait3A_37 = arith.constant 0 : i32
    %dma_wait3A_38 = tpu.memref_slice %arg6[%dma_wait3A, %dma_wait3A_36, %dma_wait3A_37] : memref<2x1x128xi32, #tpu.memory_space<vmem>> -> memref<1x1x128xi32, #tpu.memory_space<vmem>>
    %dma_wait3A_39 = tpu.memref_squeeze %dma_wait3A_38 : memref<1x1x128xi32, #tpu.memory_space<vmem>> -> memref<128xi32, #tpu.memory_space<vmem>>
    %dma_wait3A_40 = arith.constant 0 : i32
    %dma_wait3A_41 = arith.constant 0 : i32
    %dma_wait3A_42 = tpu.memref_slice %arg2[%dma_wait3A_40, %dma_wait3A_41] : memref<10000x128xf32, #tpu.memory_space<hbm>> -> memref<10000x128xf32, #tpu.memory_space<hbm>>
    tpu.wait_indirect_dma semaphore(%arg11 : memref<!tpu.dma_semaphore, #tpu.memory_space<semaphore_mem>>) src(%dma_wait3A_42 : memref<10000x128xf32, #tpu.memory_space<hbm>>) dst(%arg8 : memref<128x128xf32, #tpu.memory_space<vmem>>)
    %dma_wait3A_43 = arith.constant 1 : i32
    %dma_wait3A_44 = arith.constant 0 : i32
    %dma_wait3A_45 = arith.constant 0 : i32
    %dma_wait3A_46 = tpu.memref_slice %arg7[%dma_wait3A_43, %dma_wait3A_44, %dma_wait3A_45] : memref<2x1x128xi32, #tpu.memory_space<vmem>> -> memref<1x1x128xi32, #tpu.memory_space<vmem>>
    %dma_wait3A_47 = tpu.memref_squeeze %dma_wait3A_46 : memref<1x1x128xi32, #tpu.memory_space<vmem>> -> memref<128xi32, #tpu.memory_space<vmem>>
    %dma_wait3A_48 = arith.constant 0 : i32
    %dma_wait3A_49 = arith.constant 0 : i32
    %dma_wait3A_50 = tpu.memref_slice %arg17[%dma_wait3A_48, %dma_wait3A_49] : memref<10000x128xf32, #tpu.memory_space<vmem_shared>> -> memref<10000x128xf32, #tpu.memory_space<vmem_shared>>
    tpu.wait_indirect_dma semaphore(%arg14 : memref<!tpu.dma_semaphore, #tpu.memory_space<semaphore_mem>>) src(%arg9 : memref<128x128xf32, #tpu.memory_space<vmem>>) dst(%dma_wait3A_50 : memref<10000x128xf32, #tpu.memory_space<vmem_shared>>)
    %lt3A = arith.constant 4 : i32
    %lt3A_51 = arith.cmpi slt, %add3A, %lt3A : i32
    %convert_element_type3A_52 = arith.extui %lt3A_51 : i1 to i32
    %cond3A_53 = arith.constant 0 : i32
    %cond3A_54 = arith.cmpi ne, %convert_element_type3A_52, %cond3A_53 : i32
    scf.if %cond3A_54 {
      %run_scoped3A_65 = arith.constant 0 : i32
      %run_scoped3A_66 = arith.constant 0 : i32
      "tpu.region"() ({
        %run_scoped3A_67 = tpu.sem_alloc : memref<!tpu.dma_semaphore, #tpu.memory_space<semaphore_mem>>
        %dma_start3A_68 = arith.constant 0 : i32
        %dma_start3A_69 = tpu.memref_slice %arg7[%run_scoped3A_65, %run_scoped3A_66, %dma_start3A_68] : memref<2x1x128xi32, #tpu.memory_space<vmem>> -> memref<1x1x128xi32, #tpu.memory_space<vmem>>
        %dma_start3A_70 = tpu.memref_squeeze %dma_start3A_69 : memref<1x1x128xi32, #tpu.memory_space<vmem>> -> memref<128xi32, #tpu.memory_space<vmem>>
        %dma_start3A_71 = arith.constant 0 : i32
        %dma_start3A_72 = arith.constant 0 : i32
        %dma_start3A_73 = tpu.memref_slice %arg17[%dma_start3A_71, %dma_start3A_72] : memref<10000x128xf32, #tpu.memory_space<vmem_shared>> -> memref<10000x128xf32, #tpu.memory_space<vmem_shared>>
        tpu.enqueue_indirect_dma source(%arg8 : memref<128x128xf32, #tpu.memory_space<vmem>>) target(%dma_start3A_73 : memref<10000x128xf32, #tpu.memory_space<vmem_shared>>) offsets(%dma_start3A_70 : memref<128xi32, #tpu.memory_space<vmem>>) semaphore(%run_scoped3A_67 : memref<!tpu.dma_semaphore, #tpu.memory_space<semaphore_mem>>) {add = true}
        %dma_wait3A_74 = arith.constant 0 : i32
        %dma_wait3A_75 = tpu.memref_slice %arg7[%run_scoped3A_65, %run_scoped3A_66, %dma_wait3A_74] : memref<2x1x128xi32, #tpu.memory_space<vmem>> -> memref<1x1x128xi32, #tpu.memory_space<vmem>>
        %dma_wait3A_76 = tpu.memref_squeeze %dma_wait3A_75 : memref<1x1x128xi32, #tpu.memory_space<vmem>> -> memref<128xi32, #tpu.memory_space<vmem>>
        %dma_wait3A_77 = arith.constant 0 : i32
        %dma_wait3A_78 = arith.constant 0 : i32
        %dma_wait3A_79 = tpu.memref_slice %arg17[%dma_wait3A_77, %dma_wait3A_78] : memref<10000x128xf32, #tpu.memory_space<vmem_shared>> -> memref<10000x128xf32, #tpu.memory_space<vmem_shared>>
        tpu.wait_indirect_dma semaphore(%run_scoped3A_67 : memref<!tpu.dma_semaphore, #tpu.memory_space<semaphore_mem>>) src(%arg8 : memref<128x128xf32, #tpu.memory_space<vmem>>) dst(%dma_wait3A_79 : memref<10000x128xf32, #tpu.memory_space<vmem_shared>>)
        tpu.yield
      }) : () -> ()
    } else {
    }
    %barrier3A_55 = arith.constant 0 : index
    tpu.barrier barrier_id(%barrier3A_55)
    %mul3A_56 = arith.constant 624 : i32
    %mul3A_57 = arith.muli %arg1, %mul3A_56 : i32
    %mul3A_58 = arith.constant 624 : i32
    %mul3A_59 = arith.muli %arg1, %mul3A_58 : i32
    "tpu.region"() ({
      %run_scoped3A_65 = tpu.sem_alloc : memref<!tpu.dma_semaphore, #tpu.memory_space<semaphore_mem>>
      %dma_start3A_66 = arith.constant 0 : i32
      %dma_start3A_67 = tpu.memref_slice %arg5[%arg0, %mul3A_59, %dma_start3A_66] : memref<2x10000x128xf32, #tpu.memory_space<hbm>> -> memref<1x624x128xf32, #tpu.memory_space<hbm>>
      %dma_start3A_68 = tpu.memref_squeeze %dma_start3A_67 : memref<1x624x128xf32, #tpu.memory_space<hbm>> -> memref<624x128xf32, #tpu.memory_space<hbm>>
      %dma_start3A_69 = arith.constant 0 : i32
      %dma_start3A_70 = tpu.memref_slice %arg17[%mul3A_57, %dma_start3A_69] : memref<10000x128xf32, #tpu.memory_space<vmem_shared>> -> memref<624x128xf32, #tpu.memory_space<vmem_shared>>
      tpu.enqueue_dma source(%dma_start3A_70 : memref<624x128xf32, #tpu.memory_space<vmem_shared>>) target(%dma_start3A_68 : memref<624x128xf32, #tpu.memory_space<hbm>>) target_semaphore(%run_scoped3A_65 : memref<!tpu.dma_semaphore, #tpu.memory_space<semaphore_mem>>)
      %dma_wait3A_71 = arith.constant 0 : i32
      %dma_wait3A_72 = tpu.memref_slice %arg5[%arg0, %mul3A_59, %dma_wait3A_71] : memref<2x10000x128xf32, #tpu.memory_space<hbm>> -> memref<1x624x128xf32, #tpu.memory_space<hbm>>
      %dma_wait3A_73 = tpu.memref_squeeze %dma_wait3A_72 : memref<1x624x128xf32, #tpu.memory_space<hbm>> -> memref<624x128xf32, #tpu.memory_space<hbm>>
      %dma_wait3A_74 = arith.constant 0 : i32
      %dma_wait3A_75 = tpu.memref_slice %arg17[%mul3A_57, %dma_wait3A_74] : memref<10000x128xf32, #tpu.memory_space<vmem_shared>> -> memref<624x128xf32, #tpu.memory_space<vmem_shared>>
      tpu.wait_dma2 semaphore(%run_scoped3A_65 : memref<!tpu.dma_semaphore, #tpu.memory_space<semaphore_mem>>) src(%dma_wait3A_75 : memref<624x128xf32, #tpu.memory_space<vmem_shared>>) dst(%dma_wait3A_73 : memref<624x128xf32, #tpu.memory_space<hbm>>)
      tpu.yield
    }) : () -> ()
    %eq3A_60 = arith.constant 15 : i32
    %eq3A_61 = arith.cmpi eq, %arg1, %eq3A_60 : i32
    %convert_element_type3A_62 = arith.extui %eq3A_61 : i1 to i32
    %cond3A_63 = arith.constant 0 : i32
    %cond3A_64 = arith.cmpi ne, %convert_element_type3A_62, %cond3A_63 : i32
    scf.if %cond3A_64 {
      "tpu.region"() ({
        %run_scoped3A_65 = tpu.sem_alloc : memref<!tpu.dma_semaphore, #tpu.memory_space<semaphore_mem>>
        %dma_start3A_66 = arith.constant 9984 : i32
        %dma_start3A_67 = arith.constant 0 : i32
        %dma_start3A_68 = tpu.memref_slice %arg5[%arg0, %dma_start3A_66, %dma_start3A_67] : memref<2x10000x128xf32, #tpu.memory_space<hbm>> -> memref<1x16x128xf32, #tpu.memory_space<hbm>>
        %dma_start3A_69 = tpu.memref_squeeze %dma_start3A_68 : memref<1x16x128xf32, #tpu.memory_space<hbm>> -> memref<16x128xf32, #tpu.memory_space<hbm>>
        %dma_start3A_70 = arith.constant 9984 : i32
        %dma_start3A_71 = arith.constant 0 : i32
        %dma_start3A_72 = tpu.memref_slice %arg17[%dma_start3A_70, %dma_start3A_71] : memref<10000x128xf32, #tpu.memory_space<vmem_shared>> -> memref<16x128xf32, #tpu.memory_space<vmem_shared>>
        tpu.enqueue_dma source(%dma_start3A_72 : memref<16x128xf32, #tpu.memory_space<vmem_shared>>) target(%dma_start3A_69 : memref<16x128xf32, #tpu.memory_space<hbm>>) target_semaphore(%run_scoped3A_65 : memref<!tpu.dma_semaphore, #tpu.memory_space<semaphore_mem>>)
        %dma_wait3A_73 = arith.constant 9984 : i32
        %dma_wait3A_74 = arith.constant 0 : i32
        %dma_wait3A_75 = tpu.memref_slice %arg5[%arg0, %dma_wait3A_73, %dma_wait3A_74] : memref<2x10000x128xf32, #tpu.memory_space<hbm>> -> memref<1x16x128xf32, #tpu.memory_space<hbm>>
        %dma_wait3A_76 = tpu.memref_squeeze %dma_wait3A_75 : memref<1x16x128xf32, #tpu.memory_space<hbm>> -> memref<16x128xf32, #tpu.memory_space<hbm>>
        %dma_wait3A_77 = arith.constant 9984 : i32
        %dma_wait3A_78 = arith.constant 0 : i32
        %dma_wait3A_79 = tpu.memref_slice %arg17[%dma_wait3A_77, %dma_wait3A_78] : memref<10000x128xf32, #tpu.memory_space<vmem_shared>> -> memref<16x128xf32, #tpu.memory_space<vmem_shared>>
        tpu.wait_dma2 semaphore(%run_scoped3A_65 : memref<!tpu.dma_semaphore, #tpu.memory_space<semaphore_mem>>) src(%dma_wait3A_79 : memref<16x128xf32, #tpu.memory_space<vmem_shared>>) dst(%dma_wait3A_76 : memref<16x128xf32, #tpu.memory_space<hbm>>)
        tpu.yield
      }) : () -> ()
    } else {
    }
    return
  }
}

module attributes {stable_mosaic.version = 14 : i64} {
  func.func @_tc_body(%arg0: i32, %arg1: memref<2x1000x128xf32, #tpu.memory_space<vmem>>, %arg2: memref<2x1000x128xf32, #tpu.memory_space<vmem>>, %arg3: memref<1000x128xf32, #tpu.memory_space<vmem>>, %arg4: memref<128x128xf32, #tpu.memory_space<vmem>>, %arg5: memref<128x128xf32, #tpu.memory_space<vmem>>, %arg6: memref<1x128xf32, #tpu.memory_space<vmem>>, %arg7: memref<1000x128xf32, #tpu.memory_space<vmem>>) attributes {dimension_semantics = [#tpu.dimension_semantics<arbitrary>], iteration_bounds = array<i64: 10>, scalar_prefetch = 0 : i64, scratch_operands = 0 : i64, tpu.core_type = #tpu.core_type<tc>, window_params = [{transform_indices = @transform_0, window_bounds = array<i64: 2, 1000, 128>}, {transform_indices = @transform_1, window_bounds = array<i64: 2, 1000, 128>}, {transform_indices = @transform_2, window_bounds = array<i64: 1000, 128>}, {pipeline_mode = #tpu.pipeline_mode<synchronous>, transform_indices = @transform_3, window_bounds = array<i64: 128, 128>}, {pipeline_mode = #tpu.pipeline_mode<synchronous>, transform_indices = @transform_4, window_bounds = array<i64: 128, 128>}, {pipeline_mode = #tpu.pipeline_mode<synchronous>, transform_indices = @transform_5, window_bounds = array<i64: 1, 128>}, {transform_indices = @transform_6, window_bounds = array<i64: 1000, 128>}]} {
    %get3A = arith.constant 0 : index
    %get3A_0 = arith.constant 0 : index
    %get3A_1 = arith.constant 0 : index
    %get3A_2 = vector.load %arg1[%get3A, %get3A_0, %get3A_1] : memref<2x1000x128xf32, #tpu.memory_space<vmem>>, vector<1x1000x128xf32>
    %get3A_3 = vector.shape_cast %get3A_2 : vector<1x1000x128xf32> to vector<1000x128xf32>
    %get3A_4 = arith.constant 1 : index
    %get3A_5 = arith.constant 0 : index
    %get3A_6 = arith.constant 0 : index
    %get3A_7 = vector.load %arg1[%get3A_4, %get3A_5, %get3A_6] : memref<2x1000x128xf32, #tpu.memory_space<vmem>>, vector<1x1000x128xf32>
    %get3A_8 = vector.shape_cast %get3A_7 : vector<1x1000x128xf32> to vector<1000x128xf32>
    %add3A = arith.addf %get3A_3, %get3A_8 : vector<1000x128xf32>
    %get3A_9 = arith.constant 0 : index
    %get3A_10 = arith.constant 0 : index
    %get3A_11 = arith.constant 0 : index
    %get3A_12 = vector.load %arg2[%get3A_9, %get3A_10, %get3A_11] : memref<2x1000x128xf32, #tpu.memory_space<vmem>>, vector<1x1000x1xf32>
    %get3A_13 = vector.shape_cast %get3A_12 : vector<1x1000x1xf32> to vector<1000x1xf32>
    %get3A_14 = arith.constant 1 : index
    %get3A_15 = arith.constant 0 : index
    %get3A_16 = arith.constant 0 : index
    %get3A_17 = vector.load %arg2[%get3A_14, %get3A_15, %get3A_16] : memref<2x1000x128xf32, #tpu.memory_space<vmem>>, vector<1x1000x1xf32>
    %get3A_18 = vector.shape_cast %get3A_17 : vector<1x1000x1xf32> to vector<1000x1xf32>
    %add3A_19 = arith.addf %get3A_13, %get3A_18 : vector<1000x1xf32>
    %max3A = arith.constant 1.000000e+00 : f32
    %max3A_20 = vector.broadcast %max3A : f32 to vector<1000x1xf32>
    %max3A_21 = arith.maximumf %add3A_19, %max3A_20 : vector<1000x1xf32>
    %div3A = vector.broadcast %max3A_21 : vector<1000x1xf32> to vector<1000x128xf32>
    %div3A_22 = arith.divf %add3A, %div3A : vector<1000x128xf32>
    %get3A_23 = arith.constant 0 : index
    %get3A_24 = arith.constant 0 : index
    %get3A_25 = vector.load %arg4[%get3A_23, %get3A_24] : memref<128x128xf32, #tpu.memory_space<vmem>>, vector<128x128xf32>
    %dot_general3A = arith.constant dense<0.000000e+00> : vector<1000x128xf32>
    %dot_general3A_26 = tpu.matmul %div3A_22, %get3A_25, %dot_general3A {dimension_numbers = #tpu.dot_dimension_numbers<[1], [0], [0], [1], [0, 0, 1, 1], [], []>, transpose_lhs_hint = false} : vector<1000x128xf32>, vector<128x128xf32>, vector<1000x128xf32> -> vector<1000x128xf32>
    %get3A_27 = arith.constant 0 : index
    %get3A_28 = arith.constant 0 : index
    %get3A_29 = vector.load %arg3[%get3A_27, %get3A_28] : memref<1000x128xf32, #tpu.memory_space<vmem>>, vector<1000x128xf32>
    %get3A_30 = arith.constant 0 : index
    %get3A_31 = arith.constant 0 : index
    %get3A_32 = vector.load %arg5[%get3A_30, %get3A_31] : memref<128x128xf32, #tpu.memory_space<vmem>>, vector<128x128xf32>
    %dot_general3A_33 = arith.constant dense<0.000000e+00> : vector<1000x128xf32>
    %dot_general3A_34 = tpu.matmul %get3A_29, %get3A_32, %dot_general3A_33 {dimension_numbers = #tpu.dot_dimension_numbers<[1], [0], [0], [1], [0, 0, 1, 1], [], []>, transpose_lhs_hint = false} : vector<1000x128xf32>, vector<128x128xf32>, vector<1000x128xf32> -> vector<1000x128xf32>
    %add3A_35 = arith.addf %dot_general3A_26, %dot_general3A_34 : vector<1000x128xf32>
    %get3A_36 = arith.constant 0 : index
    %get3A_37 = arith.constant 0 : index
    %get3A_38 = vector.load %arg6[%get3A_36, %get3A_37] : memref<1x128xf32, #tpu.memory_space<vmem>>, vector<1x128xf32>
    %add3A_39 = vector.broadcast %get3A_38 : vector<1x128xf32> to vector<1000x128xf32>
    %add3A_40 = arith.addf %add3A_35, %add3A_39 : vector<1000x128xf32>
    %max3A_41 = arith.constant 0.000000e+00 : f32
    %max3A_42 = vector.broadcast %max3A_41 : f32 to vector<1000x128xf32>
    %max3A_43 = arith.maximumf %add3A_40, %max3A_42 : vector<1000x128xf32>
    %swap3A = arith.constant 0 : index
    %swap3A_44 = arith.constant 0 : index
    %swap3A_45 = vector.load %arg7[%swap3A, %swap3A_44] : memref<1000x128xf32, #tpu.memory_space<vmem>>, vector<1000x128xf32>
    tpu.vector_store %arg7[%swap3A, %swap3A_44], %max3A_43 {strides = array<i32>} : memref<1000x128xf32, #tpu.memory_space<vmem>>, vector<1000x128xf32>,
    return
  }
  func.func @transform_0(%arg0: i32) -> (i32, i32, i32) {
    %c0_i32 = arith.constant 0 : i32
    %c0_i32_0 = arith.constant 0 : i32
    %c0_i32_1 = arith.constant 0 : i32
    return %c0_i32, %arg0, %c0_i32_0 : i32, i32, i32
  }
  func.func @transform_1(%arg0: i32) -> (i32, i32, i32) {
    %c0_i32 = arith.constant 0 : i32
    %c0_i32_0 = arith.constant 0 : i32
    %c0_i32_1 = arith.constant 0 : i32
    return %c0_i32, %arg0, %c0_i32_0 : i32, i32, i32
  }
  func.func @transform_2(%arg0: i32) -> (i32, i32) {
    %c0_i32 = arith.constant 0 : i32
    %c0_i32_0 = arith.constant 0 : i32
    return %arg0, %c0_i32 : i32, i32
  }
  func.func @transform_3(%arg0: i32) -> (i32, i32) {
    %c0_i32 = arith.constant 0 : i32
    %c0_i32_0 = arith.constant 0 : i32
    %c0_i32_1 = arith.constant 0 : i32
    return %c0_i32, %c0_i32_0 : i32, i32
  }
  func.func @transform_4(%arg0: i32) -> (i32, i32) {
    %c0_i32 = arith.constant 0 : i32
    %c0_i32_0 = arith.constant 0 : i32
    %c0_i32_1 = arith.constant 0 : i32
    return %c0_i32, %c0_i32_0 : i32, i32
  }
  func.func @transform_5(%arg0: i32) -> (i32, i32) {
    %c0_i32 = arith.constant 0 : i32
    %c0_i32_0 = arith.constant 0 : i32
    %c0_i32_1 = arith.constant 0 : i32
    return %c0_i32, %c0_i32_0 : i32, i32
  }
  func.func @transform_6(%arg0: i32) -> (i32, i32) {
    %c0_i32 = arith.constant 0 : i32
    %c0_i32_0 = arith.constant 0 : i32
    return %arg0, %c0_i32 : i32, i32
  }
}

module attributes {stable_mosaic.version = 14 : i64} {
  func.func @_tc_body(%arg0: i32, %arg1: memref<2x1000x128xf32, #tpu.memory_space<vmem>>, %arg2: memref<2x1000x128xf32, #tpu.memory_space<vmem>>, %arg3: memref<1000x128xf32, #tpu.memory_space<vmem>>, %arg4: memref<128x128xf32, #tpu.memory_space<vmem>>, %arg5: memref<128x128xf32, #tpu.memory_space<vmem>>, %arg6: memref<1x128xf32, #tpu.memory_space<vmem>>, %arg7: memref<1000x128xf32, #tpu.memory_space<vmem>>) attributes {dimension_semantics = [#tpu.dimension_semantics<arbitrary>], iteration_bounds = array<i64: 10>, scalar_prefetch = 0 : i64, scratch_operands = 0 : i64, tpu.core_type = #tpu.core_type<tc>, window_params = [{transform_indices = @transform_0, window_bounds = array<i64: 2, 1000, 128>}, {transform_indices = @transform_1, window_bounds = array<i64: 2, 1000, 128>}, {transform_indices = @transform_2, window_bounds = array<i64: 1000, 128>}, {pipeline_mode = #tpu.pipeline_mode<synchronous>, transform_indices = @transform_3, window_bounds = array<i64: 128, 128>}, {pipeline_mode = #tpu.pipeline_mode<synchronous>, transform_indices = @transform_4, window_bounds = array<i64: 128, 128>}, {pipeline_mode = #tpu.pipeline_mode<synchronous>, transform_indices = @transform_5, window_bounds = array<i64: 1, 128>}, {transform_indices = @transform_6, window_bounds = array<i64: 1000, 128>}]} {
    %get3A = arith.constant 0 : index
    %get3A_0 = arith.constant 0 : index
    %get3A_1 = arith.constant 0 : index
    %get3A_2 = vector.load %arg1[%get3A, %get3A_0, %get3A_1] : memref<2x1000x128xf32, #tpu.memory_space<vmem>>, vector<1x1000x128xf32>
    %get3A_3 = vector.shape_cast %get3A_2 : vector<1x1000x128xf32> to vector<1000x128xf32>
    %get3A_4 = arith.constant 1 : index
    %get3A_5 = arith.constant 0 : index
    %get3A_6 = arith.constant 0 : index
    %get3A_7 = vector.load %arg1[%get3A_4, %get3A_5, %get3A_6] : memref<2x1000x128xf32, #tpu.memory_space<vmem>>, vector<1x1000x128xf32>
    %get3A_8 = vector.shape_cast %get3A_7 : vector<1x1000x128xf32> to vector<1000x128xf32>
    %add3A = arith.addf %get3A_3, %get3A_8 : vector<1000x128xf32>
    %get3A_9 = arith.constant 0 : index
    %get3A_10 = arith.constant 0 : index
    %get3A_11 = arith.constant 0 : index
    %get3A_12 = vector.load %arg2[%get3A_9, %get3A_10, %get3A_11] : memref<2x1000x128xf32, #tpu.memory_space<vmem>>, vector<1x1000x1xf32>
    %get3A_13 = vector.shape_cast %get3A_12 : vector<1x1000x1xf32> to vector<1000x1xf32>
    %get3A_14 = arith.constant 1 : index
    %get3A_15 = arith.constant 0 : index
    %get3A_16 = arith.constant 0 : index
    %get3A_17 = vector.load %arg2[%get3A_14, %get3A_15, %get3A_16] : memref<2x1000x128xf32, #tpu.memory_space<vmem>>, vector<1x1000x1xf32>
    %get3A_18 = vector.shape_cast %get3A_17 : vector<1x1000x1xf32> to vector<1000x1xf32>
    %add3A_19 = arith.addf %get3A_13, %get3A_18 : vector<1000x1xf32>
    %max3A = arith.constant 1.000000e+00 : f32
    %max3A_20 = vector.broadcast %max3A : f32 to vector<1000x1xf32>
    %max3A_21 = arith.maximumf %add3A_19, %max3A_20 : vector<1000x1xf32>
    %div3A = vector.broadcast %max3A_21 : vector<1000x1xf32> to vector<1000x128xf32>
    %div3A_22 = arith.divf %add3A, %div3A : vector<1000x128xf32>
    %get3A_23 = arith.constant 0 : index
    %get3A_24 = arith.constant 0 : index
    %get3A_25 = vector.load %arg4[%get3A_23, %get3A_24] : memref<128x128xf32, #tpu.memory_space<vmem>>, vector<128x128xf32>
    %dot_general3A = arith.constant dense<0.000000e+00> : vector<1000x128xf32>
    %dot_general3A_26 = tpu.matmul %div3A_22, %get3A_25, %dot_general3A {dimension_numbers = #tpu.dot_dimension_numbers<[1], [0], [0], [1], [0, 0, 1, 1], [], []>, transpose_lhs_hint = false} : vector<1000x128xf32>, vector<128x128xf32>, vector<1000x128xf32> -> vector<1000x128xf32>
    %get3A_27 = arith.constant 0 : index
    %get3A_28 = arith.constant 0 : index
    %get3A_29 = vector.load %arg3[%get3A_27, %get3A_28] : memref<1000x128xf32, #tpu.memory_space<vmem>>, vector<1000x128xf32>
    %get3A_30 = arith.constant 0 : index
    %get3A_31 = arith.constant 0 : index
    %get3A_32 = vector.load %arg5[%get3A_30, %get3A_31] : memref<128x128xf32, #tpu.memory_space<vmem>>, vector<128x128xf32>
    %dot_general3A_33 = arith.constant dense<0.000000e+00> : vector<1000x128xf32>
    %dot_general3A_34 = tpu.matmul %get3A_29, %get3A_32, %dot_general3A_33 {dimension_numbers = #tpu.dot_dimension_numbers<[1], [0], [0], [1], [0, 0, 1, 1], [], []>, transpose_lhs_hint = false} : vector<1000x128xf32>, vector<128x128xf32>, vector<1000x128xf32> -> vector<1000x128xf32>
    %add3A_35 = arith.addf %dot_general3A_26, %dot_general3A_34 : vector<1000x128xf32>
    %get3A_36 = arith.constant 0 : index
    %get3A_37 = arith.constant 0 : index
    %get3A_38 = vector.load %arg6[%get3A_36, %get3A_37] : memref<1x128xf32, #tpu.memory_space<vmem>>, vector<1x128xf32>
    %add3A_39 = vector.broadcast %get3A_38 : vector<1x128xf32> to vector<1000x128xf32>
    %add3A_40 = arith.addf %add3A_35, %add3A_39 : vector<1000x128xf32>
    %swap3A = arith.constant 0 : index
    %swap3A_41 = arith.constant 0 : index
    %swap3A_42 = vector.load %arg7[%swap3A, %swap3A_41] : memref<1000x128xf32, #tpu.memory_space<vmem>>, vector<1000x128xf32>
    tpu.vector_store %arg7[%swap3A, %swap3A_41], %add3A_40 {strides = array<i32>} : memref<1000x128xf32, #tpu.memory_space<vmem>>, vector<1000x128xf32>,
    return
  }
  func.func @transform_0(%arg0: i32) -> (i32, i32, i32) {
    %c0_i32 = arith.constant 0 : i32
    %c0_i32_0 = arith.constant 0 : i32
    %c0_i32_1 = arith.constant 0 : i32
    return %c0_i32, %arg0, %c0_i32_0 : i32, i32, i32
  }
  func.func @transform_1(%arg0: i32) -> (i32, i32, i32) {
    %c0_i32 = arith.constant 0 : i32
    %c0_i32_0 = arith.constant 0 : i32
    %c0_i32_1 = arith.constant 0 : i32
    return %c0_i32, %arg0, %c0_i32_0 : i32, i32, i32
  }
  func.func @transform_2(%arg0: i32) -> (i32, i32) {
    %c0_i32 = arith.constant 0 : i32
    %c0_i32_0 = arith.constant 0 : i32
    return %arg0, %c0_i32 : i32, i32
  }
  func.func @transform_3(%arg0: i32) -> (i32, i32) {
    %c0_i32 = arith.constant 0 : i32
    %c0_i32_0 = arith.constant 0 : i32
    %c0_i32_1 = arith.constant 0 : i32
    return %c0_i32, %c0_i32_0 : i32, i32
  }
  func.func @transform_4(%arg0: i32) -> (i32, i32) {
    %c0_i32 = arith.constant 0 : i32
    %c0_i32_0 = arith.constant 0 : i32
    %c0_i32_1 = arith.constant 0 : i32
    return %c0_i32, %c0_i32_0 : i32, i32
  }
  func.func @transform_5(%arg0: i32) -> (i32, i32) {
    %c0_i32 = arith.constant 0 : i32
    %c0_i32_0 = arith.constant 0 : i32
    %c0_i32_1 = arith.constant 0 : i32
    return %c0_i32, %c0_i32_0 : i32, i32
  }
  func.func @transform_6(%arg0: i32) -> (i32, i32) {
    %c0_i32 = arith.constant 0 : i32
    %c0_i32_0 = arith.constant 0 : i32
    return %arg0, %c0_i32 : i32, i32
  }
}

</mosaic_0001>

<sc_bundles>
// kernel: kernel.10.cloned.1.call-start
scs
__scs_entry_jumppad:
0x0: {  	(pc) =	sbr.rel $0x88, $3  }
0x1: {  	(tag) =	ssettag $0x0;
	lr =	simm.s32 $0x1  }
0x2: {  	[smem:$0x3F99] =	sst lr;
	_ =	strace $0xD0000000  }
0x3: {  	_ = 	snop  }
0x4: {  	_ = 	snop  }
0x5: {  	_ = 	snop  }
0x6: {  	_ = 	snop  }
0x7: {  	_ = 	snop  }
__scs_overlays_trampoline_lowered:
0x8: {  	[smem:$0x3FA8] =	sst s0  }
0x9: {  	[smem:$0x3FA9] =	sst s1  }
0xa: {  	[smem:$0x3FAA] =	sst s2  }
0xb: {  	[smem:$0x3FAB] =	sst s3  }
0xc: {  	[smem:$0x3FAC] =	sst s4  }
0xd: {  	[smem:$0x3FAD] =	sst s5  }
0xe: {  	[smem:$0x3FAE] =	sst s6  }
0xf: {  	[smem:$0x3FAF] =	sst s7  }
0x10: {  	[smem:$0x3FB0] =	sst s8  }
0x11: {  	[smem:$0x3FB1] =	sst s9;
	s0 =	simm.s32 @!p0 $0x0  }
0x12: {  	s1 =	sld [smem:$0x3F97];
	s0 =	simm.s32 @p0 $0x1  }
0x13: {  	[smem:$0x3FB2] =	sst s0;
	s0 =	simm.s32 @!p1 $0x0  }
0x14: {  	s2 =	sld [smem:$0x3F96];
	s0 =	simm.s32 @p1 $0x1  }
0x15: {  	[smem:$0x3FB3] =	sst s0;
	s0 =	simm.s32 @!p2 $0x0  }
0x16: {  	s3 =	sld [smem:$0x3FDB];
	s0 =	simm.s32 @p2 $0x1  }
0x17: {  	s4 =	simm.s32 $0x1BF5;
	[smem:$0x3FB5] =	sst s0  }
0x18: {  	s0 =	sld [smem:$0x3F98];
	_ =	swait.ge [sflag:s4], $0x0  }
0x19: {  	s7 =	sld [smem:$0x3F99]  }
0x1a: {  	s8 =	sadd.s32 $0xFFFFE003, lr  }
0x1b: {  	s9 =	sadd.s32 $0xFFFFFEF7, lr;
	s5 =	simm.s32 $0xFFFFFFFF;
	p2 =	slt.u32 s8, $0xFFFFF086  }
0x1c: {  	p1 =	slt.u32 s9, $0xF7A;
	s5 =	simm.s32 @!p2 $0x0  }
0x1d: {  	s5 =	simm.s32 @p1 $0x1;
	p0 =	seq.s32 s7, s2  }
0x1e: {  	s7 =	smul.u32 @!p0 $0xF7A, s2;
	p2 =	seq.s32 @!p0 s5, $0x0  }
0x1f: {  	s9 =	smul.u32 $0xF7A, s1;
	s8 =	simm.s32 @!p0 $0x1BF5;
	p2 =	por !p2, p0  }
0x20: {  	[sflag:s8] =	ssyncset.s32 @!p0 $0xFFFFF086;
	s6 =	sadd.s32 @!p0 s3, s7;
	s7 =	simm.s32 @!p0 $0x108  }
0x21: {  	s3 =	sadd.s32 s3, s9;
	s6 =	sadd.s32 @!p0 $0x88, s6;
	s7 =	simm.s32 @p2 $0x1082  }
0x22: {  	[simem:s7], [sflag:s8] =	dma.local @!p0 [hbm:s6], $0xF7A  }
0x23: {  	s9 =	sor.u32 $0xD0000000, s2;
	s6 =	simm.s32 $0x108;
	_ =	swait.ge @!p0 [sflag:s8], $0x0  }
0x24: {  	s3 =	sadd.s32 $0x88, s3;
	s6 =	simm.s32 @!p1 $0x1082;
	[sflag:s4] =	ssyncset.s32 $0xFFFFF086  }
0x25: {  	[simem:s6], [sflag:s4] =	dma.local [hbm:s3], $0xF7A  }
0x26: {  	[smem:$0x3F99] =	sst s1;
	(tag) =	ssettag s2;
	_ =	strace s9  }
0x27: {  	s1 =	sld [smem:$0x3FA9]  }
0x28: {  	s2 =	sld [smem:$0x3FAA]  }
0x29: {  	s4 =	sld [smem:$0x3FAC]  }
0x2a: {  	p0 =	seq.s32 s5, $0x0;
	s5 =	sld [smem:$0x3FAD]  }
0x2b: {  	s6 =	sld [smem:$0x3FAE]  }
0x2c: {  	s7 =	sld [smem:$0x3FAF]  }
0x2d: {  	s3 =	simm.s32 $0x108;
	s8 =	sld [smem:$0x3FB0]  }
0x2e: {  	s3 =	simm.s32 @!p0 $0x1082;
	s9 =	sld [smem:$0x3FB1]  }
0x2f: {  	lr =	sadd.s32 s0, s3;
	s0 =	sld [smem:$0x3FA8]  }
0x30: {  	s3 =	sld [smem:$0x3FAB]  }
0x31: {  	[smem:$0x3FB4] =	sst s10  }
0x32: {  	s10 =	sld [smem:$0x3FB2];
	_ =	sdelay $0x3  }
0x33: {  	p0 =	seq.s32 s10, $0x1;
	s10 =	sld [smem:$0x3FB4];
	_ =	sdelay $0x3  }
0x34: {  	[smem:$0x3FB4] =	sst s10  }
0x35: {  	s10 =	sld [smem:$0x3FB3];
	_ =	sdelay $0x3  }
0x36: {  	p1 =	seq.s32 s10, $0x1;
	s10 =	sld [smem:$0x3FB4];
	_ =	sdelay $0x3  }
0x37: {  	[smem:$0x3FB4] =	sst s10  }
0x38: {  	s10 =	sld [smem:$0x3FB5]  }
0x39: {  	_ = 	snop;
	(pc) =	sbr.ind lr, $3  }
0x3a: {  	_ = 	snop  }
0x3b: {  	_ = 	snop  }
0x3c: {  	p2 =	seq.s32 s10, $0x1;
	s10 =	sld [smem:$0x3FB4]  }
0x3d: {  	_ =	shalt  }
0x3e: {  	_ =	shalt  }
0x3f: {  	_ =	shalt  }
0x40: {  	_ =	shalt  }
0x41: {  	_ =	shalt  }
0x42: {  	_ =	shalt  }
0x43: {  	_ =	shalt  }
0x44: {  	_ =	shalt  }
0x45: {  	_ =	shalt  }
0x46: {  	_ =	shalt  }
0x47: {  	_ =	shalt  }
0x48: {  	_ =	shalt  }
0x49: {  	_ =	shalt  }
0x4a: {  	_ =	shalt  }
0x4b: {  	_ =	shalt  }
0x4c: {  	_ =	shalt  }
0x4d: {  	_ =	shalt  }
0x4e: {  	_ =	shalt  }
0x4f: {  	_ =	shalt  }
0x50: {  	_ =	shalt  }
0x51: {  	_ =	shalt  }
0x52: {  	_ =	shalt  }
0x53: {  	_ =	shalt  }
0x54: {  	_ =	shalt  }
0x55: {  	_ =	shalt  }
0x56: {  	_ =	shalt  }
0x57: {  	_ =	shalt  }
0x58: {  	_ =	shalt  }
0x59: {  	_ =	shalt  }
0x5a: {  	_ =	shalt  }
0x5b: {  	_ =	shalt  }
0x5c: {  	_ =	shalt  }
0x5d: {  	_ =	shalt  }
0x5e: {  	_ =	shalt  }
0x5f: {  	_ =	shalt  }
0x60: {  	_ =	shalt  }
0x61: {  	_ =	shalt  }
0x62: {  	_ =	shalt  }
0x63: {  	_ =	shalt  }
0x64: {  	_ =	shalt  }
0x65: {  	_ =	shalt  }
0x66: {  	_ =	shalt  }
0x67: {  	_ =	shalt  }
0x68: {  	_ =	shalt  }
0x69: {  	_ =	shalt  }
0x6a: {  	_ =	shalt  }
0x6b: {  	_ =	shalt  }
0x6c: {  	_ =	shalt  }
0x6d: {  	_ =	shalt  }
0x6e: {  	_ =	shalt  }
0x6f: {  	_ =	shalt  }
0x70: {  	_ =	shalt  }
0x71: {  	_ =	shalt  }
0x72: {  	_ =	shalt  }
0x73: {  	_ =	shalt  }
0x74: {  	_ =	shalt  }
0x75: {  	_ =	shalt  }
0x76: {  	_ =	shalt  }
0x77: {  	_ =	shalt  }
0x78: {  	_ =	shalt  }
0x79: {  	_ =	shalt  }
0x7a: {  	_ =	shalt  }
0x7b: {  	_ =	shalt  }
0x7c: {  	_ =	shalt  }
0x7d: {  	_ =	shalt  }
0x7e: {  	_ =	shalt  }
0x7f: {  	_ =	shalt  }
0x80: {  	_ =	shalt  }
0x81: {  	_ =	shalt  }
0x82: {  	_ =	shalt  }
0x83: {  	_ =	shalt  }
0x84: {  	_ =	shalt  }
0x85: {  	_ =	shalt  }
0x86: {  	_ =	shalt  }
0x87: {  	_ =	shalt  }
.Lfunc_end0:
.L_simem_size_0:
called_computation.1_lowered:
.L_overlay_start_0:
0x88: {  	s2 =	sld [smem:$0x3FD9]  }
0x89: {  	s3 =	sld [smem:$0x3FFE];
	_ =	sdelay $0x1  }
0x8a: {  	s1 =	srdreg.scid  }
0x8b: {  	s0 =	sand.u32 $0x1, s1  }
0x8c: {  	s17 =	sshll.u32 s0, $0xA;
	s2 =	sadd.s32 s3, s2  }
0x8d: {  	s2 =	sadd.s32 s2, s17  }
0x8e: {  	[smem:$0x3FC0] =	sst s2  }
0x8f: {  	_ = 	snop  }
0x90: {  	(tm) =	ssettm $0x1  }
0x91: {  	s18 =	sld [smem:$0x3FFB];
	_ =	sdelay $0x3  }
0x92: {  	_ =	strace s18  }
0x93: {  	s2 =	sld [smem:$0x3FFC];
	_ =	sdelay $0x3  }
0x94: {  	_ =	strace s2  }
0x95: {  	s2 =	sld [smem:$0x3FFD];
	_ =	sdelay $0x3  }
0x96: {  	_ =	strace s2  }
0x97: {  	_ =	strace $0x8FFFFFFF  }
0x98: {  	s19 =	sld [smem:$0x3FDB];
	_ =	sdelay $0x1  }
0x99: {  	s20 =	simm.s32 $_scs_section_size  }
0x9a: {  	s4 =	simm.s32 $_size__tile_overlayer_lowered;
	s5 =	simm.s32 $_tile_overlayer_lowered  }
0x9b: {  	s6 =	simm.s32 $0x1BFF;
	s21 =	sshll.u32 s5, $0x1;
	s3 =	sadd.s32 s20, s19  }
0x9c: {  	s22 =	simm.s32 $0x0;
	s4 =	sshll.u32 s4, $0x1;
	s5 =	sadd.s32 s21, s3  }
0x9d: {  	[timem:s22], [sflag:s6] =	dma.local [hbm:s5], s4  }
0x9e: {  	_ =	swait.ge [sflag:s6], s4  }
0x9f: {  	s4 =	ssub.s32 $0x0, s4;
	[sflag:s6] =	ssyncset.done $0x0  }
0xa0: {  	[sflag:s6] =	ssyncadd.s32 s4;
	_ =	sdelay $0x1  }
0xa1: {  	s23 =	simm.s32 $0x1B8B  }
0xa2: {  	_ =	swait.ge [sflag:s23], $0x1  }
0xa3: {  	[sflag:s23] =	ssyncset.done $0x0  }
0xa4: {  	[sflag:s23] =	ssyncadd.s32 $0xFFFFFFFF  }
0xa5: {  	s4 =	sld [smem:$0x0]  }
0xa6: {  	s5 =	sand.u32 $0xFFFFFFFE, s1  }
0xa7: {  	p0 =	sne.s32 s1, s5  }
0xa8: {  	s5 =	sshll.u32 @p0 s5, $0xE  }
0xa9: {  	s5 =	sadd.s32 @p0 $0x11B8D, s5;
	s6 =	sshll.u32 @p0 s4, $0x11  }
0xaa: {  	s5 =	sor.u32 @p0 s6, s5  }
0xab: {  	[sflag:s5] =	ssyncadd.remote.s32 @p0 $0x1;
	_ =	sdelay $0x1  }
0xac: {  	s5 =	simm.s32 @p0 $0x1B8D  }
0xad: {  	_ =	swait.eq @p0 [sflag:s5], $0x1  }
0xae: {  	[sflag:s5] =	ssyncadd.s32 @p0 $0xFFFFFFFF  }
0xaf: {  	s6 =	sshll.u32 @!p0 s1, $0xE  }
0xb0: {  	s6 =	sor.u32 @!p0 $0x4000, s6;
	s5 =	simm.s32 @!p0 $0x1B8D  }
0xb1: {  	s4 =	sshll.u32 @!p0 s4, $0x11;
	s6 =	sadd.s32 @!p0 $0x11B8D, s6;
	_ =	swait.eq @!p0 [sflag:s5], $0x1  }
0xb2: {  	s4 =	sor.u32 @!p0 s4, s6;
	[sflag:s5] =	ssyncadd.s32 @!p0 $0xFFFFFFFF  }
0xb3: {  	s25 =	simm.s32 $0x1B8E;
	s24 =	sld [smem:$0x3FFE];
	[sflag:s4] =	ssyncadd.remote.s32 @!p0 $0x1  }
0xb4: {  	s26 =	simm.s32 $execute0_lowered;
	[smem:$0x3FD2] =	sst s25  }
0xb5: {  	s5 =	sshll.u32 s26, $0x1;
	_ =	strace $0x80000049;
	[dreg:$0x1] =	wrdreg $0xFFFFFFFF  }
0xb6: {  	s28 =	simm.s32 $_size_execute0_lowered;
	s3 =	sadd.s32 s3, s5;
	[dreg:$0x0] =	wrdreg $0x0  }
0xb7: {  	s5 =	sshll.u32 s28, $0x1;
	[dreg:$0x2] =	wrdreg s3  }
0xb8: {  	[dreg:$0x3] =	wrdreg s5  }
0xb9: {  	[dreg:$0x4] =	wrdreg $0xC0  }
0xba: {  	_ =	task [dreg:s22], $0x5FFFF  }
0xbb: {  	[dreg:$0x1] =	wrdreg $0xFFFFFFFF  }
0xbc: {  	[dreg:$0x0] =	wrdreg $0x60  }
0xbd: {  	[dreg:$0x2] =	wrdreg s24  }
0xbe: {  	[dreg:$0x3] =	wrdreg $0x49000  }
0xbf: {  	[dreg:$0x4] =	wrdreg $0xA  }
0xc0: {  	_ =	task.clear_ibuf [dreg:s22], $0x5FFFF;
	_ =	strace $0x90000049  }
0xc1: {  	s29 =	simm.s32 $0xA;
	_ =	strace $0x8000004B  }
0xc2: {  	_ =	swait.ge [sflag:s29], $0x1  }
0xc3: {  	[sflag:s29] =	ssyncadd.s32 $0xFFFFFFFF  }
0xc4: {  	_ =	strace $0x9000004B  }
0xc5: {  	_ =	sfence  }
0xc6: {  	s30 =	sld [smem:$0x0];
	_ =	sdelay $0x2  }
0xc7: {  	s31 =	sshll.u32 s1, $0xD;
	s1 =	sshrl.u32 s1, $0x2  }
0xc8: {  	s4 =	sand.u32 $0x4000, s31;
	s1 =	sadd.s32 s1, s30  }
0xc9: {  	s0 =	sor.u32 s4, s0;
	s1 =	sshll.u32 s1, $0x11  }
0xca: {  	s0 =	sor.u32 s1, s0  }
0xcb: {  	s0 =	sadd.s32 $0x8F2B, s0  }
0xcc: {  	[sflag:s0] =	ssyncadd.remote.s32 $0x1  }
0xcd: {  	_ =	sfence.sel $0xFFFF  }
0xce: {  	[dreg:$0x0] =	wrdreg $0xFFFFFFFF;
	(pc) =	sbr.abs _section_cstart, $3  }
0xcf: {  	[dreg:$0x1] =	wrdreg $0xFFFFFFFF  }
0xd0: {  	_ =	task.clear_ibuf [dreg:s22], $0x2FFFF;
	_ =	strace $0x9FFFFFFF  }
0xd1: {  	(tm) =	ssettm $0x7FFFFFFF  }
tec
execute0_lowered:
.L_overlay_start_1:
0x0: {  	(tag) =	ssettag $0x1  }
0x1: {  	s5 =	rddreg [dreg:$0x0]  }
0x2: {  	s2 =	rddreg [dreg:$0x1]  }
0x3: {  	s0 =	rddreg [dreg:$0x2];
	s1 =	stileid.u32  }
0x4: {  	s4 =	srdreg.scid;
	s3 =	simm.s32 $0x0;
	s10 =	smul.u32 $0x4E000, s1  }
0x5: {  	s19 =	simm.s32 $0x1;
	s12 =	sand.u32 $0x1, s4;
	s23 =	smul.u32 $0x13800, s1  }
0x6: {  	s20 =	sshll.u32 s1, $0x1;
	[smem:$0x7FF] =	sst s3;
	s29 =	smul.u32 $0x9C0, s1  }
0x7: {  	s4 =	sadd.s32 $0x2A00, s5;
	s11 =	sadd.s32 $0x64800, s5;
	s17 =	smul.u32 $0x9C, s1  }
0x8: {  	p0 =	sne.s32 s1, $0xF;
	p1 =	sgt.u32 s1, $0x1;
	s21 =	smul.u32 $0x138800, s12  }
0x9: {  	s6 =	sor.u32 s12, s20;
	_ =	strace $0x8000004A;
	s16 =	smul.u32 $0x4E0, s12  }
0xa: {  	s7 =	ssub.s32 $0x2, s12;
	s18 =	smul.u32 $0x4E, s12;
	s20 =	simm.s32 $0x2  }
0xb: {  	s8 =	smul.u32 $0x4E, s6;
	s9 =	sshrl.u32 s7, $0x1;
	s14 =	smin.u32 s6, $0x4  }
0xc: {  	s22 =	sshrl.u32 s10, $0x2;
	s6 =	sadd.s32 $0x138000, s2;
	s13 =	ssub.s32 s7, s9  }
0xd: {  	s5 =	sadd.s32 s22, s2;
	s25 =	sadd.s32 s23, s21;
	s26 =	sshrl.u32 s21, $0x3  }
0xe: {  	s30 =	sshll.u32 s14, $0x4;
	s21 =	simm.s32 $0x0;
	s15 =	sadd.s32 s14, s8  }
0xf: {  	s8 =	sshrl.u32 s25, $0x3;
	s9 =	sadd.s32 s11, s26;
	s10 =	smax.u32 s13, $0x1  }
0x10: {  	s13 =	sadd.s32 s29, s4;
	s14 =	sadd.s32 s17, s14;
	s17 =	simm.s32 $0x80  }
0x11: {  	s24 =	sshll.u32 s15, $0x4;
	s8 =	sadd.s32 s11, s8;
	s9 =	sadd.s32 $0x27000, s9  }
0x12: {  	s15 =	smin.u32 s15, $0x9C1;
	s13 =	sadd.s32 s16, s13;
	s14 =	sadd.s32 s18, s14  }
0x13: {  	s16 =	simm.s32 $0x3;
	s18 =	simm.s32 $0x100;
	s7 =	sadd.s32 s4, s24  }
0x14: {  	s28 =	sadd.s32 $0x10, s24;
	s15 =	sshll.u32 s15, $0x4;
	s13 =	sadd.s32 s30, s13  }
0x15: {  	v0 =	vimm.f32 $0.0e+00;
	vm0 =	vcmask $0x300;
	s11 =	sand.u32 $0x1FFFFFF0, s28;
	s31 =	sadd.s32 s4, s15;
	s13 =	sadd.s32 $0x30, s13  }
0x16: {  	v1 =	vsel vm0, $0x3F800000, v0;
	s15 =	simm.s32 $0x4100;
	s11 =	sadd.s32 s4, s11;
	s12 =	sadd.s32 $0x20, s31  }
.LBB2_1:
0x17: {  	s22 =	simm.s32 $0x0;
	s23 =	simm.s32 $0x200  }
.LBB2_2:
0x18: {  	p2 =	sne.s32 s23, $0x1E00;
	[tilespmem:s22+$0x4170] =	vst v0  }
0x19: {  	[tilespmem:s22+$0x4100] =	vst v0  }
0x1a: {  	[tilespmem:s22+$0x4110] =	vst v0  }
.Ltmp0:
0x1b: {  	[tilespmem:s22+$0x4120] =	vst v0;
	(pc) =	sbr.rel @p2 .LBB2_2-.Ltmp0, $4  }
0x1c: {  	[tilespmem:s22+$0x4130] =	vst v0  }
0x1d: {  	[tilespmem:s22+$0x4140] =	vst v0  }
0x1e: {  	[tilespmem:s22+$0x4150] =	vst v0  }
0x1f: {  	[tilespmem:s22+$0x4160] =	vst v0;
	s22 =	sshra.s32 s23, $0x2;
	s23 =	sadd.s32 $0x200, s23  }
0x20: {  	[tilespmem:s22+$0x4170] =	vst v0  }
0x21: {  	[tilespmem:s22+$0x4100] =	vst v0  }
0x22: {  	[tilespmem:s22+$0x4110] =	vst v0  }
0x23: {  	[tilespmem:s22+$0x4120] =	vst v0  }
0x24: {  	[tilespmem:s22+$0x4130] =	vst v0  }
0x25: {  	[tilespmem:s22+$0x4140] =	vst v0  }
0x26: {  	[tilespmem:s22+$0x4150] =	vst v0  }
0x27: {  	[tilespmem:s22+$0x4160] =	vst v0;
	s22 =	simm.s32 $0x0;
	s23 =	simm.s32 $0x200  }
.LBB2_4:
0x28: {  	p2 =	sne.s32 s23, $0xFE00;
	[tilespmem:s22+$0x170] =	vst v0  }
0x29: {  	[tilespmem:s22+$0x100] =	vst v1  }
0x2a: {  	[tilespmem:s22+$0x110] =	vst v0  }
.Ltmp1:
0x2b: {  	[tilespmem:s22+$0x120] =	vst v0;
	(pc) =	sbr.rel @p2 .LBB2_4-.Ltmp1, $4  }
0x2c: {  	[tilespmem:s22+$0x130] =	vst v0  }
0x2d: {  	[tilespmem:s22+$0x140] =	vst v0  }
0x2e: {  	[tilespmem:s22+$0x150] =	vst v0  }
0x2f: {  	[tilespmem:s22+$0x160] =	vst v0;
	s22 =	sshra.s32 s23, $0x2;
	s23 =	sadd.s32 $0x200, s23  }
0x30: {  	[tilespmem:s22+$0x170] =	vst v0  }
0x31: {  	[tilespmem:s22+$0x100] =	vst v1  }
0x32: {  	[tilespmem:s22+$0x110] =	vst v0  }
0x33: {  	[tilespmem:s22+$0x120] =	vst v0  }
0x34: {  	[tilespmem:s22+$0x130] =	vst v0  }
0x35: {  	[tilespmem:s22+$0x140] =	vst v0  }
0x36: {  	[tilespmem:s22+$0x150] =	vst v0  }
0x37: {  	[tilespmem:s22+$0x160] =	vst v0;
	s31 =	sadd.s32 $0x0, s5  }
0x38: {  	[spmem:s31] =	stream.linear.scatter [tilespmem:s15], [sflag:$0x3], $0x800, $0x38;
	[tilespmem:$0x18180] =	vst v63  }
0x39: {  	s22 =	simm.s32 $0x2000;
	_ =	swait.ge [sflag:s16], $0x800  }
.LBB2_6:
0x3a: {  	s23 =	sshra.s32 s22, $0x2;
	[sflag:s16] =	ssyncset.done $0x0;
	p2 =	sne.s32 s22, $0x4C000  }
.Ltmp2:
0x3b: {  	s23 =	sadd.s32 s23, s5;
	[sflag:s16] =	ssyncadd.s32 $0xFFFFF800;
	(pc) =	sbr.rel @p2 .LBB2_6-.Ltmp2, $3  }
0x3c: {  	[spmem:s23] =	stream.linear.scatter [tilespmem:s15], [sflag:$0x3], $0x800, $0x38;
	[tilespmem:$0x18180] =	vst v63  }
0x3d: {  	s22 =	sadd.s32 $0x2000, s22;
	_ =	sdelay $0x1  }
0x3e: {  	_ =	swait.ge [sflag:s16], $0x800  }
0x3f: {  	[sflag:s16] =	ssyncset.done $0x0  }
0x40: {  	s22 =	simm.s32 @!p0 $0x4100;
	[sflag:s16] =	ssyncadd.s32 $0xFFFFF800  }
0x41: {  	[spmem:s6] =	stream.linear.scatter @!p0 [tilespmem:s22], [sflag:$0x3], $0x800, $0x38;
	[tilespmem:$0x18180] =	vst v63  }
0x42: {  	s22 =	simm.s32 @!p0 $0x3  }
0x43: {  	_ =	swait.ge @!p0 [sflag:s22], $0x800  }
0x44: {  	[sflag:s22] =	ssyncset.done @!p0 $0x0  }
0x45: {  	[sflag:s22] =	ssyncadd.s32 @!p0 $0xFFFFF800  }
0x46: {  	[bflag:$0x0] =	sbarrier.arrive $0xFFFF  }
0x47: {  	[tilespmem:s3], [sflag:$0x3] =	stream.linear.gather [hbm4b:s7+s3], $0x80, $0x38;
	[tilespmem:$0x18180] =	vst v63  }
0x48: {  	_ =	swait.ge [sflag:s16], $0x80  }
0x49: {  	[sflag:s16] =	ssyncset.done $0x0  }
0x4a: {  	[sflag:s16] =	ssyncadd.s32 $0xFFFFFF80  }
0x4b: {  	[spmem:s2] =	stream.indirect.scatter.add.f32 [tilespmem:s18], [sflag:$0x1], $0x80, s3, s17, $0xb8;
	[tilespmem:$0x18180] =	vst v63  }
0x4c: {  	_ = 	snop  }
0x4d: {  	[tilespmem:s17], [sflag:$0x3] =	stream.linear.gather [hbm4b:s11+s3], $0x80, $0x38;
	[tilespmem:$0x18180] =	vst v63  }
0x4e: {  	_ =	swait.ge [sflag:s16], $0x80  }
0x4f: {  	[sflag:s16] =	ssyncset.done $0x0  }
0x50: {  	[sflag:s16] =	ssyncadd.s32 $0xFFFFFF80  }
0x51: {  	[spmem:s2] =	stream.indirect.scatter.add.f32 [tilespmem:s18], [sflag:$0x2], $0x80, s17, s17, $0xb8;
	[tilespmem:$0x18180] =	vst v63  }
0x52: {  	_ =	swait.ge [sflag:s19], $0x4000  }
0x53: {  	[sflag:s19] =	ssyncset.done $0x0  }
0x54: {  	[sflag:s19] =	ssyncadd.s32 $0xFFFFC000  }
0x55: {  	[tilespmem:s3], [sflag:$0x3] =	stream.linear.gather [hbm4b:s12+s3], $0x80, $0x38;
	[tilespmem:$0x18180] =	vst v63  }
0x56: {  	_ =	swait.ge [sflag:s16], $0x80  }
0x57: {  	[sflag:s16] =	ssyncset.done $0x0  }
0x58: {  	[sflag:s16] =	ssyncadd.s32 $0xFFFFFF80  }
0x59: {  	[spmem:s2] =	stream.indirect.scatter.add.f32 [tilespmem:s18], [sflag:$0x1], $0x80, s3, s17, $0xb8;
	[tilespmem:$0x18180] =	vst v63  }
0x5a: {  	_ =	swait.ge [sflag:s20], $0x4000  }
0x5b: {  	[sflag:s20] =	ssyncset.done $0x0  }
0x5c: {  	s22 =	sadd.s32 $0x2, s14;
	[sflag:s20] =	ssyncadd.s32 $0xFFFFC000  }
0x5d: {  	[tilespmem:s17], [sflag:$0x3] =	stream.linear.gather [hbm4b:s13+s3], $0x80, $0x38;
	[tilespmem:$0x18180] =	vst v63  }
0x5e: {  	p2 =	slt.s32 s22, $0x9C1;
	_ =	swait.ge [sflag:s16], $0x80  }
0x5f: {  	s22 =	simm.s32 @!p2 $0x9C1;
	[sflag:s16] =	ssyncset.done $0x0  }
0x60: {  	s22 =	sshll.u32 s22, $0x4;
	[sflag:s16] =	ssyncadd.s32 $0xFFFFFF80  }
0x61: {  	[spmem:s2] =	stream.indirect.scatter.add.f32 [tilespmem:s18], [sflag:$0x2], $0x80, s17, s17, $0xb8;
	[tilespmem:$0x18180] =	vst v63  }
0x62: {  	s22 =	sadd.s32 $0x20, s22;
	_ =	swait.ge [sflag:s19], $0x4000  }
0x63: {  	s22 =	sand.u32 $0x1FFFFFF0, s22;
	[sflag:s19] =	ssyncset.done $0x0  }
0x64: {  	s22 =	sadd.s32 s4, s22;
	[sflag:s19] =	ssyncadd.s32 $0xFFFFC000  }
0x65: {  	[tilespmem:s3], [sflag:$0x3] =	stream.linear.gather [hbm4b:s22+s3], $0x80, $0x38;
	[tilespmem:$0x18180] =	vst v63  }
0x66: {  	s23 =	smov.u32 s13;
	s22 =	simm.s32 $0x4;
	_ =	swait.ge [sflag:s16], $0x80  }
.LBB2_8:
0x67: {  	p2 =	sne.s32 s22, $0x4C;
	[sflag:s16] =	ssyncset.done $0x0;
	s23 =	sadd.s32 $0x20, s23  }
0x68: {  	s24 =	smov.u32 s22;
	s22 =	sadd.s32 $0x2, s22;
	[sflag:s16] =	ssyncadd.s32 $0xFFFFFF80  }
0x69: {  	[spmem:s2] =	stream.indirect.scatter.add.f32 [tilespmem:s18], [sflag:$0x1], $0x80, s3, s17, $0xb8;
	[tilespmem:$0x18180] =	vst v63  }
0x6a: {  	_ =	swait.ge [sflag:s20], $0x4000  }
0x6b: {  	[sflag:s20] =	ssyncset.done $0x0  }
0x6c: {  	s24 =	sadd.s32 s24, s14;
	[sflag:s20] =	ssyncadd.s32 $0xFFFFC000  }
0x6d: {  	[tilespmem:s17], [sflag:$0x3] =	stream.linear.gather [hbm4b:s23+s3], $0x80, $0x38;
	[tilespmem:$0x18180] =	vst v63  }
0x6e: {  	p3 =	slt.s32 s24, $0x9C1;
	_ =	swait.ge [sflag:s16], $0x80  }
0x6f: {  	s24 =	simm.s32 @!p3 $0x9C1;
	[sflag:s16] =	ssyncset.done $0x0  }
0x70: {  	s24 =	sshll.u32 s24, $0x4;
	[sflag:s16] =	ssyncadd.s32 $0xFFFFFF80  }
0x71: {  	[spmem:s2] =	stream.indirect.scatter.add.f32 [tilespmem:s18], [sflag:$0x2], $0x80, s17, s17, $0xb8;
	[tilespmem:$0x18180] =	vst v63  }
.Ltmp3:
0x72: {  	s24 =	sadd.s32 $0x20, s24;
	_ =	swait.ge [sflag:s19], $0x4000;
	(pc) =	sbr.rel @p2 .LBB2_8-.Ltmp3, $4  }
0x73: {  	s24 =	sand.u32 $0x1FFFFFF0, s24;
	[sflag:s19] =	ssyncset.done $0x0  }
0x74: {  	s24 =	sadd.s32 s4, s24;
	[sflag:s19] =	ssyncadd.s32 $0xFFFFC000  }
0x75: {  	[tilespmem:s3], [sflag:$0x3] =	stream.linear.gather [hbm4b:s24+s3], $0x80, $0x38;
	[tilespmem:$0x18180] =	vst v63  }
0x76: {  	_ =	swait.ge [sflag:s16], $0x80  }
0x77: {  	[sflag:s16] =	ssyncset.done $0x0  }
0x78: {  	[sflag:s16] =	ssyncadd.s32 $0xFFFFFF80  }
0x79: {  	_ =	swait.ge [sflag:s20], $0x4000  }
0x7a: {  	s22 =	simm.s32 @!p1 $0x80;
	[sflag:s20] =	ssyncset.done $0x0  }
0x7b: {  	s23 =	simm.s32 @!p1 $0x0;
	s24 =	simm.s32 @!p1 $0x100;
	[sflag:s20] =	ssyncadd.s32 $0xFFFFC000  }
0x7c: {  	[spmem:s2] =	stream.indirect.scatter.add.f32 @!p1 [tilespmem:s24], [sflag:$0x3], $0x80, s23, s22, $0xb8;
	[tilespmem:$0x18180] =	vst v63  }
0x7d: {  	s22 =	simm.s32 @!p1 $0x3  }
0x7e: {  	_ =	swait.ge @!p1 [sflag:s22], $0x4000  }
0x7f: {  	[sflag:s22] =	ssyncset.done @!p1 $0x0  }
0x80: {  	s30 =	sshll.u32 s1, $0x6;
	[sflag:s22] =	ssyncadd.s32 @!p1 $0xFFFFC000  }
0x81: {  	s31 =	sshrl.u32 s5, $0x3;
	s22 =	sor.u32 $0x1C03, s30;
	[bflag:$0x0] =	sbarrier.arrive $0xFFFF  }
0x82: {  	[hbm:s8], [sflag:s22] =	dma.local [spmem:s31], $0x2700  }
0x83: {  	_ =	swait.ge [sflag:s16], $0x2700  }
0x84: {  	s21 =	sadd.s32 $0x1, s21;
	[sflag:s16] =	ssyncset.done $0x0  }
0x85: {  	p2 =	sne.s32 s21, s10;
	s23 =	sshrl.u32 @!p0 s6, $0x3;
	[sflag:s16] =	ssyncadd.s32 $0xFFFFD900  }
0x86: {  	[hbm:s9], [sflag:s22] =	dma.local @!p0 [spmem:s23], $0x100  }
.Ltmp4:
0x87: {  	_ = 	snop;
	(pc) =	sbr.rel @p2 .LBB2_1-.Ltmp4, $4  }
0x88: {  	s22 =	simm.s32 @!p0 $0x3  }
0x89: {  	_ =	swait.ge @!p0 [sflag:s22], $0x100  }
0x8a: {  	[sflag:s22] =	ssyncset.done @!p0 $0x0  }
0x8b: {  	[sflag:s22] =	ssyncadd.s32 @!p0 $0xFFFFFF00  }
0x8c: {  	_ =	sfence.sel $0x180000  }
0x8d: {  	[bflag:$0x0] =	sbarrier.arrive $0xFFFF  }
0x8e: {  	p0 =	sne.s32 s1, $0x0;
	_ =	strace $0x9000004A  }
0x8f: {  	s0 =	sadd.s32 @!p0 $0x100000, s0;
	[bflag:$0x2] =	sbarrier.arrive $0xFFFF  }
0x90: {  	[sflag:s0] =	ssyncadd.tile.s32 @!p0 $0x1;
	_ =	shalt  }
.Lfunc_end2:
_tile_overlayer_lowered:
.L_overlay_start_2:
0x91: {  	(tag) =	ssettag $0x2  }
0x92: {  	s0 =	rddreg [dreg:$0x0];
	s2 =	stileid.u32  }
0x93: {  	s1 =	rddreg [dreg:$0x1];
	p0 =	sne.s32 s2, $0x0  }
0x94: {  	s3 =	rddreg [dreg:$0x2];
	[bflag:$0x3] =	sbarrier.arrive $0xFFFF;
	s2 =	simm.s32 @!p0 $0x1C03  }
0x95: {  	[timem:s3], [sflag:s2] =	dma.local @!p0 [hbm:s0], s1  }
0x96: {  	s0 =	simm.s32 @!p0 $0x3  }
0x97: {  	_ =	swait.ge @!p0 [sflag:s0], s1  }
0x98: {  	s1 =	ssub.s32 @!p0 $0x0, s1;
	[sflag:s0] =	ssyncset.done @!p0 $0x0  }
0x99: {  	[sflag:s0] =	ssyncadd.s32 @!p0 s1  }
0x9a: {  	[bflag:$0x3] =	sbarrier.arrive $0xFFFF  }
0x9b: {  	_ =	shalt  }

// kernel: kernel.13.cloned.1.call-start
scs
__scs_entry_jumppad:
0x0: {  	(pc) =	sbr.rel $0x88, $3  }
0x1: {  	(tag) =	ssettag $0x0;
	lr =	simm.s32 $0x1  }
0x2: {  	[smem:$0x3F99] =	sst lr;
	_ =	strace $0xD0000000  }
0x3: {  	_ = 	snop  }
0x4: {  	_ = 	snop  }
0x5: {  	_ = 	snop  }
0x6: {  	_ = 	snop  }
0x7: {  	_ = 	snop  }
__scs_overlays_trampoline_lowered:
0x8: {  	[smem:$0x3FA8] =	sst s0  }
0x9: {  	[smem:$0x3FA9] =	sst s1  }
0xa: {  	[smem:$0x3FAA] =	sst s2  }
0xb: {  	[smem:$0x3FAB] =	sst s3  }
0xc: {  	[smem:$0x3FAC] =	sst s4  }
0xd: {  	[smem:$0x3FAD] =	sst s5  }
0xe: {  	[smem:$0x3FAE] =	sst s6  }
0xf: {  	[smem:$0x3FAF] =	sst s7  }
0x10: {  	[smem:$0x3FB0] =	sst s8  }
0x11: {  	[smem:$0x3FB1] =	sst s9;
	s0 =	simm.s32 @!p0 $0x0  }
0x12: {  	s1 =	sld [smem:$0x3F97];
	s0 =	simm.s32 @p0 $0x1  }
0x13: {  	[smem:$0x3FB2] =	sst s0;
	s0 =	simm.s32 @!p1 $0x0  }
0x14: {  	s2 =	sld [smem:$0x3F96];
	s0 =	simm.s32 @p1 $0x1  }
0x15: {  	[smem:$0x3FB3] =	sst s0;
	s0 =	simm.s32 @!p2 $0x0  }
0x16: {  	s3 =	sld [smem:$0x3FDB];
	s0 =	simm.s32 @p2 $0x1  }
0x17: {  	s4 =	simm.s32 $0x1BF5;
	[smem:$0x3FB5] =	sst s0  }
0x18: {  	s0 =	sld [smem:$0x3F98];
	_ =	swait.ge [sflag:s4], $0x0  }
0x19: {  	s7 =	sld [smem:$0x3F99]  }
0x1a: {  	s8 =	sadd.s32 $0xFFFFE003, lr  }
0x1b: {  	s9 =	sadd.s32 $0xFFFFFEF7, lr;
	s5 =	simm.s32 $0xFFFFFFFF;
	p2 =	slt.u32 s8, $0xFFFFF086  }
0x1c: {  	p1 =	slt.u32 s9, $0xF7A;
	s5 =	simm.s32 @!p2 $0x0  }
0x1d: {  	s5 =	simm.s32 @p1 $0x1;
	p0 =	seq.s32 s7, s2  }
0x1e: {  	s7 =	smul.u32 @!p0 $0xF7A, s2;
	p2 =	seq.s32 @!p0 s5, $0x0  }
0x1f: {  	s9 =	smul.u32 $0xF7A, s1;
	s8 =	simm.s32 @!p0 $0x1BF5;
	p2 =	por !p2, p0  }
0x20: {  	[sflag:s8] =	ssyncset.s32 @!p0 $0xFFFFF086;
	s6 =	sadd.s32 @!p0 s3, s7;
	s7 =	simm.s32 @!p0 $0x108  }
0x21: {  	s3 =	sadd.s32 s3, s9;
	s6 =	sadd.s32 @!p0 $0x88, s6;
	s7 =	simm.s32 @p2 $0x1082  }
0x22: {  	[simem:s7], [sflag:s8] =	dma.local @!p0 [hbm:s6], $0xF7A  }
0x23: {  	s9 =	sor.u32 $0xD0000000, s2;
	s6 =	simm.s32 $0x108;
	_ =	swait.ge @!p0 [sflag:s8], $0x0  }
0x24: {  	s3 =	sadd.s32 $0x88, s3;
	s6 =	simm.s32 @!p1 $0x1082;
	[sflag:s4] =	ssyncset.s32 $0xFFFFF086  }
0x25: {  	[simem:s6], [sflag:s4] =	dma.local [hbm:s3], $0xF7A  }
0x26: {  	[smem:$0x3F99] =	sst s1;
	(tag) =	ssettag s2;
	_ =	strace s9  }
0x27: {  	s1 =	sld [smem:$0x3FA9]  }
0x28: {  	s2 =	sld [smem:$0x3FAA]  }
0x29: {  	s4 =	sld [smem:$0x3FAC]  }
0x2a: {  	p0 =	seq.s32 s5, $0x0;
	s5 =	sld [smem:$0x3FAD]  }
0x2b: {  	s6 =	sld [smem:$0x3FAE]  }
0x2c: {  	s7 =	sld [smem:$0x3FAF]  }
0x2d: {  	s3 =	simm.s32 $0x108;
	s8 =	sld [smem:$0x3FB0]  }
0x2e: {  	s3 =	simm.s32 @!p0 $0x1082;
	s9 =	sld [smem:$0x3FB1]  }
0x2f: {  	lr =	sadd.s32 s0, s3;
	s0 =	sld [smem:$0x3FA8]  }
0x30: {  	s3 =	sld [smem:$0x3FAB]  }
0x31: {  	[smem:$0x3FB4] =	sst s10  }
0x32: {  	s10 =	sld [smem:$0x3FB2];
	_ =	sdelay $0x3  }
0x33: {  	p0 =	seq.s32 s10, $0x1;
	s10 =	sld [smem:$0x3FB4];
	_ =	sdelay $0x3  }
0x34: {  	[smem:$0x3FB4] =	sst s10  }
0x35: {  	s10 =	sld [smem:$0x3FB3];
	_ =	sdelay $0x3  }
0x36: {  	p1 =	seq.s32 s10, $0x1;
	s10 =	sld [smem:$0x3FB4];
	_ =	sdelay $0x3  }
0x37: {  	[smem:$0x3FB4] =	sst s10  }
0x38: {  	s10 =	sld [smem:$0x3FB5]  }
0x39: {  	_ = 	snop;
	(pc) =	sbr.ind lr, $3  }
0x3a: {  	_ = 	snop  }
0x3b: {  	_ = 	snop  }
0x3c: {  	p2 =	seq.s32 s10, $0x1;
	s10 =	sld [smem:$0x3FB4]  }
0x3d: {  	_ =	shalt  }
0x3e: {  	_ =	shalt  }
0x3f: {  	_ =	shalt  }
0x40: {  	_ =	shalt  }
0x41: {  	_ =	shalt  }
0x42: {  	_ =	shalt  }
0x43: {  	_ =	shalt  }
0x44: {  	_ =	shalt  }
0x45: {  	_ =	shalt  }
0x46: {  	_ =	shalt  }
0x47: {  	_ =	shalt  }
0x48: {  	_ =	shalt  }
0x49: {  	_ =	shalt  }
0x4a: {  	_ =	shalt  }
0x4b: {  	_ =	shalt  }
0x4c: {  	_ =	shalt  }
0x4d: {  	_ =	shalt  }
0x4e: {  	_ =	shalt  }
0x4f: {  	_ =	shalt  }
0x50: {  	_ =	shalt  }
0x51: {  	_ =	shalt  }
0x52: {  	_ =	shalt  }
0x53: {  	_ =	shalt  }
0x54: {  	_ =	shalt  }
0x55: {  	_ =	shalt  }
0x56: {  	_ =	shalt  }
0x57: {  	_ =	shalt  }
0x58: {  	_ =	shalt  }
0x59: {  	_ =	shalt  }
0x5a: {  	_ =	shalt  }
0x5b: {  	_ =	shalt  }
0x5c: {  	_ =	shalt  }
0x5d: {  	_ =	shalt  }
0x5e: {  	_ =	shalt  }
0x5f: {  	_ =	shalt  }
0x60: {  	_ =	shalt  }
0x61: {  	_ =	shalt  }
0x62: {  	_ =	shalt  }
0x63: {  	_ =	shalt  }
0x64: {  	_ =	shalt  }
0x65: {  	_ =	shalt  }
0x66: {  	_ =	shalt  }
0x67: {  	_ =	shalt  }
0x68: {  	_ =	shalt  }
0x69: {  	_ =	shalt  }
0x6a: {  	_ =	shalt  }
0x6b: {  	_ =	shalt  }
0x6c: {  	_ =	shalt  }
0x6d: {  	_ =	shalt  }
0x6e: {  	_ =	shalt  }
0x6f: {  	_ =	shalt  }
0x70: {  	_ =	shalt  }
0x71: {  	_ =	shalt  }
0x72: {  	_ =	shalt  }
0x73: {  	_ =	shalt  }
0x74: {  	_ =	shalt  }
0x75: {  	_ =	shalt  }
0x76: {  	_ =	shalt  }
0x77: {  	_ =	shalt  }
0x78: {  	_ =	shalt  }
0x79: {  	_ =	shalt  }
0x7a: {  	_ =	shalt  }
0x7b: {  	_ =	shalt  }
0x7c: {  	_ =	shalt  }
0x7d: {  	_ =	shalt  }
0x7e: {  	_ =	shalt  }
0x7f: {  	_ =	shalt  }
0x80: {  	_ =	shalt  }
0x81: {  	_ =	shalt  }
0x82: {  	_ =	shalt  }
0x83: {  	_ =	shalt  }
0x84: {  	_ =	shalt  }
0x85: {  	_ =	shalt  }
0x86: {  	_ =	shalt  }
0x87: {  	_ =	shalt  }
.Lfunc_end0:
.L_simem_size_0:
called_computation.2_lowered:
.L_overlay_start_0:
0x88: {  	s2 =	sld [smem:$0x3FD9]  }
0x89: {  	s3 =	sld [smem:$0x3FFE];
	_ =	sdelay $0x1  }
0x8a: {  	s1 =	srdreg.scid  }
0x8b: {  	s0 =	sand.u32 $0x1, s1  }
0x8c: {  	s17 =	sshll.u32 s0, $0xA;
	s2 =	sadd.s32 s3, s2  }
0x8d: {  	s2 =	sadd.s32 s2, s17  }
0x8e: {  	[smem:$0x3FC0] =	sst s2  }
0x8f: {  	_ = 	snop  }
0x90: {  	s2 =	sld [smem:$0x3FD0];
	(tm) =	ssettm $0x1  }
0x91: {  	s18 =	sld [smem:$0x3FFB];
	_ =	sdelay $0x3  }
0x92: {  	_ =	strace s18  }
0x93: {  	s3 =	sld [smem:$0x3FFC];
	_ =	sdelay $0x3  }
0x94: {  	_ =	strace s3  }
0x95: {  	s3 =	sld [smem:$0x3FFD];
	_ =	sdelay $0x3  }
0x96: {  	_ =	strace s3  }
0x97: {  	_ =	strace $0x8FFFFFFF  }
0x98: {  	s19 =	sld [smem:$0x3FDB];
	_ =	sdelay $0x1  }
0x99: {  	s4 =	simm.s32 $_scs_section_size  }
0x9a: {  	s5 =	simm.s32 $_size__tile_overlayer_lowered;
	s6 =	simm.s32 $_tile_overlayer_lowered  }
0x9b: {  	s22 =	simm.s32 $0x1BFF;
	s21 =	sshll.u32 s6, $0x1;
	s3 =	sadd.s32 s4, s19  }
0x9c: {  	s7 =	simm.s32 $0x0;
	s20 =	sshll.u32 s5, $0x1;
	s5 =	sadd.s32 s21, s3  }
0x9d: {  	[timem:s7], [sflag:s22] =	dma.local [hbm:s5], s20  }
0x9e: {  	_ =	swait.ge [sflag:s22], s20  }
0x9f: {  	s4 =	ssub.s32 $0x0, s20;
	[sflag:s22] =	ssyncset.done $0x0  }
0xa0: {  	[sflag:s22] =	ssyncadd.s32 s4;
	_ =	sdelay $0x1  }
0xa1: {  	s23 =	simm.s32 $0x1B8B  }
0xa2: {  	_ =	swait.ge [sflag:s23], $0x1  }
0xa3: {  	[sflag:s23] =	ssyncset.done $0x0  }
0xa4: {  	s25 =	simm.s32 $0x1B8E;
	s24 =	sld [smem:$0x3FFE];
	[sflag:s23] =	ssyncadd.s32 $0xFFFFFFFF  }
0xa5: {  	s26 =	simm.s32 $execute0_lowered;
	[smem:$0x3FD2] =	sst s25  }
0xa6: {  	s5 =	sshll.u32 s26, $0x1;
	_ =	strace $0x8000004C;
	[dreg:$0x1] =	wrdreg $0xFFFFFFFF  }
0xa7: {  	s28 =	simm.s32 $_size_execute0_lowered;
	s3 =	sadd.s32 s3, s5;
	[dreg:$0x0] =	wrdreg $0x0  }
0xa8: {  	s5 =	sshll.u32 s28, $0x1;
	[dreg:$0x2] =	wrdreg s3  }
0xa9: {  	[dreg:$0x3] =	wrdreg s5  }
0xaa: {  	[dreg:$0x4] =	wrdreg $0xC0  }
0xab: {  	_ =	task [dreg:s7], $0x5FFFF  }
0xac: {  	[dreg:$0x1] =	wrdreg $0xFFFFFFFF  }
0xad: {  	[dreg:$0x0] =	wrdreg $0x60  }
0xae: {  	[dreg:$0x2] =	wrdreg s2  }
0xaf: {  	[dreg:$0x3] =	wrdreg s24  }
0xb0: {  	[dreg:$0x4] =	wrdreg $0x8A000  }
0xb1: {  	[dreg:$0x5] =	wrdreg $0x9  }
0xb2: {  	_ =	task.clear_ibuf [dreg:s7], $0x6FFFF;
	_ =	strace $0x9000004C  }
0xb3: {  	s29 =	simm.s32 $0x9;
	_ =	strace $0x8000004E  }
0xb4: {  	_ =	swait.ge [sflag:s29], $0x1  }
0xb5: {  	[sflag:s29] =	ssyncadd.s32 $0xFFFFFFFF  }
0xb6: {  	_ =	strace $0x9000004E  }
0xb7: {  	_ =	sfence  }
0xb8: {  	s30 =	sld [smem:$0x0];
	_ =	sdelay $0x2  }
0xb9: {  	s31 =	sshll.u32 s1, $0xD;
	s1 =	sshrl.u32 s1, $0x2  }
0xba: {  	s3 =	sand.u32 $0x4000, s31;
	s1 =	sadd.s32 s1, s30  }
0xbb: {  	s0 =	sor.u32 s3, s0;
	s1 =	sshll.u32 s1, $0x11  }
0xbc: {  	s0 =	sor.u32 s1, s0  }
0xbd: {  	s0 =	sadd.s32 $0x8F2B, s0  }
0xbe: {  	[sflag:s0] =	ssyncadd.remote.s32 $0x1  }
0xbf: {  	_ =	sfence.sel $0xFFFF  }
0xc0: {  	[dreg:$0x0] =	wrdreg $0xFFFFFFFF;
	(pc) =	sbr.abs _section_cstart, $3  }
0xc1: {  	[dreg:$0x1] =	wrdreg $0xFFFFFFFF  }
0xc2: {  	_ =	task.clear_ibuf [dreg:s7], $0x2FFFF;
	_ =	strace $0x9FFFFFFF  }
0xc3: {  	(tm) =	ssettm $0x7FFFFFFF  }
tec
execute0_lowered:
.L_overlay_start_1:
0x0: {  	(tag) =	ssettag $0x1  }
0x1: {  	s1 =	rddreg [dreg:$0x0]  }
0x2: {  	s0 =	rddreg [dreg:$0x1]  }
0x3: {  	s3 =	rddreg [dreg:$0x2];
	s4 =	simm.s32 $0x0;
	s2 =	srdreg.scid  }
0x4: {  	s13 =	stileid.u32;
	s28 =	simm.s32 $0x180;
	s29 =	simm.s32 $0x6  }
0x5: {  	s30 =	simm.s32 $0x4200;
	s31 =	simm.s32 $0x2;
	s11 =	smul.u32 $0x4E000, s13  }
0x6: {  	[smem:$0x7FF] =	sst s4;
	s2 =	sand.u32 $0x1, s2;
	s25 =	smul.u32 $0x13800, s13  }
0x7: {  	s5 =	sshll.u32 s13, $0x1;
	s6 =	sadd.s32 $0x2A00, s0;
	s20 =	smul.u32 $0x9C0, s13  }
0x8: {  	p0 =	sne.s32 s13, $0xF;
	p1 =	sgt.u32 s13, $0x1;
	s12 =	smul.u32 $0x138800, s2  }
0x9: {  	_ =	strace $0x8000004D;
	s7 =	sor.u32 s2, s5;
	s22 =	smul.u32 $0x4E0, s2  }
0xa: {  	s5 =	sadd.s32 $0xC800, s0;
	s8 =	ssub.s32 $0x2, s2;
	s2 =	smul.u32 $0x4E, s2  }
0xb: {  	s0 =	sadd.s32 $0x16600, s0;
	s9 =	smul.u32 $0x4E, s7;
	s10 =	sshrl.u32 s8, $0x1  }
0xc: {  	s18 =	smin.u32 s7, $0x4;
	s24 =	sshrl.u32 s11, $0x2;
	s23 =	sadd.s32 s20, s6  }
0xd: {  	s10 =	ssub.s32 s8, s10;
	s7 =	sadd.s32 s24, s3;
	s8 =	sadd.s32 $0x138000, s3  }
0xe: {  	s11 =	sadd.s32 s25, s12;
	s12 =	sshrl.u32 s12, $0x3;
	s24 =	smul.u32 $0x9C, s13  }
0xf: {  	s25 =	sshll.u32 s18, $0x4;
	s9 =	sadd.s32 s18, s9;
	s11 =	sshrl.u32 s11, $0x3  }
0x10: {  	s12 =	sadd.s32 s0, s12;
	s17 =	smax.u32 s10, $0x1;
	s10 =	sadd.s32 s20, s5  }
0x11: {  	s14 =	sshll.u32 s9, $0x4;
	s0 =	sadd.s32 s0, s11;
	[dreg:$0x8] =	wrdreg s17  }
0x12: {  	s16 =	sadd.s32 $0x27000, s12;
	s9 =	smin.u32 s9, $0x9C1;
	[dreg:$0x6] =	wrdreg s0  }
0x13: {  	s10 =	sadd.s32 s22, s10;
	s15 =	sadd.s32 s5, s14;
	[dreg:$0x7] =	wrdreg s16  }
0x14: {  	s26 =	sadd.s32 s6, s14;
	s19 =	sadd.s32 $0x10, s14;
	[dreg:$0x4] =	wrdreg s15  }
0x15: {  	s9 =	sshll.u32 s9, $0x4;
	[dreg:$0x5] =	wrdreg s26;
	s0 =	sand.u32 $0x1FFFFFF0, s19  }
0x16: {  	s9 =	sadd.s32 $0x20, s9;
	s26 =	sadd.s32 s25, s10;
	s10 =	simm.s32 $0x0  }
0x17: {  	s21 =	sadd.s32 s5, s0;
	s15 =	sadd.s32 s6, s0;
	s16 =	sadd.s32 s5, s9  }
0x18: {  	s17 =	sadd.s32 s6, s9;
	s0 =	sadd.s32 s22, s23;
	s9 =	sadd.s32 s24, s18  }
0x19: {  	s19 =	sadd.s32 $0x30, s26;
	s22 =	simm.s32 $0x7;
	s23 =	simm.s32 $0x100  }
0x1a: {  	s24 =	simm.s32 $0x80;
	s26 =	simm.s32 $0x1;
	[dreg:$0x9] =	wrdreg s21  }
0x1b: {  	s0 =	sadd.s32 s25, s0;
	s2 =	sadd.s32 s2, s9;
	s21 =	simm.s32 $0x8200  }
0x1c: {  	s25 =	simm.s32 $0x200;
	s9 =	simm.s32 $0x4;
	s18 =	sadd.s32 $0x30, s0  }
0x1d: {  	v0 =	vimm.f32 $0.0e+00;
	s12 =	sadd.s32 $0x2, s2;
	s0 =	simm.s32 $0x3;
	s2 =	simm.s32 $0x5  }
.LBB2_1:
0x1e: {  	s11 =	simm.s32 $0x0;
	s20 =	simm.s32 $0x200  }
.LBB2_2:
0x1f: {  	p2 =	sne.s32 s20, $0x1E00;
	[tilespmem:s11+$0x8270] =	vst v0  }
0x20: {  	[tilespmem:s11+$0x8200] =	vst v0  }
0x21: {  	[tilespmem:s11+$0x8210] =	vst v0  }
.Ltmp0:
0x22: {  	[tilespmem:s11+$0x8220] =	vst v0;
	(pc) =	sbr.rel @p2 .LBB2_2-.Ltmp0, $4  }
0x23: {  	[tilespmem:s11+$0x8230] =	vst v0  }
0x24: {  	[tilespmem:s11+$0x8240] =	vst v0  }
0x25: {  	[tilespmem:s11+$0x8250] =	vst v0  }
0x26: {  	[tilespmem:s11+$0x8260] =	vst v0;
	s11 =	sshra.s32 s20, $0x2;
	s20 =	sadd.s32 $0x200, s20  }
0x27: {  	[tilespmem:s11+$0x8270] =	vst v0  }
0x28: {  	[tilespmem:s11+$0x8200] =	vst v0  }
0x29: {  	[tilespmem:s11+$0x8210] =	vst v0  }
0x2a: {  	[tilespmem:s11+$0x8220] =	vst v0  }
0x2b: {  	[tilespmem:s11+$0x8230] =	vst v0  }
0x2c: {  	[tilespmem:s11+$0x8240] =	vst v0  }
0x2d: {  	[tilespmem:s11+$0x8250] =	vst v0  }
0x2e: {  	[tilespmem:s11+$0x8260] =	vst v0;
	s20 =	sadd.s32 $0x0, s7  }
0x2f: {  	[spmem:s20] =	stream.linear.scatter [tilespmem:s21], [sflag:$0x7], $0x800, $0x38;
	[tilespmem:$0x1C280] =	vst v63  }
0x30: {  	s11 =	simm.s32 $0x2000;
	_ =	swait.ge [sflag:s22], $0x800  }
.LBB2_4:
0x31: {  	s20 =	sshra.s32 s11, $0x2;
	[sflag:s22] =	ssyncset.done $0x0;
	p2 =	sne.s32 s11, $0x4C000  }
.Ltmp1:
0x32: {  	s20 =	sadd.s32 s20, s7;
	[sflag:s22] =	ssyncadd.s32 $0xFFFFF800;
	(pc) =	sbr.rel @p2 .LBB2_4-.Ltmp1, $3  }
0x33: {  	[spmem:s20] =	stream.linear.scatter [tilespmem:s21], [sflag:$0x7], $0x800, $0x38;
	[tilespmem:$0x1C280] =	vst v63  }
0x34: {  	s11 =	sadd.s32 $0x2000, s11;
	_ =	sdelay $0x1  }
0x35: {  	_ =	swait.ge [sflag:s22], $0x800  }
0x36: {  	[sflag:s22] =	ssyncset.done $0x0  }
0x37: {  	s11 =	simm.s32 @!p0 $0x8200;
	[sflag:s22] =	ssyncadd.s32 $0xFFFFF800  }
0x38: {  	[spmem:s8] =	stream.linear.scatter @!p0 [tilespmem:s11], [sflag:$0x7], $0x800, $0x38;
	[tilespmem:$0x1C280] =	vst v63  }
0x39: {  	s11 =	simm.s32 @!p0 $0x7  }
0x3a: {  	_ =	swait.ge @!p0 [sflag:s11], $0x800  }
0x3b: {  	[sflag:s11] =	ssyncset.done @!p0 $0x0  }
0x3c: {  	[sflag:s11] =	ssyncadd.s32 @!p0 $0xFFFFF800  }
0x3d: {  	[bflag:$0x0] =	sbarrier.arrive $0xFFFF  }
0x3e: {  	s11 =	simm.s32 $0x0;
	s13 =	rddreg [dreg:$0x4]  }
0x3f: {  	[tilespmem:s11], [sflag:$0x7] =	stream.linear.gather [hbm4b:s13+s11], $0x80, $0x38;
	[tilespmem:$0x1C280] =	vst v63  }
0x40: {  	_ =	swait.ge [sflag:s22], $0x80  }
0x41: {  	[sflag:s22] =	ssyncset.done $0x0  }
0x42: {  	s14 =	rddreg [dreg:$0x5];
	[sflag:s22] =	ssyncadd.s32 $0xFFFFFF80  }
0x43: {  	[tilespmem:s23], [sflag:$0x7] =	stream.linear.gather [hbm4b:s14+s11], $0x80, $0x38;
	[tilespmem:$0x1C280] =	vst v63  }
0x44: {  	_ =	swait.ge [sflag:s22], $0x80  }
0x45: {  	[sflag:s22] =	ssyncset.done $0x0  }
0x46: {  	[sflag:s22] =	ssyncadd.s32 $0xFFFFFF80  }
0x47: {  	[tilespmem:s25], [sflag:$0x1] =	stream.indirect.gather [hbm4b:s1+s24], $0x80, s11, s24, $0xb8;
	[tilespmem:$0x1C280] =	vst v63  }
0x48: {  	_ =	swait.ge [sflag:s26], $0x4000  }
0x49: {  	[sflag:s26] =	ssyncset.done $0x0  }
0x4a: {  	s20 =	rddreg [dreg:$0x9];
	[sflag:s26] =	ssyncadd.s32 $0xFFFFC000  }
0x4b: {  	[tilespmem:s24], [sflag:$0x6] =	stream.linear.gather [hbm4b:s20+s11], $0x80, $0x38;
	[tilespmem:$0x1C280] =	vst v63  }
0x4c: {  	_ = 	snop  }
0x4d: {  	[tilespmem:s28], [sflag:$0x6] =	stream.linear.gather [hbm4b:s15+s11], $0x80, $0x38;
	[tilespmem:$0x1C280] =	vst v63  }
0x4e: {  	_ =	swait.ge [sflag:s29], $0x80  }
0x4f: {  	[sflag:s29] =	ssyncset.done $0x0  }
0x50: {  	[sflag:s29] =	ssyncadd.s32 $0xFFFFFF80  }
0x51: {  	_ =	swait.ge [sflag:s29], $0x80  }
0x52: {  	[sflag:s29] =	ssyncset.done $0x0  }
0x53: {  	[sflag:s29] =	ssyncadd.s32 $0xFFFFFF80  }
0x54: {  	[tilespmem:s30], [sflag:$0x2] =	stream.indirect.gather [hbm4b:s1+s24], $0x80, s24, s24, $0xb8;
	[tilespmem:$0x1C280] =	vst v63  }
0x55: {  	_ = 	snop  }
0x56: {  	[spmem:s3] =	stream.indirect.scatter.add.f32 [tilespmem:s25], [sflag:$0x3], $0x80, s23, s24, $0xb8;
	[tilespmem:$0x1C280] =	vst v63  }
0x57: {  	_ = 	snop  }
0x58: {  	[tilespmem:s11], [sflag:$0x5] =	stream.linear.gather [hbm4b:s16+s11], $0x80, $0x38;
	[tilespmem:$0x1C280] =	vst v63  }
0x59: {  	_ =	swait.ge [sflag:s31], $0x4000  }
0x5a: {  	[sflag:s31] =	ssyncset.done $0x0  }
0x5b: {  	[sflag:s31] =	ssyncadd.s32 $0xFFFFC000  }
0x5c: {  	_ =	swait.ge [sflag:s0], $0x4000  }
0x5d: {  	[sflag:s0] =	ssyncset.done $0x0  }
0x5e: {  	[sflag:s0] =	ssyncadd.s32 $0xFFFFC000  }
0x5f: {  	[tilespmem:s23], [sflag:$0x5] =	stream.linear.gather [hbm4b:s17+s11], $0x80, $0x38;
	[tilespmem:$0x1C280] =	vst v63  }
0x60: {  	_ = 	snop  }
0x61: {  	[spmem:s3] =	stream.indirect.scatter.add.f32 [tilespmem:s30], [sflag:$0x4], $0x80, s28, s24, $0xb8;
	[tilespmem:$0x1C280] =	vst v63  }
0x62: {  	_ =	swait.ge [sflag:s2], $0x80  }
0x63: {  	[sflag:s2] =	ssyncset.done $0x0  }
0x64: {  	[sflag:s2] =	ssyncadd.s32 $0xFFFFFF80  }
0x65: {  	_ =	swait.ge [sflag:s2], $0x80  }
0x66: {  	[sflag:s2] =	ssyncset.done $0x0  }
0x67: {  	[sflag:s2] =	ssyncadd.s32 $0xFFFFFF80  }
0x68: {  	[tilespmem:s25], [sflag:$0x1] =	stream.indirect.gather [hbm4b:s1+s24], $0x80, s11, s24, $0xb8;
	[tilespmem:$0x1C280] =	vst v63  }
0x69: {  	_ =	swait.ge [sflag:s26], $0x4000  }
0x6a: {  	[sflag:s26] =	ssyncset.done $0x0  }
0x6b: {  	s14 =	sadd.s32 $0x0, s19;
	[sflag:s26] =	ssyncadd.s32 $0xFFFFC000  }
0x6c: {  	[tilespmem:s24], [sflag:$0x6] =	stream.linear.gather [hbm4b:s14+s4], $0x80, $0x38;
	[tilespmem:$0x1C280] =	vst v63  }
0x6d: {  	_ =	swait.ge [sflag:s9], $0x4000  }
0x6e: {  	[sflag:s9] =	ssyncset.done $0x0  }
0x6f: {  	s20 =	sadd.s32 $0x0, s18;
	[sflag:s9] =	ssyncadd.s32 $0xFFFFC000  }
0x70: {  	[tilespmem:s28], [sflag:$0x6] =	stream.linear.gather [hbm4b:s20+s4], $0x80, $0x38;
	[tilespmem:$0x1C280] =	vst v63  }
0x71: {  	_ =	swait.ge [sflag:s29], $0x80  }
0x72: {  	[sflag:s29] =	ssyncset.done $0x0  }
0x73: {  	p2 =	slt.s32 s12, $0x9C1;
	s11 =	smov.u32 s12;
	[sflag:s29] =	ssyncadd.s32 $0xFFFFFF80  }
0x74: {  	s11 =	simm.s32 @!p2 $0x9C1;
	_ =	swait.ge [sflag:s29], $0x80  }
0x75: {  	s11 =	sshll.u32 s11, $0x4;
	[sflag:s29] =	ssyncset.done $0x0  }
0x76: {  	s11 =	sadd.s32 $0x20, s11;
	[sflag:s29] =	ssyncadd.s32 $0xFFFFFF80  }
0x77: {  	[tilespmem:s30], [sflag:$0x2] =	stream.indirect.gather [hbm4b:s1+s24], $0x80, s24, s24, $0xb8;
	[tilespmem:$0x1C280] =	vst v63  }
0x78: {  	s11 =	sand.u32 $0x1FFFFFF0, s11  }
0x79: {  	[spmem:s3] =	stream.indirect.scatter.add.f32 [tilespmem:s25], [sflag:$0x3], $0x80, s23, s24, $0xb8;
	[tilespmem:$0x1C280] =	vst v63  }
0x7a: {  	s20 =	sadd.s32 s5, s11  }
0x7b: {  	[tilespmem:s4], [sflag:$0x5] =	stream.linear.gather [hbm4b:s20+s4], $0x80, $0x38;
	[tilespmem:$0x1C280] =	vst v63  }
0x7c: {  	_ =	swait.ge [sflag:s31], $0x4000  }
0x7d: {  	[sflag:s31] =	ssyncset.done $0x0  }
0x7e: {  	[sflag:s31] =	ssyncadd.s32 $0xFFFFC000  }
0x7f: {  	_ =	swait.ge [sflag:s0], $0x4000  }
0x80: {  	[sflag:s0] =	ssyncset.done $0x0  }
0x81: {  	s11 =	sadd.s32 s6, s11;
	[sflag:s0] =	ssyncadd.s32 $0xFFFFC000  }
0x82: {  	[tilespmem:s23], [sflag:$0x5] =	stream.linear.gather [hbm4b:s11+s4], $0x80, $0x38;
	[tilespmem:$0x1C280] =	vst v63  }
0x83: {  	_ = 	snop  }
0x84: {  	[spmem:s3] =	stream.indirect.scatter.add.f32 [tilespmem:s30], [sflag:$0x4], $0x80, s28, s24, $0xb8;
	[tilespmem:$0x1C280] =	vst v63  }
0x85: {  	_ =	swait.ge [sflag:s2], $0x80  }
0x86: {  	[sflag:s2] =	ssyncset.done $0x0  }
0x87: {  	[sflag:s2] =	ssyncadd.s32 $0xFFFFFF80  }
0x88: {  	s20 =	smov.u32 s12;
	s11 =	simm.s32 $0x20;
	_ =	swait.ge [sflag:s2], $0x80  }
.LBB2_6:
0x89: {  	p2 =	sne.s32 s11, $0x4A0  }
0x8a: {  	s20 =	sadd.s32 $0x2, s20;
	s13 =	smov.u32 s11;
	s11 =	sadd.s32 $0x20, s11  }
0x8b: {  	[sflag:s2] =	ssyncset.done $0x0  }
0x8c: {  	[sflag:s2] =	ssyncadd.s32 $0xFFFFFF80  }
0x8d: {  	[tilespmem:s25], [sflag:$0x1] =	stream.indirect.gather [hbm4b:s1+s24], $0x80, s4, s24, $0xb8;
	[tilespmem:$0x1C280] =	vst v63  }
0x8e: {  	s14 =	sadd.s32 s13, s19;
	_ =	swait.ge [sflag:s26], $0x4000  }
0x8f: {  	[sflag:s26] =	ssyncset.done $0x0  }
0x90: {  	[sflag:s26] =	ssyncadd.s32 $0xFFFFC000  }
0x91: {  	[tilespmem:s24], [sflag:$0x6] =	stream.linear.gather [hbm4b:s14+s4], $0x80, $0x38;
	[tilespmem:$0x1C280] =	vst v63  }
0x92: {  	s13 =	sadd.s32 s13, s18;
	_ =	swait.ge [sflag:s9], $0x4000  }
0x93: {  	[sflag:s9] =	ssyncset.done $0x0  }
0x94: {  	[sflag:s9] =	ssyncadd.s32 $0xFFFFC000  }
0x95: {  	[tilespmem:s28], [sflag:$0x6] =	stream.linear.gather [hbm4b:s13+s4], $0x80, $0x38;
	[tilespmem:$0x1C280] =	vst v63  }
0x96: {  	_ =	swait.ge [sflag:s29], $0x80  }
0x97: {  	[sflag:s29] =	ssyncset.done $0x0  }
0x98: {  	p3 =	slt.s32 s20, $0x9C1;
	s13 =	smov.u32 s20;
	[sflag:s29] =	ssyncadd.s32 $0xFFFFFF80  }
0x99: {  	s13 =	simm.s32 @!p3 $0x9C1;
	_ =	swait.ge [sflag:s29], $0x80  }
0x9a: {  	s13 =	sshll.u32 s13, $0x4;
	[sflag:s29] =	ssyncset.done $0x0  }
0x9b: {  	s13 =	sadd.s32 $0x20, s13;
	[sflag:s29] =	ssyncadd.s32 $0xFFFFFF80  }
0x9c: {  	[tilespmem:s30], [sflag:$0x2] =	stream.indirect.gather [hbm4b:s1+s24], $0x80, s24, s24, $0xb8;
	[tilespmem:$0x1C280] =	vst v63  }
0x9d: {  	s13 =	sand.u32 $0x1FFFFFF0, s13  }
0x9e: {  	[spmem:s3] =	stream.indirect.scatter.add.f32 [tilespmem:s25], [sflag:$0x3], $0x80, s23, s24, $0xb8;
	[tilespmem:$0x1C280] =	vst v63  }
0x9f: {  	s14 =	sadd.s32 s5, s13  }
0xa0: {  	[tilespmem:s4], [sflag:$0x5] =	stream.linear.gather [hbm4b:s14+s4], $0x80, $0x38;
	[tilespmem:$0x1C280] =	vst v63  }
0xa1: {  	_ =	swait.ge [sflag:s31], $0x4000  }
0xa2: {  	[sflag:s31] =	ssyncset.done $0x0  }
0xa3: {  	[sflag:s31] =	ssyncadd.s32 $0xFFFFC000  }
0xa4: {  	_ =	swait.ge [sflag:s0], $0x4000  }
0xa5: {  	[sflag:s0] =	ssyncset.done $0x0  }
0xa6: {  	s13 =	sadd.s32 s6, s13;
	[sflag:s0] =	ssyncadd.s32 $0xFFFFC000  }
0xa7: {  	[tilespmem:s23], [sflag:$0x5] =	stream.linear.gather [hbm4b:s13+s4], $0x80, $0x38;
	[tilespmem:$0x1C280] =	vst v63  }
0xa8: {  	_ = 	snop  }
0xa9: {  	[spmem:s3] =	stream.indirect.scatter.add.f32 [tilespmem:s30], [sflag:$0x4], $0x80, s28, s24, $0xb8;
	[tilespmem:$0x1C280] =	vst v63  }
.Ltmp2:
0xaa: {  	_ = 	snop;
	(pc) =	sbr.rel @p2 .LBB2_6-.Ltmp2, $4  }
0xab: {  	_ =	swait.ge [sflag:s2], $0x80  }
0xac: {  	[sflag:s2] =	ssyncset.done $0x0  }
0xad: {  	[sflag:s2] =	ssyncadd.s32 $0xFFFFFF80  }
0xae: {  	_ =	swait.ge [sflag:s2], $0x80  }
0xaf: {  	[sflag:s2] =	ssyncset.done $0x0  }
0xb0: {  	[sflag:s2] =	ssyncadd.s32 $0xFFFFFF80  }
0xb1: {  	[tilespmem:s25], [sflag:$0x1] =	stream.indirect.gather [hbm4b:s1+s24], $0x80, s4, s24, $0xb8;
	[tilespmem:$0x1C280] =	vst v63  }
0xb2: {  	_ =	swait.ge [sflag:s26], $0x4000  }
0xb3: {  	[sflag:s26] =	ssyncset.done $0x0  }
0xb4: {  	[sflag:s26] =	ssyncadd.s32 $0xFFFFC000  }
0xb5: {  	_ =	swait.ge [sflag:s9], $0x4000  }
0xb6: {  	s11 =	simm.s32 @!p1 $0x80;
	[sflag:s9] =	ssyncset.done $0x0  }
0xb7: {  	s13 =	simm.s32 @!p1 $0x100;
	s14 =	simm.s32 @!p1 $0x200;
	[sflag:s9] =	ssyncadd.s32 $0xFFFFC000  }
0xb8: {  	[spmem:s3] =	stream.indirect.scatter.add.f32 @!p1 [tilespmem:s14], [sflag:$0x7], $0x80, s13, s11, $0xb8;
	[tilespmem:$0x1C280] =	vst v63  }
0xb9: {  	s11 =	simm.s32 @!p1 $0x7  }
0xba: {  	_ =	swait.ge @!p1 [sflag:s11], $0x4000  }
0xbb: {  	[sflag:s11] =	ssyncset.done @!p1 $0x0  }
0xbc: {  	s13 =	stileid.u32;
	[sflag:s11] =	ssyncadd.s32 @!p1 $0xFFFFC000  }
0xbd: {  	s11 =	sshll.u32 s13, $0x6;
	[bflag:$0x0] =	sbarrier.arrive $0xFFFF  }
0xbe: {  	s14 =	sshrl.u32 s7, $0x3;
	s11 =	sor.u32 $0x1C07, s11;
	s20 =	rddreg [dreg:$0x6]  }
0xbf: {  	[hbm:s20], [sflag:s11] =	dma.local [spmem:s14], $0x2700  }
0xc0: {  	_ =	swait.ge [sflag:s22], $0x2700  }
0xc1: {  	[sflag:s22] =	ssyncset.done $0x0  }
0xc2: {  	s13 =	sshrl.u32 @!p0 s8, $0x3;
	s14 =	rddreg [dreg:$0x7];
	[sflag:s22] =	ssyncadd.s32 $0xFFFFD900  }
0xc3: {  	[hbm:s14], [sflag:s11] =	dma.local @!p0 [spmem:s13], $0x100  }
0xc4: {  	s11 =	simm.s32 @!p0 $0x7  }
0xc5: {  	_ =	swait.ge @!p0 [sflag:s11], $0x100  }
0xc6: {  	s10 =	sadd.s32 $0x1, s10;
	s20 =	rddreg [dreg:$0x8]  }
0xc7: {  	p2 =	sne.s32 s10, s20  }
.Ltmp3:
0xc8: {  	_ = 	snop;
	(pc) =	sbr.rel @p2 .LBB2_1-.Ltmp3, $3  }
0xc9: {  	_ =	sdelay $0x1  }
0xca: {  	[sflag:s11] =	ssyncset.done @!p0 $0x0  }
0xcb: {  	[sflag:s11] =	ssyncadd.s32 @!p0 $0xFFFFFF00  }
0xcc: {  	_ =	sfence.sel $0x180000  }
0xcd: {  	[bflag:$0x0] =	sbarrier.arrive $0xFFFF  }
0xce: {  	_ =	strace $0x9000004D  }
0xcf: {  	s0 =	stileid.u32;
	[bflag:$0x2] =	sbarrier.arrive $0xFFFF  }
0xd0: {  	p0 =	sne.s32 s0, $0x0;
	s0 =	rddreg [dreg:$0x3]  }
0xd1: {  	s0 =	sadd.s32 @!p0 $0x100000, s0  }
0xd2: {  	[sflag:s0] =	ssyncadd.tile.s32 @!p0 $0x1;
	_ =	shalt  }
.Lfunc_end2:
_tile_overlayer_lowered:
.L_overlay_start_2:
0xd3: {  	(tag) =	ssettag $0x2  }
0xd4: {  	s0 =	rddreg [dreg:$0x0];
	s2 =	stileid.u32  }
0xd5: {  	s1 =	rddreg [dreg:$0x1];
	p0 =	sne.s32 s2, $0x0  }
0xd6: {  	s3 =	rddreg [dreg:$0x2];
	[bflag:$0x3] =	sbarrier.arrive $0xFFFF;
	s2 =	simm.s32 @!p0 $0x1C07  }
0xd7: {  	[timem:s3], [sflag:s2] =	dma.local @!p0 [hbm:s0], s1  }
0xd8: {  	s0 =	simm.s32 @!p0 $0x7  }
0xd9: {  	_ =	swait.ge @!p0 [sflag:s0], s1  }
0xda: {  	s1 =	ssub.s32 @!p0 $0x0, s1;
	[sflag:s0] =	ssyncset.done @!p0 $0x0  }
0xdb: {  	[sflag:s0] =	ssyncadd.s32 @!p0 s1  }
0xdc: {  	[bflag:$0x3] =	sbarrier.arrive $0xFFFF  }
0xdd: {  	_ =	shalt  }

// kernel: kernel.7.cloned.1.call-start
scs
__scs_entry_jumppad:
0x0: {  	(pc) =	sbr.rel $0x88, $3  }
0x1: {  	(tag) =	ssettag $0x0;
	lr =	simm.s32 $0x1  }
0x2: {  	[smem:$0x3F99] =	sst lr;
	_ =	strace $0xD0000000  }
0x3: {  	_ = 	snop  }
0x4: {  	_ = 	snop  }
0x5: {  	_ = 	snop  }
0x6: {  	_ = 	snop  }
0x7: {  	_ = 	snop  }
__scs_overlays_trampoline_lowered:
0x8: {  	[smem:$0x3FA8] =	sst s0  }
0x9: {  	[smem:$0x3FA9] =	sst s1  }
0xa: {  	[smem:$0x3FAA] =	sst s2  }
0xb: {  	[smem:$0x3FAB] =	sst s3  }
0xc: {  	[smem:$0x3FAC] =	sst s4  }
0xd: {  	[smem:$0x3FAD] =	sst s5  }
0xe: {  	[smem:$0x3FAE] =	sst s6  }
0xf: {  	[smem:$0x3FAF] =	sst s7  }
0x10: {  	[smem:$0x3FB0] =	sst s8  }
0x11: {  	[smem:$0x3FB1] =	sst s9;
	s0 =	simm.s32 @!p0 $0x0  }
0x12: {  	s1 =	sld [smem:$0x3F97];
	s0 =	simm.s32 @p0 $0x1  }
0x13: {  	[smem:$0x3FB2] =	sst s0;
	s0 =	simm.s32 @!p1 $0x0  }
0x14: {  	s2 =	sld [smem:$0x3F96];
	s0 =	simm.s32 @p1 $0x1  }
0x15: {  	[smem:$0x3FB3] =	sst s0;
	s0 =	simm.s32 @!p2 $0x0  }
0x16: {  	s3 =	sld [smem:$0x3FDB];
	s0 =	simm.s32 @p2 $0x1  }
0x17: {  	s4 =	simm.s32 $0x1BF5;
	[smem:$0x3FB5] =	sst s0  }
0x18: {  	s0 =	sld [smem:$0x3F98];
	_ =	swait.ge [sflag:s4], $0x0  }
0x19: {  	s7 =	sld [smem:$0x3F99]  }
0x1a: {  	s8 =	sadd.s32 $0xFFFFE003, lr  }
0x1b: {  	s9 =	sadd.s32 $0xFFFFFEF7, lr;
	s5 =	simm.s32 $0xFFFFFFFF;
	p2 =	slt.u32 s8, $0xFFFFF086  }
0x1c: {  	p1 =	slt.u32 s9, $0xF7A;
	s5 =	simm.s32 @!p2 $0x0  }
0x1d: {  	s5 =	simm.s32 @p1 $0x1;
	p0 =	seq.s32 s7, s2  }
0x1e: {  	s7 =	smul.u32 @!p0 $0xF7A, s2;
	p2 =	seq.s32 @!p0 s5, $0x0  }
0x1f: {  	s9 =	smul.u32 $0xF7A, s1;
	s8 =	simm.s32 @!p0 $0x1BF5;
	p2 =	por !p2, p0  }
0x20: {  	[sflag:s8] =	ssyncset.s32 @!p0 $0xFFFFF086;
	s6 =	sadd.s32 @!p0 s3, s7;
	s7 =	simm.s32 @!p0 $0x108  }
0x21: {  	s3 =	sadd.s32 s3, s9;
	s6 =	sadd.s32 @!p0 $0x88, s6;
	s7 =	simm.s32 @p2 $0x1082  }
0x22: {  	[simem:s7], [sflag:s8] =	dma.local @!p0 [hbm:s6], $0xF7A  }
0x23: {  	s9 =	sor.u32 $0xD0000000, s2;
	s6 =	simm.s32 $0x108;
	_ =	swait.ge @!p0 [sflag:s8], $0x0  }
0x24: {  	s3 =	sadd.s32 $0x88, s3;
	s6 =	simm.s32 @!p1 $0x1082;
	[sflag:s4] =	ssyncset.s32 $0xFFFFF086  }
0x25: {  	[simem:s6], [sflag:s4] =	dma.local [hbm:s3], $0xF7A  }
0x26: {  	[smem:$0x3F99] =	sst s1;
	(tag) =	ssettag s2;
	_ =	strace s9  }
0x27: {  	s1 =	sld [smem:$0x3FA9]  }
0x28: {  	s2 =	sld [smem:$0x3FAA]  }
0x29: {  	s4 =	sld [smem:$0x3FAC]  }
0x2a: {  	p0 =	seq.s32 s5, $0x0;
	s5 =	sld [smem:$0x3FAD]  }
0x2b: {  	s6 =	sld [smem:$0x3FAE]  }
0x2c: {  	s7 =	sld [smem:$0x3FAF]  }
0x2d: {  	s3 =	simm.s32 $0x108;
	s8 =	sld [smem:$0x3FB0]  }
0x2e: {  	s3 =	simm.s32 @!p0 $0x1082;
	s9 =	sld [smem:$0x3FB1]  }
0x2f: {  	lr =	sadd.s32 s0, s3;
	s0 =	sld [smem:$0x3FA8]  }
0x30: {  	s3 =	sld [smem:$0x3FAB]  }
0x31: {  	[smem:$0x3FB4] =	sst s10  }
0x32: {  	s10 =	sld [smem:$0x3FB2];
	_ =	sdelay $0x3  }
0x33: {  	p0 =	seq.s32 s10, $0x1;
	s10 =	sld [smem:$0x3FB4];
	_ =	sdelay $0x3  }
0x34: {  	[smem:$0x3FB4] =	sst s10  }
0x35: {  	s10 =	sld [smem:$0x3FB3];
	_ =	sdelay $0x3  }
0x36: {  	p1 =	seq.s32 s10, $0x1;
	s10 =	sld [smem:$0x3FB4];
	_ =	sdelay $0x3  }
0x37: {  	[smem:$0x3FB4] =	sst s10  }
0x38: {  	s10 =	sld [smem:$0x3FB5]  }
0x39: {  	_ = 	snop;
	(pc) =	sbr.ind lr, $3  }
0x3a: {  	_ = 	snop  }
0x3b: {  	_ = 	snop  }
0x3c: {  	p2 =	seq.s32 s10, $0x1;
	s10 =	sld [smem:$0x3FB4]  }
0x3d: {  	_ =	shalt  }
0x3e: {  	_ =	shalt  }
0x3f: {  	_ =	shalt  }
0x40: {  	_ =	shalt  }
0x41: {  	_ =	shalt  }
0x42: {  	_ =	shalt  }
0x43: {  	_ =	shalt  }
0x44: {  	_ =	shalt  }
0x45: {  	_ =	shalt  }
0x46: {  	_ =	shalt  }
0x47: {  	_ =	shalt  }
0x48: {  	_ =	shalt  }
0x49: {  	_ =	shalt  }
0x4a: {  	_ =	shalt  }
0x4b: {  	_ =	shalt  }
0x4c: {  	_ =	shalt  }
0x4d: {  	_ =	shalt  }
0x4e: {  	_ =	shalt  }
0x4f: {  	_ =	shalt  }
0x50: {  	_ =	shalt  }
0x51: {  	_ =	shalt  }
0x52: {  	_ =	shalt  }
0x53: {  	_ =	shalt  }
0x54: {  	_ =	shalt  }
0x55: {  	_ =	shalt  }
0x56: {  	_ =	shalt  }
0x57: {  	_ =	shalt  }
0x58: {  	_ =	shalt  }
0x59: {  	_ =	shalt  }
0x5a: {  	_ =	shalt  }
0x5b: {  	_ =	shalt  }
0x5c: {  	_ =	shalt  }
0x5d: {  	_ =	shalt  }
0x5e: {  	_ =	shalt  }
0x5f: {  	_ =	shalt  }
0x60: {  	_ =	shalt  }
0x61: {  	_ =	shalt  }
0x62: {  	_ =	shalt  }
0x63: {  	_ =	shalt  }
0x64: {  	_ =	shalt  }
0x65: {  	_ =	shalt  }
0x66: {  	_ =	shalt  }
0x67: {  	_ =	shalt  }
0x68: {  	_ =	shalt  }
0x69: {  	_ =	shalt  }
0x6a: {  	_ =	shalt  }
0x6b: {  	_ =	shalt  }
0x6c: {  	_ =	shalt  }
0x6d: {  	_ =	shalt  }
0x6e: {  	_ =	shalt  }
0x6f: {  	_ =	shalt  }
0x70: {  	_ =	shalt  }
0x71: {  	_ =	shalt  }
0x72: {  	_ =	shalt  }
0x73: {  	_ =	shalt  }
0x74: {  	_ =	shalt  }
0x75: {  	_ =	shalt  }
0x76: {  	_ =	shalt  }
0x77: {  	_ =	shalt  }
0x78: {  	_ =	shalt  }
0x79: {  	_ =	shalt  }
0x7a: {  	_ =	shalt  }
0x7b: {  	_ =	shalt  }
0x7c: {  	_ =	shalt  }
0x7d: {  	_ =	shalt  }
0x7e: {  	_ =	shalt  }
0x7f: {  	_ =	shalt  }
0x80: {  	_ =	shalt  }
0x81: {  	_ =	shalt  }
0x82: {  	_ =	shalt  }
0x83: {  	_ =	shalt  }
0x84: {  	_ =	shalt  }
0x85: {  	_ =	shalt  }
0x86: {  	_ =	shalt  }
0x87: {  	_ =	shalt  }
.Lfunc_end0:
.L_simem_size_0:
called_computation_lowered:
.L_overlay_start_0:
0x88: {  	s2 =	sld [smem:$0x3FD9]  }
0x89: {  	s3 =	sld [smem:$0x3FFE];
	_ =	sdelay $0x1  }
0x8a: {  	s1 =	srdreg.scid  }
0x8b: {  	s0 =	sand.u32 $0x1, s1  }
0x8c: {  	s17 =	sshll.u32 s0, $0xA;
	s2 =	sadd.s32 s3, s2  }
0x8d: {  	s2 =	sadd.s32 s2, s17  }
0x8e: {  	[smem:$0x3FC0] =	sst s2  }
0x8f: {  	_ = 	snop  }
0x90: {  	s2 =	sld [smem:$0x3FC9];
	(tm) =	ssettm $0x1  }
0x91: {  	s18 =	sld [smem:$0x3FFB];
	_ =	sdelay $0x3  }
0x92: {  	_ =	strace s18  }
0x93: {  	s3 =	sld [smem:$0x3FFC];
	_ =	sdelay $0x3  }
0x94: {  	_ =	strace s3  }
0x95: {  	s3 =	sld [smem:$0x3FFD];
	_ =	sdelay $0x3  }
0x96: {  	_ =	strace s3  }
0x97: {  	_ =	strace $0x8FFFFFFF  }
0x98: {  	s19 =	sld [smem:$0x3FDB];
	_ =	sdelay $0x1  }
0x99: {  	s4 =	simm.s32 $_scs_section_size  }
0x9a: {  	s5 =	simm.s32 $_size__tile_overlayer_lowered;
	s6 =	simm.s32 $_tile_overlayer_lowered  }
0x9b: {  	s22 =	simm.s32 $0x1BFF;
	s21 =	sshll.u32 s6, $0x1;
	s3 =	sadd.s32 s4, s19  }
0x9c: {  	s7 =	simm.s32 $0x0;
	s20 =	sshll.u32 s5, $0x1;
	s5 =	sadd.s32 s21, s3  }
0x9d: {  	[timem:s7], [sflag:s22] =	dma.local [hbm:s5], s20  }
0x9e: {  	_ =	swait.ge [sflag:s22], s20  }
0x9f: {  	s4 =	ssub.s32 $0x0, s20;
	[sflag:s22] =	ssyncset.done $0x0  }
0xa0: {  	[sflag:s22] =	ssyncadd.s32 s4;
	_ =	sdelay $0x1  }
0xa1: {  	s23 =	simm.s32 $0x1B8B  }
0xa2: {  	_ =	swait.ge [sflag:s23], $0x1  }
0xa3: {  	[sflag:s23] =	ssyncset.done $0x0  }
0xa4: {  	s25 =	simm.s32 $0x1B8E;
	s24 =	sld [smem:$0x3FFE];
	[sflag:s23] =	ssyncadd.s32 $0xFFFFFFFF  }
0xa5: {  	s26 =	simm.s32 $execute0_lowered;
	[smem:$0x3FD2] =	sst s25  }
0xa6: {  	s5 =	sshll.u32 s26, $0x1;
	_ =	strace $0x80000046;
	[dreg:$0x1] =	wrdreg $0xFFFFFFFF  }
0xa7: {  	s28 =	simm.s32 $_size_execute0_lowered;
	s3 =	sadd.s32 s3, s5;
	[dreg:$0x0] =	wrdreg $0x0  }
0xa8: {  	s5 =	sshll.u32 s28, $0x1;
	[dreg:$0x2] =	wrdreg s3  }
0xa9: {  	[dreg:$0x3] =	wrdreg s5  }
0xaa: {  	[dreg:$0x4] =	wrdreg $0xC0  }
0xab: {  	_ =	task [dreg:s7], $0x5FFFF  }
0xac: {  	[dreg:$0x1] =	wrdreg $0xFFFFFFFF  }
0xad: {  	[dreg:$0x0] =	wrdreg $0x60  }
0xae: {  	[dreg:$0x2] =	wrdreg s2  }
0xaf: {  	[dreg:$0x3] =	wrdreg s24  }
0xb0: {  	[dreg:$0x4] =	wrdreg $0x8A000  }
0xb1: {  	[dreg:$0x5] =	wrdreg $0x9  }
0xb2: {  	_ =	task.clear_ibuf [dreg:s7], $0x6FFFF;
	_ =	strace $0x90000046  }
0xb3: {  	s29 =	simm.s32 $0x9;
	_ =	strace $0x80000048  }
0xb4: {  	_ =	swait.ge [sflag:s29], $0x1  }
0xb5: {  	[sflag:s29] =	ssyncadd.s32 $0xFFFFFFFF  }
0xb6: {  	_ =	strace $0x90000048  }
0xb7: {  	_ =	sfence  }
0xb8: {  	s30 =	sld [smem:$0x0];
	_ =	sdelay $0x2  }
0xb9: {  	s31 =	sshll.u32 s1, $0xD;
	s1 =	sshrl.u32 s1, $0x2  }
0xba: {  	s3 =	sand.u32 $0x4000, s31;
	s1 =	sadd.s32 s1, s30  }
0xbb: {  	s0 =	sor.u32 s3, s0;
	s1 =	sshll.u32 s1, $0x11  }
0xbc: {  	s0 =	sor.u32 s1, s0  }
0xbd: {  	s0 =	sadd.s32 $0x8F2B, s0  }
0xbe: {  	[sflag:s0] =	ssyncadd.remote.s32 $0x1  }
0xbf: {  	_ =	sfence.sel $0xFFFF  }
0xc0: {  	[dreg:$0x0] =	wrdreg $0xFFFFFFFF;
	(pc) =	sbr.abs _section_cstart, $3  }
0xc1: {  	[dreg:$0x1] =	wrdreg $0xFFFFFFFF  }
0xc2: {  	_ =	task.clear_ibuf [dreg:s7], $0x2FFFF;
	_ =	strace $0x9FFFFFFF  }
0xc3: {  	(tm) =	ssettm $0x7FFFFFFF  }
tec
execute0_lowered:
.L_overlay_start_1:
0x0: {  	(tag) =	ssettag $0x1  }
0x1: {  	s1 =	rddreg [dreg:$0x0]  }
0x2: {  	s0 =	rddreg [dreg:$0x1]  }
0x3: {  	s3 =	rddreg [dreg:$0x2];
	s4 =	simm.s32 $0x0;
	s2 =	srdreg.scid  }
0x4: {  	s13 =	stileid.u32;
	s28 =	simm.s32 $0x180;
	s29 =	simm.s32 $0x6  }
0x5: {  	s30 =	simm.s32 $0x4200;
	s31 =	simm.s32 $0x2;
	s11 =	smul.u32 $0x4E000, s13  }
0x6: {  	[smem:$0x7FF] =	sst s4;
	s2 =	sand.u32 $0x1, s2;
	s25 =	smul.u32 $0x13800, s13  }
0x7: {  	s5 =	sshll.u32 s13, $0x1;
	s6 =	sadd.s32 $0x2A00, s0;
	s20 =	smul.u32 $0x9C0, s13  }
0x8: {  	p0 =	sne.s32 s13, $0xF;
	p1 =	sgt.u32 s13, $0x1;
	s12 =	smul.u32 $0x138800, s2  }
0x9: {  	_ =	strace $0x80000047;
	s7 =	sor.u32 s2, s5;
	s22 =	smul.u32 $0x4E0, s2  }
0xa: {  	s5 =	sadd.s32 $0xC800, s0;
	s8 =	ssub.s32 $0x2, s2;
	s2 =	smul.u32 $0x4E, s2  }
0xb: {  	s0 =	sadd.s32 $0x16600, s0;
	s9 =	smul.u32 $0x4E, s7;
	s10 =	sshrl.u32 s8, $0x1  }
0xc: {  	s18 =	smin.u32 s7, $0x4;
	s24 =	sshrl.u32 s11, $0x2;
	s23 =	sadd.s32 s20, s6  }
0xd: {  	s10 =	ssub.s32 s8, s10;
	s7 =	sadd.s32 s24, s3;
	s8 =	sadd.s32 $0x138000, s3  }
0xe: {  	s11 =	sadd.s32 s25, s12;
	s12 =	sshrl.u32 s12, $0x3;
	s24 =	smul.u32 $0x9C, s13  }
0xf: {  	s25 =	sshll.u32 s18, $0x4;
	s9 =	sadd.s32 s18, s9;
	s11 =	sshrl.u32 s11, $0x3  }
0x10: {  	s12 =	sadd.s32 s0, s12;
	s17 =	smax.u32 s10, $0x1;
	s10 =	sadd.s32 s20, s5  }
0x11: {  	s14 =	sshll.u32 s9, $0x4;
	s0 =	sadd.s32 s0, s11;
	[dreg:$0x8] =	wrdreg s17  }
0x12: {  	s16 =	sadd.s32 $0x27000, s12;
	s9 =	smin.u32 s9, $0x9C1;
	[dreg:$0x6] =	wrdreg s0  }
0x13: {  	s10 =	sadd.s32 s22, s10;
	s15 =	sadd.s32 s5, s14;
	[dreg:$0x7] =	wrdreg s16  }
0x14: {  	s26 =	sadd.s32 s6, s14;
	s19 =	sadd.s32 $0x10, s14;
	[dreg:$0x4] =	wrdreg s15  }
0x15: {  	s9 =	sshll.u32 s9, $0x4;
	[dreg:$0x5] =	wrdreg s26;
	s0 =	sand.u32 $0x1FFFFFF0, s19  }
0x16: {  	s9 =	sadd.s32 $0x20, s9;
	s26 =	sadd.s32 s25, s10;
	s10 =	simm.s32 $0x0  }
0x17: {  	s21 =	sadd.s32 s5, s0;
	s15 =	sadd.s32 s6, s0;
	s16 =	sadd.s32 s5, s9  }
0x18: {  	s17 =	sadd.s32 s6, s9;
	s0 =	sadd.s32 s22, s23;
	s9 =	sadd.s32 s24, s18  }
0x19: {  	s19 =	sadd.s32 $0x30, s26;
	s22 =	simm.s32 $0x7;
	s23 =	simm.s32 $0x100  }
0x1a: {  	s24 =	simm.s32 $0x80;
	s26 =	simm.s32 $0x1;
	[dreg:$0x9] =	wrdreg s21  }
0x1b: {  	s0 =	sadd.s32 s25, s0;
	s2 =	sadd.s32 s2, s9;
	s21 =	simm.s32 $0x8200  }
0x1c: {  	s25 =	simm.s32 $0x200;
	s9 =	simm.s32 $0x4;
	s18 =	sadd.s32 $0x30, s0  }
0x1d: {  	v0 =	vimm.f32 $0.0e+00;
	s12 =	sadd.s32 $0x2, s2;
	s0 =	simm.s32 $0x3;
	s2 =	simm.s32 $0x5  }
.LBB2_1:
0x1e: {  	s11 =	simm.s32 $0x0;
	s20 =	simm.s32 $0x200  }
.LBB2_2:
0x1f: {  	p2 =	sne.s32 s20, $0x1E00;
	[tilespmem:s11+$0x8270] =	vst v0  }
0x20: {  	[tilespmem:s11+$0x8200] =	vst v0  }
0x21: {  	[tilespmem:s11+$0x8210] =	vst v0  }
.Ltmp0:
0x22: {  	[tilespmem:s11+$0x8220] =	vst v0;
	(pc) =	sbr.rel @p2 .LBB2_2-.Ltmp0, $4  }
0x23: {  	[tilespmem:s11+$0x8230] =	vst v0  }
0x24: {  	[tilespmem:s11+$0x8240] =	vst v0  }
0x25: {  	[tilespmem:s11+$0x8250] =	vst v0  }
0x26: {  	[tilespmem:s11+$0x8260] =	vst v0;
	s11 =	sshra.s32 s20, $0x2;
	s20 =	sadd.s32 $0x200, s20  }
0x27: {  	[tilespmem:s11+$0x8270] =	vst v0  }
0x28: {  	[tilespmem:s11+$0x8200] =	vst v0  }
0x29: {  	[tilespmem:s11+$0x8210] =	vst v0  }
0x2a: {  	[tilespmem:s11+$0x8220] =	vst v0  }
0x2b: {  	[tilespmem:s11+$0x8230] =	vst v0  }
0x2c: {  	[tilespmem:s11+$0x8240] =	vst v0  }
0x2d: {  	[tilespmem:s11+$0x8250] =	vst v0  }
0x2e: {  	[tilespmem:s11+$0x8260] =	vst v0;
	s20 =	sadd.s32 $0x0, s7  }
0x2f: {  	[spmem:s20] =	stream.linear.scatter [tilespmem:s21], [sflag:$0x7], $0x800, $0x38;
	[tilespmem:$0x1C280] =	vst v63  }
0x30: {  	s11 =	simm.s32 $0x2000;
	_ =	swait.ge [sflag:s22], $0x800  }
.LBB2_4:
0x31: {  	s20 =	sshra.s32 s11, $0x2;
	[sflag:s22] =	ssyncset.done $0x0;
	p2 =	sne.s32 s11, $0x4C000  }
.Ltmp1:
0x32: {  	s20 =	sadd.s32 s20, s7;
	[sflag:s22] =	ssyncadd.s32 $0xFFFFF800;
	(pc) =	sbr.rel @p2 .LBB2_4-.Ltmp1, $3  }
0x33: {  	[spmem:s20] =	stream.linear.scatter [tilespmem:s21], [sflag:$0x7], $0x800, $0x38;
	[tilespmem:$0x1C280] =	vst v63  }
0x34: {  	s11 =	sadd.s32 $0x2000, s11;
	_ =	sdelay $0x1  }
0x35: {  	_ =	swait.ge [sflag:s22], $0x800  }
0x36: {  	[sflag:s22] =	ssyncset.done $0x0  }
0x37: {  	s11 =	simm.s32 @!p0 $0x8200;
	[sflag:s22] =	ssyncadd.s32 $0xFFFFF800  }
0x38: {  	[spmem:s8] =	stream.linear.scatter @!p0 [tilespmem:s11], [sflag:$0x7], $0x800, $0x38;
	[tilespmem:$0x1C280] =	vst v63  }
0x39: {  	s11 =	simm.s32 @!p0 $0x7  }
0x3a: {  	_ =	swait.ge @!p0 [sflag:s11], $0x800  }
0x3b: {  	[sflag:s11] =	ssyncset.done @!p0 $0x0  }
0x3c: {  	[sflag:s11] =	ssyncadd.s32 @!p0 $0xFFFFF800  }
0x3d: {  	[bflag:$0x0] =	sbarrier.arrive $0xFFFF  }
0x3e: {  	s11 =	simm.s32 $0x0;
	s13 =	rddreg [dreg:$0x4]  }
0x3f: {  	[tilespmem:s11], [sflag:$0x7] =	stream.linear.gather [hbm4b:s13+s11], $0x80, $0x38;
	[tilespmem:$0x1C280] =	vst v63  }
0x40: {  	_ =	swait.ge [sflag:s22], $0x80  }
0x41: {  	[sflag:s22] =	ssyncset.done $0x0  }
0x42: {  	s14 =	rddreg [dreg:$0x5];
	[sflag:s22] =	ssyncadd.s32 $0xFFFFFF80  }
0x43: {  	[tilespmem:s23], [sflag:$0x7] =	stream.linear.gather [hbm4b:s14+s11], $0x80, $0x38;
	[tilespmem:$0x1C280] =	vst v63  }
0x44: {  	_ =	swait.ge [sflag:s22], $0x80  }
0x45: {  	[sflag:s22] =	ssyncset.done $0x0  }
0x46: {  	[sflag:s22] =	ssyncadd.s32 $0xFFFFFF80  }
0x47: {  	[tilespmem:s25], [sflag:$0x1] =	stream.indirect.gather [hbm4b:s1+s24], $0x80, s11, s24, $0xb8;
	[tilespmem:$0x1C280] =	vst v63  }
0x48: {  	_ =	swait.ge [sflag:s26], $0x4000  }
0x49: {  	[sflag:s26] =	ssyncset.done $0x0  }
0x4a: {  	s20 =	rddreg [dreg:$0x9];
	[sflag:s26] =	ssyncadd.s32 $0xFFFFC000  }
0x4b: {  	[tilespmem:s24], [sflag:$0x6] =	stream.linear.gather [hbm4b:s20+s11], $0x80, $0x38;
	[tilespmem:$0x1C280] =	vst v63  }
0x4c: {  	_ = 	snop  }
0x4d: {  	[tilespmem:s28], [sflag:$0x6] =	stream.linear.gather [hbm4b:s15+s11], $0x80, $0x38;
	[tilespmem:$0x1C280] =	vst v63  }
0x4e: {  	_ =	swait.ge [sflag:s29], $0x80  }
0x4f: {  	[sflag:s29] =	ssyncset.done $0x0  }
0x50: {  	[sflag:s29] =	ssyncadd.s32 $0xFFFFFF80  }
0x51: {  	_ =	swait.ge [sflag:s29], $0x80  }
0x52: {  	[sflag:s29] =	ssyncset.done $0x0  }
0x53: {  	[sflag:s29] =	ssyncadd.s32 $0xFFFFFF80  }
0x54: {  	[tilespmem:s30], [sflag:$0x2] =	stream.indirect.gather [hbm4b:s1+s24], $0x80, s24, s24, $0xb8;
	[tilespmem:$0x1C280] =	vst v63  }
0x55: {  	_ = 	snop  }
0x56: {  	[spmem:s3] =	stream.indirect.scatter.add.f32 [tilespmem:s25], [sflag:$0x3], $0x80, s23, s24, $0xb8;
	[tilespmem:$0x1C280] =	vst v63  }
0x57: {  	_ = 	snop  }
0x58: {  	[tilespmem:s11], [sflag:$0x5] =	stream.linear.gather [hbm4b:s16+s11], $0x80, $0x38;
	[tilespmem:$0x1C280] =	vst v63  }
0x59: {  	_ =	swait.ge [sflag:s31], $0x4000  }
0x5a: {  	[sflag:s31] =	ssyncset.done $0x0  }
0x5b: {  	[sflag:s31] =	ssyncadd.s32 $0xFFFFC000  }
0x5c: {  	_ =	swait.ge [sflag:s0], $0x4000  }
0x5d: {  	[sflag:s0] =	ssyncset.done $0x0  }
0x5e: {  	[sflag:s0] =	ssyncadd.s32 $0xFFFFC000  }
0x5f: {  	[tilespmem:s23], [sflag:$0x5] =	stream.linear.gather [hbm4b:s17+s11], $0x80, $0x38;
	[tilespmem:$0x1C280] =	vst v63  }
0x60: {  	_ = 	snop  }
0x61: {  	[spmem:s3] =	stream.indirect.scatter.add.f32 [tilespmem:s30], [sflag:$0x4], $0x80, s28, s24, $0xb8;
	[tilespmem:$0x1C280] =	vst v63  }
0x62: {  	_ =	swait.ge [sflag:s2], $0x80  }
0x63: {  	[sflag:s2] =	ssyncset.done $0x0  }
0x64: {  	[sflag:s2] =	ssyncadd.s32 $0xFFFFFF80  }
0x65: {  	_ =	swait.ge [sflag:s2], $0x80  }
0x66: {  	[sflag:s2] =	ssyncset.done $0x0  }
0x67: {  	[sflag:s2] =	ssyncadd.s32 $0xFFFFFF80  }
0x68: {  	[tilespmem:s25], [sflag:$0x1] =	stream.indirect.gather [hbm4b:s1+s24], $0x80, s11, s24, $0xb8;
	[tilespmem:$0x1C280] =	vst v63  }
0x69: {  	_ =	swait.ge [sflag:s26], $0x4000  }
0x6a: {  	[sflag:s26] =	ssyncset.done $0x0  }
0x6b: {  	s14 =	sadd.s32 $0x0, s19;
	[sflag:s26] =	ssyncadd.s32 $0xFFFFC000  }
0x6c: {  	[tilespmem:s24], [sflag:$0x6] =	stream.linear.gather [hbm4b:s14+s4], $0x80, $0x38;
	[tilespmem:$0x1C280] =	vst v63  }
0x6d: {  	_ =	swait.ge [sflag:s9], $0x4000  }
0x6e: {  	[sflag:s9] =	ssyncset.done $0x0  }
0x6f: {  	s20 =	sadd.s32 $0x0, s18;
	[sflag:s9] =	ssyncadd.s32 $0xFFFFC000  }
0x70: {  	[tilespmem:s28], [sflag:$0x6] =	stream.linear.gather [hbm4b:s20+s4], $0x80, $0x38;
	[tilespmem:$0x1C280] =	vst v63  }
0x71: {  	_ =	swait.ge [sflag:s29], $0x80  }
0x72: {  	[sflag:s29] =	ssyncset.done $0x0  }
0x73: {  	p2 =	slt.s32 s12, $0x9C1;
	s11 =	smov.u32 s12;
	[sflag:s29] =	ssyncadd.s32 $0xFFFFFF80  }
0x74: {  	s11 =	simm.s32 @!p2 $0x9C1;
	_ =	swait.ge [sflag:s29], $0x80  }
0x75: {  	s11 =	sshll.u32 s11, $0x4;
	[sflag:s29] =	ssyncset.done $0x0  }
0x76: {  	s11 =	sadd.s32 $0x20, s11;
	[sflag:s29] =	ssyncadd.s32 $0xFFFFFF80  }
0x77: {  	[tilespmem:s30], [sflag:$0x2] =	stream.indirect.gather [hbm4b:s1+s24], $0x80, s24, s24, $0xb8;
	[tilespmem:$0x1C280] =	vst v63  }
0x78: {  	s11 =	sand.u32 $0x1FFFFFF0, s11  }
0x79: {  	[spmem:s3] =	stream.indirect.scatter.add.f32 [tilespmem:s25], [sflag:$0x3], $0x80, s23, s24, $0xb8;
	[tilespmem:$0x1C280] =	vst v63  }
0x7a: {  	s20 =	sadd.s32 s5, s11  }
0x7b: {  	[tilespmem:s4], [sflag:$0x5] =	stream.linear.gather [hbm4b:s20+s4], $0x80, $0x38;
	[tilespmem:$0x1C280] =	vst v63  }
0x7c: {  	_ =	swait.ge [sflag:s31], $0x4000  }
0x7d: {  	[sflag:s31] =	ssyncset.done $0x0  }
0x7e: {  	[sflag:s31] =	ssyncadd.s32 $0xFFFFC000  }
0x7f: {  	_ =	swait.ge [sflag:s0], $0x4000  }
0x80: {  	[sflag:s0] =	ssyncset.done $0x0  }
0x81: {  	s11 =	sadd.s32 s6, s11;
	[sflag:s0] =	ssyncadd.s32 $0xFFFFC000  }
0x82: {  	[tilespmem:s23], [sflag:$0x5] =	stream.linear.gather [hbm4b:s11+s4], $0x80, $0x38;
	[tilespmem:$0x1C280] =	vst v63  }
0x83: {  	_ = 	snop  }
0x84: {  	[spmem:s3] =	stream.indirect.scatter.add.f32 [tilespmem:s30], [sflag:$0x4], $0x80, s28, s24, $0xb8;
	[tilespmem:$0x1C280] =	vst v63  }
0x85: {  	_ =	swait.ge [sflag:s2], $0x80  }
0x86: {  	[sflag:s2] =	ssyncset.done $0x0  }
0x87: {  	[sflag:s2] =	ssyncadd.s32 $0xFFFFFF80  }
0x88: {  	s20 =	smov.u32 s12;
	s11 =	simm.s32 $0x20;
	_ =	swait.ge [sflag:s2], $0x80  }
.LBB2_6:
0x89: {  	p2 =	sne.s32 s11, $0x4A0  }
0x8a: {  	s20 =	sadd.s32 $0x2, s20;
	s13 =	smov.u32 s11;
	s11 =	sadd.s32 $0x20, s11  }
0x8b: {  	[sflag:s2] =	ssyncset.done $0x0  }
0x8c: {  	[sflag:s2] =	ssyncadd.s32 $0xFFFFFF80  }
0x8d: {  	[tilespmem:s25], [sflag:$0x1] =	stream.indirect.gather [hbm4b:s1+s24], $0x80, s4, s24, $0xb8;
	[tilespmem:$0x1C280] =	vst v63  }
0x8e: {  	s14 =	sadd.s32 s13, s19;
	_ =	swait.ge [sflag:s26], $0x4000  }
0x8f: {  	[sflag:s26] =	ssyncset.done $0x0  }
0x90: {  	[sflag:s26] =	ssyncadd.s32 $0xFFFFC000  }
0x91: {  	[tilespmem:s24], [sflag:$0x6] =	stream.linear.gather [hbm4b:s14+s4], $0x80, $0x38;
	[tilespmem:$0x1C280] =	vst v63  }
0x92: {  	s13 =	sadd.s32 s13, s18;
	_ =	swait.ge [sflag:s9], $0x4000  }
0x93: {  	[sflag:s9] =	ssyncset.done $0x0  }
0x94: {  	[sflag:s9] =	ssyncadd.s32 $0xFFFFC000  }
0x95: {  	[tilespmem:s28], [sflag:$0x6] =	stream.linear.gather [hbm4b:s13+s4], $0x80, $0x38;
	[tilespmem:$0x1C280] =	vst v63  }
0x96: {  	_ =	swait.ge [sflag:s29], $0x80  }
0x97: {  	[sflag:s29] =	ssyncset.done $0x0  }
0x98: {  	p3 =	slt.s32 s20, $0x9C1;
	s13 =	smov.u32 s20;
	[sflag:s29] =	ssyncadd.s32 $0xFFFFFF80  }
0x99: {  	s13 =	simm.s32 @!p3 $0x9C1;
	_ =	swait.ge [sflag:s29], $0x80  }
0x9a: {  	s13 =	sshll.u32 s13, $0x4;
	[sflag:s29] =	ssyncset.done $0x0  }
0x9b: {  	s13 =	sadd.s32 $0x20, s13;
	[sflag:s29] =	ssyncadd.s32 $0xFFFFFF80  }
0x9c: {  	[tilespmem:s30], [sflag:$0x2] =	stream.indirect.gather [hbm4b:s1+s24], $0x80, s24, s24, $0xb8;
	[tilespmem:$0x1C280] =	vst v63  }
0x9d: {  	s13 =	sand.u32 $0x1FFFFFF0, s13  }
0x9e: {  	[spmem:s3] =	stream.indirect.scatter.add.f32 [tilespmem:s25], [sflag:$0x3], $0x80, s23, s24, $0xb8;
	[tilespmem:$0x1C280] =	vst v63  }
0x9f: {  	s14 =	sadd.s32 s5, s13  }
0xa0: {  	[tilespmem:s4], [sflag:$0x5] =	stream.linear.gather [hbm4b:s14+s4], $0x80, $0x38;
	[tilespmem:$0x1C280] =	vst v63  }
0xa1: {  	_ =	swait.ge [sflag:s31], $0x4000  }
0xa2: {  	[sflag:s31] =	ssyncset.done $0x0  }
0xa3: {  	[sflag:s31] =	ssyncadd.s32 $0xFFFFC000  }
0xa4: {  	_ =	swait.ge [sflag:s0], $0x4000  }
0xa5: {  	[sflag:s0] =	ssyncset.done $0x0  }
0xa6: {  	s13 =	sadd.s32 s6, s13;
	[sflag:s0] =	ssyncadd.s32 $0xFFFFC000  }
0xa7: {  	[tilespmem:s23], [sflag:$0x5] =	stream.linear.gather [hbm4b:s13+s4], $0x80, $0x38;
	[tilespmem:$0x1C280] =	vst v63  }
0xa8: {  	_ = 	snop  }
0xa9: {  	[spmem:s3] =	stream.indirect.scatter.add.f32 [tilespmem:s30], [sflag:$0x4], $0x80, s28, s24, $0xb8;
	[tilespmem:$0x1C280] =	vst v63  }
.Ltmp2:
0xaa: {  	_ = 	snop;
	(pc) =	sbr.rel @p2 .LBB2_6-.Ltmp2, $4  }
0xab: {  	_ =	swait.ge [sflag:s2], $0x80  }
0xac: {  	[sflag:s2] =	ssyncset.done $0x0  }
0xad: {  	[sflag:s2] =	ssyncadd.s32 $0xFFFFFF80  }
0xae: {  	_ =	swait.ge [sflag:s2], $0x80  }
0xaf: {  	[sflag:s2] =	ssyncset.done $0x0  }
0xb0: {  	[sflag:s2] =	ssyncadd.s32 $0xFFFFFF80  }
0xb1: {  	[tilespmem:s25], [sflag:$0x1] =	stream.indirect.gather [hbm4b:s1+s24], $0x80, s4, s24, $0xb8;
	[tilespmem:$0x1C280] =	vst v63  }
0xb2: {  	_ =	swait.ge [sflag:s26], $0x4000  }
0xb3: {  	[sflag:s26] =	ssyncset.done $0x0  }
0xb4: {  	[sflag:s26] =	ssyncadd.s32 $0xFFFFC000  }
0xb5: {  	_ =	swait.ge [sflag:s9], $0x4000  }
0xb6: {  	s11 =	simm.s32 @!p1 $0x80;
	[sflag:s9] =	ssyncset.done $0x0  }
0xb7: {  	s13 =	simm.s32 @!p1 $0x100;
	s14 =	simm.s32 @!p1 $0x200;
	[sflag:s9] =	ssyncadd.s32 $0xFFFFC000  }
0xb8: {  	[spmem:s3] =	stream.indirect.scatter.add.f32 @!p1 [tilespmem:s14], [sflag:$0x7], $0x80, s13, s11, $0xb8;
	[tilespmem:$0x1C280] =	vst v63  }
0xb9: {  	s11 =	simm.s32 @!p1 $0x7  }
0xba: {  	_ =	swait.ge @!p1 [sflag:s11], $0x4000  }
0xbb: {  	[sflag:s11] =	ssyncset.done @!p1 $0x0  }
0xbc: {  	s13 =	stileid.u32;
	[sflag:s11] =	ssyncadd.s32 @!p1 $0xFFFFC000  }
0xbd: {  	s11 =	sshll.u32 s13, $0x6;
	[bflag:$0x0] =	sbarrier.arrive $0xFFFF  }
0xbe: {  	s14 =	sshrl.u32 s7, $0x3;
	s11 =	sor.u32 $0x1C07, s11;
	s20 =	rddreg [dreg:$0x6]  }
0xbf: {  	[hbm:s20], [sflag:s11] =	dma.local [spmem:s14], $0x2700  }
0xc0: {  	_ =	swait.ge [sflag:s22], $0x2700  }
0xc1: {  	[sflag:s22] =	ssyncset.done $0x0  }
0xc2: {  	s13 =	sshrl.u32 @!p0 s8, $0x3;
	s14 =	rddreg [dreg:$0x7];
	[sflag:s22] =	ssyncadd.s32 $0xFFFFD900  }
0xc3: {  	[hbm:s14], [sflag:s11] =	dma.local @!p0 [spmem:s13], $0x100  }
0xc4: {  	s11 =	simm.s32 @!p0 $0x7  }
0xc5: {  	_ =	swait.ge @!p0 [sflag:s11], $0x100  }
0xc6: {  	s10 =	sadd.s32 $0x1, s10;
	s20 =	rddreg [dreg:$0x8]  }
0xc7: {  	p2 =	sne.s32 s10, s20  }
.Ltmp3:
0xc8: {  	_ = 	snop;
	(pc) =	sbr.rel @p2 .LBB2_1-.Ltmp3, $3  }
0xc9: {  	_ =	sdelay $0x1  }
0xca: {  	[sflag:s11] =	ssyncset.done @!p0 $0x0  }
0xcb: {  	[sflag:s11] =	ssyncadd.s32 @!p0 $0xFFFFFF00  }
0xcc: {  	_ =	sfence.sel $0x180000  }
0xcd: {  	[bflag:$0x0] =	sbarrier.arrive $0xFFFF  }
0xce: {  	_ =	strace $0x90000047  }
0xcf: {  	s0 =	stileid.u32;
	[bflag:$0x2] =	sbarrier.arrive $0xFFFF  }
0xd0: {  	p0 =	sne.s32 s0, $0x0;
	s0 =	rddreg [dreg:$0x3]  }
0xd1: {  	s0 =	sadd.s32 @!p0 $0x100000, s0  }
0xd2: {  	[sflag:s0] =	ssyncadd.tile.s32 @!p0 $0x1;
	_ =	shalt  }
.Lfunc_end2:
_tile_overlayer_lowered:
.L_overlay_start_2:
0xd3: {  	(tag) =	ssettag $0x2  }
0xd4: {  	s0 =	rddreg [dreg:$0x0];
	s2 =	stileid.u32  }
0xd5: {  	s1 =	rddreg [dreg:$0x1];
	p0 =	sne.s32 s2, $0x0  }
0xd6: {  	s3 =	rddreg [dreg:$0x2];
	[bflag:$0x3] =	sbarrier.arrive $0xFFFF;
	s2 =	simm.s32 @!p0 $0x1C07  }
0xd7: {  	[timem:s3], [sflag:s2] =	dma.local @!p0 [hbm:s0], s1  }
0xd8: {  	s0 =	simm.s32 @!p0 $0x7  }
0xd9: {  	_ =	swait.ge @!p0 [sflag:s0], s1  }
0xda: {  	s1 =	ssub.s32 @!p0 $0x0, s1;
	[sflag:s0] =	ssyncset.done @!p0 $0x0  }
0xdb: {  	[sflag:s0] =	ssyncadd.s32 @!p0 s1  }
0xdc: {  	[bflag:$0x3] =	sbarrier.arrive $0xFFFF  }
0xdd: {  	_ =	shalt  }

</sc_bundles>
